<compile_context>
chip_gen: v7x
topology: tpu7x:2x2x1
jax: 0.10.2.dev20260603
libtpu: 0.0.44.dev20260713+nightly
codegen_flags: <defaults>
</compile_context>

<pallas_src>
import functools

import jax
import jax.numpy as jnp
from jax import lax
from jax.experimental import pallas as pl
from jax.experimental.pallas import tpu as pltpu
from jax.experimental.pallas import tpu_sc as plsc

NC = 2
NS = 16
NW = NC * NS
LANES = 16
SUB = 8


def _sc_kernel(B, L, W_words, V_pad, HALF):
    cols_per_tile = B // NW
    n_groups = cols_per_tile // LANES
    n_blocks = L // SUB
    assert (n_blocks - 1) % 4 == 0

    mesh = plsc.VectorSubcoreMesh(
        core_axis_name="c", subcore_axis_name="s",
        num_cores=NC, num_subcores=NS)

    @functools.partial(
        pl.kernel,
        out_type=jax.ShapeDtypeStruct((B,), jnp.float32),
        mesh=mesh,
        scratch_types=[
            pltpu.VMEM((W_words,), jnp.int32),
            pltpu.VMEM((V_pad,), jnp.float32),
            pltpu.VMEM((4, SUB, 128), jnp.int32),
            pltpu.VMEM((cols_per_tile,), jnp.float32),
            pltpu.VMEM((LANES,), jnp.float32),
            pltpu.VMEM_SHARED((W_words,), jnp.int32),
            pltpu.VMEM_SHARED((V_pad,), jnp.float32),
            pltpu.SemaphoreType.DMA,
            pltpu.SemaphoreType.DMA,
            pltpu.SemaphoreType.DMA,
            pltpu.SemaphoreType.DMA,
            pltpu.SemaphoreType.DMA,
        ],
        compiler_params=pltpu.CompilerParams(needs_layout_passes=False),
    )
    def body(g2l_hbm, emb_hbm, rules_hbm, bias_hbm, out_hbm,
             g2l_v, emb_v, rules_c, out_v, bias_v, g2l_sh, emb_sh,
             sem, s0, s1, s2, s3):
        sems = (s0, s1, s2, s3)
        sid = lax.axis_index("s")
        wid = sid * NC + lax.axis_index("c")
        col0 = wid * cols_per_tile

        @pl.when(sid == 0)
        def _():
            pltpu.async_copy(g2l_hbm, g2l_sh, sem).wait()

        @pl.when(sid == 1)
        def _():
            pltpu.async_copy(emb_hbm, emb_sh, sem).wait()

        c4 = pltpu.async_copy(bias_hbm, bias_v, sem)
        plsc.subcore_barrier()
        c1 = pltpu.async_copy(g2l_sh, g2l_v, sem)
        c2 = pltpu.async_copy(emb_sh, emb_v, sem)

        def fetch(blk, buf, s):
            return pltpu.async_copy(
                rules_hbm.at[pl.ds(blk * SUB, SUB), pl.ds(col0, 128)],
                rules_c.at[buf], s)

        fetch(0, 0, sems[0])
        fetch(1, 1, sems[1])
        fetch(2, 2, sems[2])

        c1.wait()
        c2.wait()
        c4.wait()

        def sq16(r):
            in_hi = r >= HALF
            word_idx = jnp.where(in_hi, r - HALF, r)
            w = plsc.load_gather(g2l_v, [word_idx])
            hi = jnp.bitwise_and(jnp.right_shift(w, 16), 0xFFFF)
            lo = jnp.bitwise_and(w, 0xFFFF)
            local = jnp.where(in_hi, hi, lo)
            v = plsc.load_gather(emb_v, [local])
            return v * v

        def block_acc(buf, accs):
            ref = rules_c.at[buf]

            def lbody(l, a):
                return tuple(
                    a[g] + sq16(ref[l, pl.ds(g * LANES, LANES)])
                    for g in range(n_groups))

            return lax.fori_loop(0, SUB, lbody, accs)

        def drain(blk, buf, s):
            pltpu.make_async_copy(
                rules_hbm.at[pl.ds(blk * SUB, SUB), pl.ds(col0, 128)],
                rules_c.at[buf], s).wait()

        def quad(i, accs):
            base = 4 * i
            for k in range(4):
                drain(base + k, k, sems[k])

                @pl.when(base + k + 3 < n_blocks)
                def _(k=k):
                    fetch(base + k + 3, (k + 3) % 4, sems[(k + 3) % 4])

                accs = block_acc(k, accs)
            return accs

        zeros = tuple(jnp.zeros((LANES,), jnp.float32) for _ in range(n_groups))
        accs = lax.fori_loop(0, (n_blocks - 1) // 4, quad, zeros)

        drain(n_blocks - 1, 0, sems[0])
        accs = block_acc(0, accs)

        bias_vec = bias_v[...]
        for g in range(n_groups):
            out_v[pl.ds(g * LANES, LANES)] = accs[g] + bias_vec
        pltpu.sync_copy(out_v, out_hbm.at[pl.ds(col0, cols_per_tile)])

    return body


def kernel(rules, global_to_local, emb_weight, bias):
    B, L = rules.shape
    V = emb_weight.shape[0]
    G = global_to_local.shape[0]

    gp = global_to_local.astype(jnp.int32)
    half = (G + 1) // 2
    packed = jnp.bitwise_or(gp[:half], jnp.left_shift(gp[half:2 * half], 16))
    W_words = (half + 15) // 16 * 16
    packed = jnp.pad(packed, (0, W_words - half))

    V_pad = (V + 15) // 16 * 16
    emb_p = jnp.pad(emb_weight.reshape(-1), (0, V_pad - V))

    bias_vec = jnp.broadcast_to(bias.reshape(()), (LANES,)).astype(jnp.float32)
    rules_t = rules.astype(jnp.int32).T

    out = _sc_kernel(B, L, W_words, V_pad, half)(packed, emb_p, rules_t, bias_vec)
    return out.reshape(B, 1)

# --- scband reference (transcript-rebuilt; emitter-appended) ---
"""Pipeline reference for scband-linear-aggregator-1408749273404 (READ-ONLY COPY).

The authoritative reference and input builder live on the scoring server;
editing this copy changes nothing except your own understanding.
"""

import jax, jax.numpy as jnp
import numpy as np

PAD_TOK = 100001          # global pad token id (MAX_RULE_ID + 1)
NUM_RULES = 50000         # rules belonging to this relation
BATCH = 4096
L = 200


def setup_inputs(seed: int = 0) -> dict:
    key = jax.random.key(seed)
    k1, k2, k3 = jax.random.split(key, 3)
    # global rule ids observed per (example, grounding) slot; many map to pad
    rules = jax.random.randint(k1, (BATCH, L), 0, PAD_TOK + 1)
    # global -> local remap table (buffer 'global_to_local' in the torch module)
    g2l = np.full((PAD_TOK + 1,), NUM_RULES, dtype=np.int32)  # pad_local_tok = NUM_RULES
    relation_rule_ids = np.arange(1, 2 * NUM_RULES + 1, 2, dtype=np.int64)  # sorted subset of global ids
    g2l[relation_rule_ids] = np.arange(NUM_RULES, dtype=np.int32)
    global_to_local = jnp.asarray(g2l)
    # rule confidence embedding table [NUM_RULES+1, 1]; padding row is zero.
    # sign_constraint=True means weights store sqrt(conf) and forward squares them.
    confs = jax.random.uniform(k2, (NUM_RULES + 1, 1), dtype=jnp.float32)
    emb_weight = jnp.sqrt(jnp.clip(confs, 0.0, None))
    emb_weight = emb_weight.at[NUM_RULES].set(0.0)
    fan_in = NUM_RULES
    bound = 1.0 / np.sqrt(fan_in)
    bias = jax.random.uniform(k3, (1, 1), minval=-bound, maxval=bound, dtype=jnp.float32)
    return {"rules": rules, "global_to_local": global_to_local, "emb_weight": emb_weight, "bias": bias}


def reference(rules, global_to_local, emb_weight, bias):
    pad_local = emb_weight.shape[0] - 1
    local = jnp.take(global_to_local, rules)                 # [B, L] gather (remap)
    mask = local == pad_local                                 # [B, L]
    e = jnp.take(emb_weight, local, axis=0)                   # [B, L, 1] embedding gather
    e = jnp.where(mask[:, :, None], jnp.float32(0.0), e)      # masked_fill_
    e = e * e                                                 # sign_constraint squaring
    logits = jnp.sum(e, axis=1) + bias                        # [B, 1]
    return logits

if __name__ == "__main__":
    import jax
    _d = setup_inputs()
    print(jax.jit(kernel)(*tuple(_d.values())))

</pallas_src>

<mosaic_0001>
#map = affine_map<(d0, d1) -> (0)>
#map1 = affine_map<(d0, d1) -> (0, 0)>
module attributes {stable_mosaic.version = 14 : i64} {
  func.func @body(%arg0: i32, %arg1: i32, %arg2: memref<50016xi32, #tpu.memory_space<hbm>>, %arg3: memref<50016xf32, #tpu.memory_space<hbm>>, %arg4: memref<200x4096xi32, #tpu.memory_space<hbm>>, %arg5: memref<16xf32, #tpu.memory_space<hbm>>, %arg6: memref<4096xf32, #tpu.memory_space<hbm>>, %arg7: memref<50016xi32, #tpu.memory_space<vmem>>, %arg8: memref<50016xf32, #tpu.memory_space<vmem>>, %arg9: memref<4x8x128xi32, #tpu.memory_space<vmem>>, %arg10: memref<128xf32, #tpu.memory_space<vmem>>, %arg11: memref<16xf32, #tpu.memory_space<vmem>>, %arg12: memref<50016xi32, #tpu.memory_space<vmem_shared>>, %arg13: memref<50016xf32, #tpu.memory_space<vmem_shared>>, %arg14: memref<!tpu.dma_semaphore, #tpu.memory_space<semaphore_mem>>, %arg15: memref<!tpu.dma_semaphore, #tpu.memory_space<semaphore_mem>>, %arg16: memref<!tpu.dma_semaphore, #tpu.memory_space<semaphore_mem>>, %arg17: memref<!tpu.dma_semaphore, #tpu.memory_space<semaphore_mem>>, %arg18: memref<!tpu.dma_semaphore, #tpu.memory_space<semaphore_mem>>) attributes {dimension_semantics = [#tpu.dimension_semantics<core_parallel>, #tpu.dimension_semantics<subcore_parallel>], iteration_bounds = array<i64: 2, 16>, scalar_prefetch = 0 : i64, scratch_operands = 12 : i64, tpu.core_type = #tpu.core_type<sc_vector_subcore>, window_params = [{transform_indices = #map}, {transform_indices = #map}, {transform_indices = #map1}, {transform_indices = #map}, {transform_indices = #map}]} {
    %mul3A = arith.constant 2 : i32
    %mul3A_0 = arith.muli %arg1, %mul3A : i32
    %add3A = arith.addi %mul3A_0, %arg0 : i32
    %mul3A_1 = arith.constant 128 : i32
    %mul3A_2 = arith.muli %add3A, %mul3A_1 : i32
    %eq3A = arith.constant 0 : i32
    %eq3A_3 = arith.cmpi eq, %arg1, %eq3A : i32
    %convert_element_type3A = arith.extui %eq3A_3 : i1 to i32
    %cond3A = arith.constant 0 : i32
    %cond3A_4 = arith.cmpi ne, %convert_element_type3A, %cond3A : i32
    scf.if %cond3A_4 {
      tpu.enqueue_dma source(%arg2 : memref<50016xi32, #tpu.memory_space<hbm>>) target(%arg12 : memref<50016xi32, #tpu.memory_space<vmem_shared>>) target_semaphore(%arg14 : memref<!tpu.dma_semaphore, #tpu.memory_space<semaphore_mem>>)
      tpu.wait_dma2 semaphore(%arg14 : memref<!tpu.dma_semaphore, #tpu.memory_space<semaphore_mem>>) src(%arg2 : memref<50016xi32, #tpu.memory_space<hbm>>) dst(%arg12 : memref<50016xi32, #tpu.memory_space<vmem_shared>>)
    } else {
    }
    %eq3A_5 = arith.constant 1 : i32
    %eq3A_6 = arith.cmpi eq, %arg1, %eq3A_5 : i32
    %convert_element_type3A_7 = arith.extui %eq3A_6 : i1 to i32
    %cond3A_8 = arith.constant 0 : i32
    %cond3A_9 = arith.cmpi ne, %convert_element_type3A_7, %cond3A_8 : i32
    scf.if %cond3A_9 {
      tpu.enqueue_dma source(%arg3 : memref<50016xf32, #tpu.memory_space<hbm>>) target(%arg13 : memref<50016xf32, #tpu.memory_space<vmem_shared>>) target_semaphore(%arg14 : memref<!tpu.dma_semaphore, #tpu.memory_space<semaphore_mem>>)
      tpu.wait_dma2 semaphore(%arg14 : memref<!tpu.dma_semaphore, #tpu.memory_space<semaphore_mem>>) src(%arg3 : memref<50016xf32, #tpu.memory_space<hbm>>) dst(%arg13 : memref<50016xf32, #tpu.memory_space<vmem_shared>>)
    } else {
    }
    tpu.enqueue_dma source(%arg5 : memref<16xf32, #tpu.memory_space<hbm>>) target(%arg11 : memref<16xf32, #tpu.memory_space<vmem>>) target_semaphore(%arg14 : memref<!tpu.dma_semaphore, #tpu.memory_space<semaphore_mem>>)
    %barrier3A = arith.constant 0 : index
    tpu.barrier barrier_id(%barrier3A)
    tpu.enqueue_dma source(%arg12 : memref<50016xi32, #tpu.memory_space<vmem_shared>>) target(%arg7 : memref<50016xi32, #tpu.memory_space<vmem>>) target_semaphore(%arg14 : memref<!tpu.dma_semaphore, #tpu.memory_space<semaphore_mem>>)
    tpu.enqueue_dma source(%arg13 : memref<50016xf32, #tpu.memory_space<vmem_shared>>) target(%arg8 : memref<50016xf32, #tpu.memory_space<vmem>>) target_semaphore(%arg14 : memref<!tpu.dma_semaphore, #tpu.memory_space<semaphore_mem>>)
    %dma_start3A = arith.constant 0 : i32
    %dma_start3A_10 = arith.constant 0 : i32
    %dma_start3A_11 = arith.constant 0 : i32
    %dma_start3A_12 = tpu.memref_slice %arg9[%dma_start3A, %dma_start3A_10, %dma_start3A_11] : memref<4x8x128xi32, #tpu.memory_space<vmem>> -> memref<1x8x128xi32, #tpu.memory_space<vmem>>
    %dma_start3A_13 = tpu.memref_squeeze %dma_start3A_12 : memref<1x8x128xi32, #tpu.memory_space<vmem>> -> memref<8x128xi32, #tpu.memory_space<vmem>>
    %dma_start3A_14 = arith.constant 0 : i32
    %dma_start3A_15 = tpu.memref_slice %arg4[%dma_start3A_14, %mul3A_2] : memref<200x4096xi32, #tpu.memory_space<hbm>> -> memref<8x128xi32, #tpu.memory_space<hbm>>
    %dma_start3A_16 = arith.constant 0 : i32
    %dma_start3A_17 = arith.constant 0 : i32
    %dma_start3A_18 = tpu.memref_slice %arg9[%dma_start3A, %dma_start3A_16, %dma_start3A_17] : memref<4x8x128xi32, #tpu.memory_space<vmem>> -> memref<1x8x128xi32, #tpu.memory_space<vmem>>
    %dma_start3A_19 = tpu.memref_squeeze %dma_start3A_18 : memref<1x8x128xi32, #tpu.memory_space<vmem>> -> memref<8x128xi32, #tpu.memory_space<vmem>>
    %dma_start3A_20 = arith.constant 0 : i32
    %dma_start3A_21 = tpu.memref_slice %arg4[%dma_start3A_20, %mul3A_2] : memref<200x4096xi32, #tpu.memory_space<hbm>> -> memref<8x128xi32, #tpu.memory_space<hbm>>
    tpu.enqueue_dma source(%dma_start3A_21 : memref<8x128xi32, #tpu.memory_space<hbm>>) target(%dma_start3A_19 : memref<8x128xi32, #tpu.memory_space<vmem>>) target_semaphore(%arg15 : memref<!tpu.dma_semaphore, #tpu.memory_space<semaphore_mem>>)
    %dma_start3A_22 = arith.constant 1 : i32
    %dma_start3A_23 = arith.constant 0 : i32
    %dma_start3A_24 = arith.constant 0 : i32
    %dma_start3A_25 = tpu.memref_slice %arg9[%dma_start3A_22, %dma_start3A_23, %dma_start3A_24] : memref<4x8x128xi32, #tpu.memory_space<vmem>> -> memref<1x8x128xi32, #tpu.memory_space<vmem>>
    %dma_start3A_26 = tpu.memref_squeeze %dma_start3A_25 : memref<1x8x128xi32, #tpu.memory_space<vmem>> -> memref<8x128xi32, #tpu.memory_space<vmem>>
    %dma_start3A_27 = arith.constant 8 : i32
    %dma_start3A_28 = tpu.memref_slice %arg4[%dma_start3A_27, %mul3A_2] : memref<200x4096xi32, #tpu.memory_space<hbm>> -> memref<8x128xi32, #tpu.memory_space<hbm>>
    %dma_start3A_29 = arith.constant 0 : i32
    %dma_start3A_30 = arith.constant 0 : i32
    %dma_start3A_31 = tpu.memref_slice %arg9[%dma_start3A_22, %dma_start3A_29, %dma_start3A_30] : memref<4x8x128xi32, #tpu.memory_space<vmem>> -> memref<1x8x128xi32, #tpu.memory_space<vmem>>
    %dma_start3A_32 = tpu.memref_squeeze %dma_start3A_31 : memref<1x8x128xi32, #tpu.memory_space<vmem>> -> memref<8x128xi32, #tpu.memory_space<vmem>>
    %dma_start3A_33 = arith.constant 8 : i32
    %dma_start3A_34 = tpu.memref_slice %arg4[%dma_start3A_33, %mul3A_2] : memref<200x4096xi32, #tpu.memory_space<hbm>> -> memref<8x128xi32, #tpu.memory_space<hbm>>
    tpu.enqueue_dma source(%dma_start3A_34 : memref<8x128xi32, #tpu.memory_space<hbm>>) target(%dma_start3A_32 : memref<8x128xi32, #tpu.memory_space<vmem>>) target_semaphore(%arg16 : memref<!tpu.dma_semaphore, #tpu.memory_space<semaphore_mem>>)
    %dma_start3A_35 = arith.constant 2 : i32
    %dma_start3A_36 = arith.constant 0 : i32
    %dma_start3A_37 = arith.constant 0 : i32
    %dma_start3A_38 = tpu.memref_slice %arg9[%dma_start3A_35, %dma_start3A_36, %dma_start3A_37] : memref<4x8x128xi32, #tpu.memory_space<vmem>> -> memref<1x8x128xi32, #tpu.memory_space<vmem>>
    %dma_start3A_39 = tpu.memref_squeeze %dma_start3A_38 : memref<1x8x128xi32, #tpu.memory_space<vmem>> -> memref<8x128xi32, #tpu.memory_space<vmem>>
    %dma_start3A_40 = arith.constant 16 : i32
    %dma_start3A_41 = tpu.memref_slice %arg4[%dma_start3A_40, %mul3A_2] : memref<200x4096xi32, #tpu.memory_space<hbm>> -> memref<8x128xi32, #tpu.memory_space<hbm>>
    %dma_start3A_42 = arith.constant 0 : i32
    %dma_start3A_43 = arith.constant 0 : i32
    %dma_start3A_44 = tpu.memref_slice %arg9[%dma_start3A_35, %dma_start3A_42, %dma_start3A_43] : memref<4x8x128xi32, #tpu.memory_space<vmem>> -> memref<1x8x128xi32, #tpu.memory_space<vmem>>
    %dma_start3A_45 = tpu.memref_squeeze %dma_start3A_44 : memref<1x8x128xi32, #tpu.memory_space<vmem>> -> memref<8x128xi32, #tpu.memory_space<vmem>>
    %dma_start3A_46 = arith.constant 16 : i32
    %dma_start3A_47 = tpu.memref_slice %arg4[%dma_start3A_46, %mul3A_2] : memref<200x4096xi32, #tpu.memory_space<hbm>> -> memref<8x128xi32, #tpu.memory_space<hbm>>
    tpu.enqueue_dma source(%dma_start3A_47 : memref<8x128xi32, #tpu.memory_space<hbm>>) target(%dma_start3A_45 : memref<8x128xi32, #tpu.memory_space<vmem>>) target_semaphore(%arg17 : memref<!tpu.dma_semaphore, #tpu.memory_space<semaphore_mem>>)
    tpu.wait_dma2 semaphore(%arg14 : memref<!tpu.dma_semaphore, #tpu.memory_space<semaphore_mem>>) src(%arg12 : memref<50016xi32, #tpu.memory_space<vmem_shared>>) dst(%arg7 : memref<50016xi32, #tpu.memory_space<vmem>>)
    tpu.wait_dma2 semaphore(%arg14 : memref<!tpu.dma_semaphore, #tpu.memory_space<semaphore_mem>>) src(%arg13 : memref<50016xf32, #tpu.memory_space<vmem_shared>>) dst(%arg8 : memref<50016xf32, #tpu.memory_space<vmem>>)
    tpu.wait_dma2 semaphore(%arg14 : memref<!tpu.dma_semaphore, #tpu.memory_space<semaphore_mem>>) src(%arg5 : memref<16xf32, #tpu.memory_space<hbm>>) dst(%arg11 : memref<16xf32, #tpu.memory_space<vmem>>)
    %broadcast_in_dim3A = arith.constant 0.000000e+00 : f32
    %broadcast_in_dim3A_48 = vector.broadcast %broadcast_in_dim3A : f32 to vector<16xf32>
    %broadcast_in_dim3A_49 = arith.constant 0.000000e+00 : f32
    %broadcast_in_dim3A_50 = vector.broadcast %broadcast_in_dim3A_49 : f32 to vector<16xf32>
    %broadcast_in_dim3A_51 = arith.constant 0.000000e+00 : f32
    %broadcast_in_dim3A_52 = vector.broadcast %broadcast_in_dim3A_51 : f32 to vector<16xf32>
    %broadcast_in_dim3A_53 = arith.constant 0.000000e+00 : f32
    %broadcast_in_dim3A_54 = vector.broadcast %broadcast_in_dim3A_53 : f32 to vector<16xf32>
    %broadcast_in_dim3A_55 = arith.constant 0.000000e+00 : f32
    %broadcast_in_dim3A_56 = vector.broadcast %broadcast_in_dim3A_55 : f32 to vector<16xf32>
    %broadcast_in_dim3A_57 = arith.constant 0.000000e+00 : f32
    %broadcast_in_dim3A_58 = vector.broadcast %broadcast_in_dim3A_57 : f32 to vector<16xf32>
    %broadcast_in_dim3A_59 = arith.constant 0.000000e+00 : f32
    %broadcast_in_dim3A_60 = vector.broadcast %broadcast_in_dim3A_59 : f32 to vector<16xf32>
    %broadcast_in_dim3A_61 = arith.constant 0.000000e+00 : f32
    %broadcast_in_dim3A_62 = vector.broadcast %broadcast_in_dim3A_61 : f32 to vector<16xf32>
    %scan3A = arith.constant 0 : i32
    %scan3A_63 = arith.constant 6 : i32
    %scan3A_64 = arith.addi %scan3A, %scan3A_63 : i32
    %scan3A_65 = arith.constant 1 : i32
    %scan3A_66:8 = scf.for %scan3A_111 = %scan3A to %scan3A_64 step %scan3A_65 iter_args(%scan3A_112 = %broadcast_in_dim3A_48, %scan3A_113 = %broadcast_in_dim3A_50, %scan3A_114 = %broadcast_in_dim3A_52, %scan3A_115 = %broadcast_in_dim3A_54, %scan3A_116 = %broadcast_in_dim3A_56, %scan3A_117 = %broadcast_in_dim3A_58, %scan3A_118 = %broadcast_in_dim3A_60, %scan3A_119 = %broadcast_in_dim3A_62) -> (vector<16xf32>, vector<16xf32>, vector<16xf32>, vector<16xf32>, vector<16xf32>, vector<16xf32>, vector<16xf32>, vector<16xf32>)  : i32 {
      %mul3A_120 = arith.constant 4 : i32
      %mul3A_121 = arith.muli %mul3A_120, %scan3A_111 : i32
      %add3A_122 = arith.constant 0 : i32
      %add3A_123 = arith.addi %mul3A_121, %add3A_122 : i32
      %mul3A_124 = arith.constant 8 : i32
      %mul3A_125 = arith.muli %add3A_123, %mul3A_124 : i32
      %dma_wait3A_126 = arith.constant 0 : i32
      %dma_wait3A_127 = arith.constant 0 : i32
      %dma_wait3A_128 = arith.constant 0 : i32
      %dma_wait3A_129 = tpu.memref_slice %arg9[%dma_wait3A_126, %dma_wait3A_127, %dma_wait3A_128] : memref<4x8x128xi32, #tpu.memory_space<vmem>> -> memref<1x8x128xi32, #tpu.memory_space<vmem>>
      %dma_wait3A_130 = tpu.memref_squeeze %dma_wait3A_129 : memref<1x8x128xi32, #tpu.memory_space<vmem>> -> memref<8x128xi32, #tpu.memory_space<vmem>>
      %dma_wait3A_131 = tpu.memref_slice %arg4[%mul3A_125, %mul3A_2] : memref<200x4096xi32, #tpu.memory_space<hbm>> -> memref<8x128xi32, #tpu.memory_space<hbm>>
      %dma_wait3A_132 = arith.constant 0 : i32
      %dma_wait3A_133 = arith.constant 0 : i32
      %dma_wait3A_134 = tpu.memref_slice %arg9[%dma_wait3A_126, %dma_wait3A_132, %dma_wait3A_133] : memref<4x8x128xi32, #tpu.memory_space<vmem>> -> memref<1x8x128xi32, #tpu.memory_space<vmem>>
      %dma_wait3A_135 = tpu.memref_squeeze %dma_wait3A_134 : memref<1x8x128xi32, #tpu.memory_space<vmem>> -> memref<8x128xi32, #tpu.memory_space<vmem>>
      %dma_wait3A_136 = tpu.memref_slice %arg4[%mul3A_125, %mul3A_2] : memref<200x4096xi32, #tpu.memory_space<hbm>> -> memref<8x128xi32, #tpu.memory_space<hbm>>
      tpu.wait_dma2 semaphore(%arg15 : memref<!tpu.dma_semaphore, #tpu.memory_space<semaphore_mem>>) src(%dma_wait3A_136 : memref<8x128xi32, #tpu.memory_space<hbm>>) dst(%dma_wait3A_135 : memref<8x128xi32, #tpu.memory_space<vmem>>)
      %add3A_137 = arith.constant 0 : i32
      %add3A_138 = arith.addi %mul3A_121, %add3A_137 : i32
      %add3A_139 = arith.constant 3 : i32
      %add3A_140 = arith.addi %add3A_138, %add3A_139 : i32
      %lt3A = arith.constant 25 : i32
      %lt3A_141 = arith.cmpi slt, %add3A_140, %lt3A : i32
      %convert_element_type3A_142 = arith.extui %lt3A_141 : i1 to i32
      %cond3A_143 = arith.constant 0 : i32
      %cond3A_144 = arith.cmpi ne, %convert_element_type3A_142, %cond3A_143 : i32
      scf.if %cond3A_144 {
        %add3A_245 = arith.constant 0 : i32
        %add3A_246 = arith.addi %mul3A_121, %add3A_245 : i32
        %add3A_247 = arith.constant 3 : i32
        %add3A_248 = arith.addi %add3A_246, %add3A_247 : i32
        %mul3A_249 = arith.constant 8 : i32
        %mul3A_250 = arith.muli %add3A_248, %mul3A_249 : i32
        %dma_start3A_251 = arith.constant 3 : i32
        %dma_start3A_252 = arith.constant 0 : i32
        %dma_start3A_253 = arith.constant 0 : i32
        %dma_start3A_254 = tpu.memref_slice %arg9[%dma_start3A_251, %dma_start3A_252, %dma_start3A_253] : memref<4x8x128xi32, #tpu.memory_space<vmem>> -> memref<1x8x128xi32, #tpu.memory_space<vmem>>
        %dma_start3A_255 = tpu.memref_squeeze %dma_start3A_254 : memref<1x8x128xi32, #tpu.memory_space<vmem>> -> memref<8x128xi32, #tpu.memory_space<vmem>>
        %dma_start3A_256 = tpu.memref_slice %arg4[%mul3A_250, %mul3A_2] : memref<200x4096xi32, #tpu.memory_space<hbm>> -> memref<8x128xi32, #tpu.memory_space<hbm>>
        %dma_start3A_257 = arith.constant 0 : i32
        %dma_start3A_258 = arith.constant 0 : i32
        %dma_start3A_259 = tpu.memref_slice %arg9[%dma_start3A_251, %dma_start3A_257, %dma_start3A_258] : memref<4x8x128xi32, #tpu.memory_space<vmem>> -> memref<1x8x128xi32, #tpu.memory_space<vmem>>
        %dma_start3A_260 = tpu.memref_squeeze %dma_start3A_259 : memref<1x8x128xi32, #tpu.memory_space<vmem>> -> memref<8x128xi32, #tpu.memory_space<vmem>>
        %dma_start3A_261 = tpu.memref_slice %arg4[%mul3A_250, %mul3A_2] : memref<200x4096xi32, #tpu.memory_space<hbm>> -> memref<8x128xi32, #tpu.memory_space<hbm>>
        tpu.enqueue_dma source(%dma_start3A_261 : memref<8x128xi32, #tpu.memory_space<hbm>>) target(%dma_start3A_260 : memref<8x128xi32, #tpu.memory_space<vmem>>) target_semaphore(%arg18 : memref<!tpu.dma_semaphore, #tpu.memory_space<semaphore_mem>>)
      } else {
      }
      %scan3A_145 = arith.constant 0 : i32
      %scan3A_146 = arith.constant 0 : i32
      %scan3A_147 = arith.constant 8 : i32
      %scan3A_148 = arith.addi %scan3A_146, %scan3A_147 : i32
      %scan3A_149 = arith.constant 1 : i32
      %scan3A_150:8 = scf.for %scan3A_245 = %scan3A_146 to %scan3A_148 step %scan3A_149 iter_args(%scan3A_246 = %scan3A_112, %scan3A_247 = %scan3A_113, %scan3A_248 = %scan3A_114, %scan3A_249 = %scan3A_115, %scan3A_250 = %scan3A_116, %scan3A_251 = %scan3A_117, %scan3A_252 = %scan3A_118, %scan3A_253 = %scan3A_119) -> (vector<16xf32>, vector<16xf32>, vector<16xf32>, vector<16xf32>, vector<16xf32>, vector<16xf32>, vector<16xf32>, vector<16xf32>)  : i32 {
        %get3A_254 = arith.constant 0 : i32
        %get3A_255 = arith.constant 0 : i32
        %get3A_256 = tpu.memref_slice %arg9[%scan3A_145, %get3A_254, %get3A_255] : memref<4x8x128xi32, #tpu.memory_space<vmem>> -> memref<1x8x128xi32, #tpu.memory_space<vmem>>
        %get3A_257 = tpu.memref_squeeze %get3A_256 : memref<1x8x128xi32, #tpu.memory_space<vmem>> -> memref<8x128xi32, #tpu.memory_space<vmem>>
        %get3A_258 = arith.index_cast %scan3A_245 : i32 to index
        %get3A_259 = arith.constant 0 : index
        %get3A_260 = tpu.vector_load %get3A_257[%get3A_258, %get3A_259] {strides = array<i32>} : memref<8x128xi32, #tpu.memory_space<vmem>>, vector<16xi32>,
        %ge3A = arith.constant 50001 : i32
        %ge3A_261 = vector.broadcast %ge3A : i32 to vector<16xi32>
        %ge3A_262 = arith.cmpi sge, %get3A_260, %ge3A_261 : vector<16xi32>
        %sub3A = arith.constant 50001 : i32
        %sub3A_263 = vector.broadcast %sub3A : i32 to vector<16xi32>
        %sub3A_264 = arith.subi %get3A_260, %sub3A_263 : vector<16xi32>
        %select_n3A = arith.select %ge3A_262, %sub3A_264, %get3A_260 : vector<16xi1>, vector<16xi32>
        %gather3A = tpu.vector_load_idx %arg7[%select_n3A] : memref<50016xi32, #tpu.memory_space<vmem>>[vector<16xi32>], vector<16xi32>,
        %shift_right_arithmetic3A = arith.constant 16 : i32
        %shift_right_arithmetic3A_265 = vector.broadcast %shift_right_arithmetic3A : i32 to vector<16xi32>
        %shift_right_arithmetic3A_266 = arith.shrsi %gather3A, %shift_right_arithmetic3A_265 : vector<16xi32>
        %and3A = arith.constant 65535 : i32
        %and3A_267 = vector.broadcast %and3A : i32 to vector<16xi32>
        %and3A_268 = arith.andi %shift_right_arithmetic3A_266, %and3A_267 : vector<16xi32>
        %and3A_269 = arith.constant 65535 : i32
        %and3A_270 = vector.broadcast %and3A_269 : i32 to vector<16xi32>
        %and3A_271 = arith.andi %gather3A, %and3A_270 : vector<16xi32>
        %select_n3A_272 = arith.select %ge3A_262, %and3A_268, %and3A_271 : vector<16xi1>, vector<16xi32>
        %gather3A_273 = tpu.vector_load_idx %arg8[%select_n3A_272] : memref<50016xf32, #tpu.memory_space<vmem>>[vector<16xi32>], vector<16xf32>,
        %mul3A_274 = arith.mulf %gather3A_273, %gather3A_273 : vector<16xf32>
        %add3A_275 = arith.addf %scan3A_246, %mul3A_274 : vector<16xf32>
        %get3A_276 = arith.constant 0 : i32
        %get3A_277 = arith.constant 0 : i32
        %get3A_278 = tpu.memref_slice %arg9[%scan3A_145, %get3A_276, %get3A_277] : memref<4x8x128xi32, #tpu.memory_space<vmem>> -> memref<1x8x128xi32, #tpu.memory_space<vmem>>
        %get3A_279 = tpu.memref_squeeze %get3A_278 : memref<1x8x128xi32, #tpu.memory_space<vmem>> -> memref<8x128xi32, #tpu.memory_space<vmem>>
        %get3A_280 = arith.index_cast %scan3A_245 : i32 to index
        %get3A_281 = arith.constant 16 : index
        %get3A_282 = tpu.vector_load %get3A_279[%get3A_280, %get3A_281] {strides = array<i32>} : memref<8x128xi32, #tpu.memory_space<vmem>>, vector<16xi32>,
        %ge3A_283 = arith.constant 50001 : i32
        %ge3A_284 = vector.broadcast %ge3A_283 : i32 to vector<16xi32>
        %ge3A_285 = arith.cmpi sge, %get3A_282, %ge3A_284 : vector<16xi32>
        %sub3A_286 = arith.constant 50001 : i32
        %sub3A_287 = vector.broadcast %sub3A_286 : i32 to vector<16xi32>
        %sub3A_288 = arith.subi %get3A_282, %sub3A_287 : vector<16xi32>
        %select_n3A_289 = arith.select %ge3A_285, %sub3A_288, %get3A_282 : vector<16xi1>, vector<16xi32>
        %gather3A_290 = tpu.vector_load_idx %arg7[%select_n3A_289] : memref<50016xi32, #tpu.memory_space<vmem>>[vector<16xi32>], vector<16xi32>,
        %shift_right_arithmetic3A_291 = arith.constant 16 : i32
        %shift_right_arithmetic3A_292 = vector.broadcast %shift_right_arithmetic3A_291 : i32 to vector<16xi32>
        %shift_right_arithmetic3A_293 = arith.shrsi %gather3A_290, %shift_right_arithmetic3A_292 : vector<16xi32>
        %and3A_294 = arith.constant 65535 : i32
        %and3A_295 = vector.broadcast %and3A_294 : i32 to vector<16xi32>
        %and3A_296 = arith.andi %shift_right_arithmetic3A_293, %and3A_295 : vector<16xi32>
        %and3A_297 = arith.constant 65535 : i32
        %and3A_298 = vector.broadcast %and3A_297 : i32 to vector<16xi32>
        %and3A_299 = arith.andi %gather3A_290, %and3A_298 : vector<16xi32>
        %select_n3A_300 = arith.select %ge3A_285, %and3A_296, %and3A_299 : vector<16xi1>, vector<16xi32>
        %gather3A_301 = tpu.vector_load_idx %arg8[%select_n3A_300] : memref<50016xf32, #tpu.memory_space<vmem>>[vector<16xi32>], vector<16xf32>,
        %mul3A_302 = arith.mulf %gather3A_301, %gather3A_301 : vector<16xf32>
        %add3A_303 = arith.addf %scan3A_247, %mul3A_302 : vector<16xf32>
        %get3A_304 = arith.constant 0 : i32
        %get3A_305 = arith.constant 0 : i32
        %get3A_306 = tpu.memref_slice %arg9[%scan3A_145, %get3A_304, %get3A_305] : memref<4x8x128xi32, #tpu.memory_space<vmem>> -> memref<1x8x128xi32, #tpu.memory_space<vmem>>
        %get3A_307 = tpu.memref_squeeze %get3A_306 : memref<1x8x128xi32, #tpu.memory_space<vmem>> -> memref<8x128xi32, #tpu.memory_space<vmem>>
        %get3A_308 = arith.index_cast %scan3A_245 : i32 to index
        %get3A_309 = arith.constant 32 : index
        %get3A_310 = tpu.vector_load %get3A_307[%get3A_308, %get3A_309] {strides = array<i32>} : memref<8x128xi32, #tpu.memory_space<vmem>>, vector<16xi32>,
        %ge3A_311 = arith.constant 50001 : i32
        %ge3A_312 = vector.broadcast %ge3A_311 : i32 to vector<16xi32>
        %ge3A_313 = arith.cmpi sge, %get3A_310, %ge3A_312 : vector<16xi32>
        %sub3A_314 = arith.constant 50001 : i32
        %sub3A_315 = vector.broadcast %sub3A_314 : i32 to vector<16xi32>
        %sub3A_316 = arith.subi %get3A_310, %sub3A_315 : vector<16xi32>
        %select_n3A_317 = arith.select %ge3A_313, %sub3A_316, %get3A_310 : vector<16xi1>, vector<16xi32>
        %gather3A_318 = tpu.vector_load_idx %arg7[%select_n3A_317] : memref<50016xi32, #tpu.memory_space<vmem>>[vector<16xi32>], vector<16xi32>,
        %shift_right_arithmetic3A_319 = arith.constant 16 : i32
        %shift_right_arithmetic3A_320 = vector.broadcast %shift_right_arithmetic3A_319 : i32 to vector<16xi32>
        %shift_right_arithmetic3A_321 = arith.shrsi %gather3A_318, %shift_right_arithmetic3A_320 : vector<16xi32>
        %and3A_322 = arith.constant 65535 : i32
        %and3A_323 = vector.broadcast %and3A_322 : i32 to vector<16xi32>
        %and3A_324 = arith.andi %shift_right_arithmetic3A_321, %and3A_323 : vector<16xi32>
        %and3A_325 = arith.constant 65535 : i32
        %and3A_326 = vector.broadcast %and3A_325 : i32 to vector<16xi32>
        %and3A_327 = arith.andi %gather3A_318, %and3A_326 : vector<16xi32>
        %select_n3A_328 = arith.select %ge3A_313, %and3A_324, %and3A_327 : vector<16xi1>, vector<16xi32>
        %gather3A_329 = tpu.vector_load_idx %arg8[%select_n3A_328] : memref<50016xf32, #tpu.memory_space<vmem>>[vector<16xi32>], vector<16xf32>,
        %mul3A_330 = arith.mulf %gather3A_329, %gather3A_329 : vector<16xf32>
        %add3A_331 = arith.addf %scan3A_248, %mul3A_330 : vector<16xf32>
        %get3A_332 = arith.constant 0 : i32
        %get3A_333 = arith.constant 0 : i32
        %get3A_334 = tpu.memref_slice %arg9[%scan3A_145, %get3A_332, %get3A_333] : memref<4x8x128xi32, #tpu.memory_space<vmem>> -> memref<1x8x128xi32, #tpu.memory_space<vmem>>
        %get3A_335 = tpu.memref_squeeze %get3A_334 : memref<1x8x128xi32, #tpu.memory_space<vmem>> -> memref<8x128xi32, #tpu.memory_space<vmem>>
        %get3A_336 = arith.index_cast %scan3A_245 : i32 to index
        %get3A_337 = arith.constant 48 : index
        %get3A_338 = tpu.vector_load %get3A_335[%get3A_336, %get3A_337] {strides = array<i32>} : memref<8x128xi32, #tpu.memory_space<vmem>>, vector<16xi32>,
        %ge3A_339 = arith.constant 50001 : i32
        %ge3A_340 = vector.broadcast %ge3A_339 : i32 to vector<16xi32>
        %ge3A_341 = arith.cmpi sge, %get3A_338, %ge3A_340 : vector<16xi32>
        %sub3A_342 = arith.constant 50001 : i32
        %sub3A_343 = vector.broadcast %sub3A_342 : i32 to vector<16xi32>
        %sub3A_344 = arith.subi %get3A_338, %sub3A_343 : vector<16xi32>
        %select_n3A_345 = arith.select %ge3A_341, %sub3A_344, %get3A_338 : vector<16xi1>, vector<16xi32>
        %gather3A_346 = tpu.vector_load_idx %arg7[%select_n3A_345] : memref<50016xi32, #tpu.memory_space<vmem>>[vector<16xi32>], vector<16xi32>,
        %shift_right_arithmetic3A_347 = arith.constant 16 : i32
        %shift_right_arithmetic3A_348 = vector.broadcast %shift_right_arithmetic3A_347 : i32 to vector<16xi32>
        %shift_right_arithmetic3A_349 = arith.shrsi %gather3A_346, %shift_right_arithmetic3A_348 : vector<16xi32>
        %and3A_350 = arith.constant 65535 : i32
        %and3A_351 = vector.broadcast %and3A_350 : i32 to vector<16xi32>
        %and3A_352 = arith.andi %shift_right_arithmetic3A_349, %and3A_351 : vector<16xi32>
        %and3A_353 = arith.constant 65535 : i32
        %and3A_354 = vector.broadcast %and3A_353 : i32 to vector<16xi32>
        %and3A_355 = arith.andi %gather3A_346, %and3A_354 : vector<16xi32>
        %select_n3A_356 = arith.select %ge3A_341, %and3A_352, %and3A_355 : vector<16xi1>, vector<16xi32>
        %gather3A_357 = tpu.vector_load_idx %arg8[%select_n3A_356] : memref<50016xf32, #tpu.memory_space<vmem>>[vector<16xi32>], vector<16xf32>,
        %mul3A_358 = arith.mulf %gather3A_357, %gather3A_357 : vector<16xf32>
        %add3A_359 = arith.addf %scan3A_249, %mul3A_358 : vector<16xf32>
        %get3A_360 = arith.constant 0 : i32
        %get3A_361 = arith.constant 0 : i32
        %get3A_362 = tpu.memref_slice %arg9[%scan3A_145, %get3A_360, %get3A_361] : memref<4x8x128xi32, #tpu.memory_space<vmem>> -> memref<1x8x128xi32, #tpu.memory_space<vmem>>
        %get3A_363 = tpu.memref_squeeze %get3A_362 : memref<1x8x128xi32, #tpu.memory_space<vmem>> -> memref<8x128xi32, #tpu.memory_space<vmem>>
        %get3A_364 = arith.index_cast %scan3A_245 : i32 to index
        %get3A_365 = arith.constant 64 : index
        %get3A_366 = tpu.vector_load %get3A_363[%get3A_364, %get3A_365] {strides = array<i32>} : memref<8x128xi32, #tpu.memory_space<vmem>>, vector<16xi32>,
        %ge3A_367 = arith.constant 50001 : i32
        %ge3A_368 = vector.broadcast %ge3A_367 : i32 to vector<16xi32>
        %ge3A_369 = arith.cmpi sge, %get3A_366, %ge3A_368 : vector<16xi32>
        %sub3A_370 = arith.constant 50001 : i32
        %sub3A_371 = vector.broadcast %sub3A_370 : i32 to vector<16xi32>
        %sub3A_372 = arith.subi %get3A_366, %sub3A_371 : vector<16xi32>
        %select_n3A_373 = arith.select %ge3A_369, %sub3A_372, %get3A_366 : vector<16xi1>, vector<16xi32>
        %gather3A_374 = tpu.vector_load_idx %arg7[%select_n3A_373] : memref<50016xi32, #tpu.memory_space<vmem>>[vector<16xi32>], vector<16xi32>,
        %shift_right_arithmetic3A_375 = arith.constant 16 : i32
        %shift_right_arithmetic3A_376 = vector.broadcast %shift_right_arithmetic3A_375 : i32 to vector<16xi32>
        %shift_right_arithmetic3A_377 = arith.shrsi %gather3A_374, %shift_right_arithmetic3A_376 : vector<16xi32>
        %and3A_378 = arith.constant 65535 : i32
        %and3A_379 = vector.broadcast %and3A_378 : i32 to vector<16xi32>
        %and3A_380 = arith.andi %shift_right_arithmetic3A_377, %and3A_379 : vector<16xi32>
        %and3A_381 = arith.constant 65535 : i32
        %and3A_382 = vector.broadcast %and3A_381 : i32 to vector<16xi32>
        %and3A_383 = arith.andi %gather3A_374, %and3A_382 : vector<16xi32>
        %select_n3A_384 = arith.select %ge3A_369, %and3A_380, %and3A_383 : vector<16xi1>, vector<16xi32>
        %gather3A_385 = tpu.vector_load_idx %arg8[%select_n3A_384] : memref<50016xf32, #tpu.memory_space<vmem>>[vector<16xi32>], vector<16xf32>,
        %mul3A_386 = arith.mulf %gather3A_385, %gather3A_385 : vector<16xf32>
        %add3A_387 = arith.addf %scan3A_250, %mul3A_386 : vector<16xf32>
        %get3A_388 = arith.constant 0 : i32
        %get3A_389 = arith.constant 0 : i32
        %get3A_390 = tpu.memref_slice %arg9[%scan3A_145, %get3A_388, %get3A_389] : memref<4x8x128xi32, #tpu.memory_space<vmem>> -> memref<1x8x128xi32, #tpu.memory_space<vmem>>
        %get3A_391 = tpu.memref_squeeze %get3A_390 : memref<1x8x128xi32, #tpu.memory_space<vmem>> -> memref<8x128xi32, #tpu.memory_space<vmem>>
        %get3A_392 = arith.index_cast %scan3A_245 : i32 to index
        %get3A_393 = arith.constant 80 : index
        %get3A_394 = tpu.vector_load %get3A_391[%get3A_392, %get3A_393] {strides = array<i32>} : memref<8x128xi32, #tpu.memory_space<vmem>>, vector<16xi32>,
        %ge3A_395 = arith.constant 50001 : i32
        %ge3A_396 = vector.broadcast %ge3A_395 : i32 to vector<16xi32>
        %ge3A_397 = arith.cmpi sge, %get3A_394, %ge3A_396 : vector<16xi32>
        %sub3A_398 = arith.constant 50001 : i32
        %sub3A_399 = vector.broadcast %sub3A_398 : i32 to vector<16xi32>
        %sub3A_400 = arith.subi %get3A_394, %sub3A_399 : vector<16xi32>
        %select_n3A_401 = arith.select %ge3A_397, %sub3A_400, %get3A_394 : vector<16xi1>, vector<16xi32>
        %gather3A_402 = tpu.vector_load_idx %arg7[%select_n3A_401] : memref<50016xi32, #tpu.memory_space<vmem>>[vector<16xi32>], vector<16xi32>,
        %shift_right_arithmetic3A_403 = arith.constant 16 : i32
        %shift_right_arithmetic3A_404 = vector.broadcast %shift_right_arithmetic3A_403 : i32 to vector<16xi32>
        %shift_right_arithmetic3A_405 = arith.shrsi %gather3A_402, %shift_right_arithmetic3A_404 : vector<16xi32>
        %and3A_406 = arith.constant 65535 : i32
        %and3A_407 = vector.broadcast %and3A_406 : i32 to vector<16xi32>
        %and3A_408 = arith.andi %shift_right_arithmetic3A_405, %and3A_407 : vector<16xi32>
        %and3A_409 = arith.constant 65535 : i32
        %and3A_410 = vector.broadcast %and3A_409 : i32 to vector<16xi32>
        %and3A_411 = arith.andi %gather3A_402, %and3A_410 : vector<16xi32>
        %select_n3A_412 = arith.select %ge3A_397, %and3A_408, %and3A_411 : vector<16xi1>, vector<16xi32>
        %gather3A_413 = tpu.vector_load_idx %arg8[%select_n3A_412] : memref<50016xf32, #tpu.memory_space<vmem>>[vector<16xi32>], vector<16xf32>,
        %mul3A_414 = arith.mulf %gather3A_413, %gather3A_413 : vector<16xf32>
        %add3A_415 = arith.addf %scan3A_251, %mul3A_414 : vector<16xf32>
        %get3A_416 = arith.constant 0 : i32
        %get3A_417 = arith.constant 0 : i32
        %get3A_418 = tpu.memref_slice %arg9[%scan3A_145, %get3A_416, %get3A_417] : memref<4x8x128xi32, #tpu.memory_space<vmem>> -> memref<1x8x128xi32, #tpu.memory_space<vmem>>
        %get3A_419 = tpu.memref_squeeze %get3A_418 : memref<1x8x128xi32, #tpu.memory_space<vmem>> -> memref<8x128xi32, #tpu.memory_space<vmem>>
        %get3A_420 = arith.index_cast %scan3A_245 : i32 to index
        %get3A_421 = arith.constant 96 : index
        %get3A_422 = tpu.vector_load %get3A_419[%get3A_420, %get3A_421] {strides = array<i32>} : memref<8x128xi32, #tpu.memory_space<vmem>>, vector<16xi32>,
        %ge3A_423 = arith.constant 50001 : i32
        %ge3A_424 = vector.broadcast %ge3A_423 : i32 to vector<16xi32>
        %ge3A_425 = arith.cmpi sge, %get3A_422, %ge3A_424 : vector<16xi32>
        %sub3A_426 = arith.constant 50001 : i32
        %sub3A_427 = vector.broadcast %sub3A_426 : i32 to vector<16xi32>
        %sub3A_428 = arith.subi %get3A_422, %sub3A_427 : vector<16xi32>
        %select_n3A_429 = arith.select %ge3A_425, %sub3A_428, %get3A_422 : vector<16xi1>, vector<16xi32>
        %gather3A_430 = tpu.vector_load_idx %arg7[%select_n3A_429] : memref<50016xi32, #tpu.memory_space<vmem>>[vector<16xi32>], vector<16xi32>,
        %shift_right_arithmetic3A_431 = arith.constant 16 : i32
        %shift_right_arithmetic3A_432 = vector.broadcast %shift_right_arithmetic3A_431 : i32 to vector<16xi32>
        %shift_right_arithmetic3A_433 = arith.shrsi %gather3A_430, %shift_right_arithmetic3A_432 : vector<16xi32>
        %and3A_434 = arith.constant 65535 : i32
        %and3A_435 = vector.broadcast %and3A_434 : i32 to vector<16xi32>
        %and3A_436 = arith.andi %shift_right_arithmetic3A_433, %and3A_435 : vector<16xi32>
        %and3A_437 = arith.constant 65535 : i32
        %and3A_438 = vector.broadcast %and3A_437 : i32 to vector<16xi32>
        %and3A_439 = arith.andi %gather3A_430, %and3A_438 : vector<16xi32>
        %select_n3A_440 = arith.select %ge3A_425, %and3A_436, %and3A_439 : vector<16xi1>, vector<16xi32>
        %gather3A_441 = tpu.vector_load_idx %arg8[%select_n3A_440] : memref<50016xf32, #tpu.memory_space<vmem>>[vector<16xi32>], vector<16xf32>,
        %mul3A_442 = arith.mulf %gather3A_441, %gather3A_441 : vector<16xf32>
        %add3A_443 = arith.addf %scan3A_252, %mul3A_442 : vector<16xf32>
        %get3A_444 = arith.constant 0 : i32
        %get3A_445 = arith.constant 0 : i32
        %get3A_446 = tpu.memref_slice %arg9[%scan3A_145, %get3A_444, %get3A_445] : memref<4x8x128xi32, #tpu.memory_space<vmem>> -> memref<1x8x128xi32, #tpu.memory_space<vmem>>
        %get3A_447 = tpu.memref_squeeze %get3A_446 : memref<1x8x128xi32, #tpu.memory_space<vmem>> -> memref<8x128xi32, #tpu.memory_space<vmem>>
        %get3A_448 = arith.index_cast %scan3A_245 : i32 to index
        %get3A_449 = arith.constant 112 : index
        %get3A_450 = tpu.vector_load %get3A_447[%get3A_448, %get3A_449] {strides = array<i32>} : memref<8x128xi32, #tpu.memory_space<vmem>>, vector<16xi32>,
        %ge3A_451 = arith.constant 50001 : i32
        %ge3A_452 = vector.broadcast %ge3A_451 : i32 to vector<16xi32>
        %ge3A_453 = arith.cmpi sge, %get3A_450, %ge3A_452 : vector<16xi32>
        %sub3A_454 = arith.constant 50001 : i32
        %sub3A_455 = vector.broadcast %sub3A_454 : i32 to vector<16xi32>
        %sub3A_456 = arith.subi %get3A_450, %sub3A_455 : vector<16xi32>
        %select_n3A_457 = arith.select %ge3A_453, %sub3A_456, %get3A_450 : vector<16xi1>, vector<16xi32>
        %gather3A_458 = tpu.vector_load_idx %arg7[%select_n3A_457] : memref<50016xi32, #tpu.memory_space<vmem>>[vector<16xi32>], vector<16xi32>,
        %shift_right_arithmetic3A_459 = arith.constant 16 : i32
        %shift_right_arithmetic3A_460 = vector.broadcast %shift_right_arithmetic3A_459 : i32 to vector<16xi32>
        %shift_right_arithmetic3A_461 = arith.shrsi %gather3A_458, %shift_right_arithmetic3A_460 : vector<16xi32>
        %and3A_462 = arith.constant 65535 : i32
        %and3A_463 = vector.broadcast %and3A_462 : i32 to vector<16xi32>
        %and3A_464 = arith.andi %shift_right_arithmetic3A_461, %and3A_463 : vector<16xi32>
        %and3A_465 = arith.constant 65535 : i32
        %and3A_466 = vector.broadcast %and3A_465 : i32 to vector<16xi32>
        %and3A_467 = arith.andi %gather3A_458, %and3A_466 : vector<16xi32>
        %select_n3A_468 = arith.select %ge3A_453, %and3A_464, %and3A_467 : vector<16xi1>, vector<16xi32>
        %gather3A_469 = tpu.vector_load_idx %arg8[%select_n3A_468] : memref<50016xf32, #tpu.memory_space<vmem>>[vector<16xi32>], vector<16xf32>,
        %mul3A_470 = arith.mulf %gather3A_469, %gather3A_469 : vector<16xf32>
        %add3A_471 = arith.addf %scan3A_253, %mul3A_470 : vector<16xf32>
        scf.yield %add3A_275, %add3A_303, %add3A_331, %add3A_359, %add3A_387, %add3A_415, %add3A_443, %add3A_471 : vector<16xf32>, vector<16xf32>, vector<16xf32>, vector<16xf32>, vector<16xf32>, vector<16xf32>, vector<16xf32>, vector<16xf32>
      }
      %scan3A_151 = arith.constant 8 : i32
      %add3A_152 = arith.constant 1 : i32
      %add3A_153 = arith.addi %mul3A_121, %add3A_152 : i32
      %mul3A_154 = arith.constant 8 : i32
      %mul3A_155 = arith.muli %add3A_153, %mul3A_154 : i32
      %dma_wait3A_156 = arith.constant 1 : i32
      %dma_wait3A_157 = arith.constant 0 : i32
      %dma_wait3A_158 = arith.constant 0 : i32
      %dma_wait3A_159 = tpu.memref_slice %arg9[%dma_wait3A_156, %dma_wait3A_157, %dma_wait3A_158] : memref<4x8x128xi32, #tpu.memory_space<vmem>> -> memref<1x8x128xi32, #tpu.memory_space<vmem>>
      %dma_wait3A_160 = tpu.memref_squeeze %dma_wait3A_159 : memref<1x8x128xi32, #tpu.memory_space<vmem>> -> memref<8x128xi32, #tpu.memory_space<vmem>>
      %dma_wait3A_161 = tpu.memref_slice %arg4[%mul3A_155, %mul3A_2] : memref<200x4096xi32, #tpu.memory_space<hbm>> -> memref<8x128xi32, #tpu.memory_space<hbm>>
      %dma_wait3A_162 = arith.constant 0 : i32
      %dma_wait3A_163 = arith.constant 0 : i32
      %dma_wait3A_164 = tpu.memref_slice %arg9[%dma_wait3A_156, %dma_wait3A_162, %dma_wait3A_163] : memref<4x8x128xi32, #tpu.memory_space<vmem>> -> memref<1x8x128xi32, #tpu.memory_space<vmem>>
      %dma_wait3A_165 = tpu.memref_squeeze %dma_wait3A_164 : memref<1x8x128xi32, #tpu.memory_space<vmem>> -> memref<8x128xi32, #tpu.memory_space<vmem>>
      %dma_wait3A_166 = tpu.memref_slice %arg4[%mul3A_155, %mul3A_2] : memref<200x4096xi32, #tpu.memory_space<hbm>> -> memref<8x128xi32, #tpu.memory_space<hbm>>
      tpu.wait_dma2 semaphore(%arg16 : memref<!tpu.dma_semaphore, #tpu.memory_space<semaphore_mem>>) src(%dma_wait3A_166 : memref<8x128xi32, #tpu.memory_space<hbm>>) dst(%dma_wait3A_165 : memref<8x128xi32, #tpu.memory_space<vmem>>)
      %add3A_167 = arith.constant 1 : i32
      %add3A_168 = arith.addi %mul3A_121, %add3A_167 : i32
      %add3A_169 = arith.constant 3 : i32
      %add3A_170 = arith.addi %add3A_168, %add3A_169 : i32
      %lt3A_171 = arith.constant 25 : i32
      %lt3A_172 = arith.cmpi slt, %add3A_170, %lt3A_171 : i32
      %convert_element_type3A_173 = arith.extui %lt3A_172 : i1 to i32
      %cond3A_174 = arith.constant 0 : i32
      %cond3A_175 = arith.cmpi ne, %convert_element_type3A_173, %cond3A_174 : i32
      scf.if %cond3A_175 {
        %add3A_245 = arith.constant 1 : i32
        %add3A_246 = arith.addi %mul3A_121, %add3A_245 : i32
        %add3A_247 = arith.constant 3 : i32
        %add3A_248 = arith.addi %add3A_246, %add3A_247 : i32
        %mul3A_249 = arith.constant 8 : i32
        %mul3A_250 = arith.muli %add3A_248, %mul3A_249 : i32
        %dma_start3A_251 = arith.constant 0 : i32
        %dma_start3A_252 = arith.constant 0 : i32
        %dma_start3A_253 = arith.constant 0 : i32
        %dma_start3A_254 = tpu.memref_slice %arg9[%dma_start3A_251, %dma_start3A_252, %dma_start3A_253] : memref<4x8x128xi32, #tpu.memory_space<vmem>> -> memref<1x8x128xi32, #tpu.memory_space<vmem>>
        %dma_start3A_255 = tpu.memref_squeeze %dma_start3A_254 : memref<1x8x128xi32, #tpu.memory_space<vmem>> -> memref<8x128xi32, #tpu.memory_space<vmem>>
        %dma_start3A_256 = tpu.memref_slice %arg4[%mul3A_250, %mul3A_2] : memref<200x4096xi32, #tpu.memory_space<hbm>> -> memref<8x128xi32, #tpu.memory_space<hbm>>
        %dma_start3A_257 = arith.constant 0 : i32
        %dma_start3A_258 = arith.constant 0 : i32
        %dma_start3A_259 = tpu.memref_slice %arg9[%dma_start3A_251, %dma_start3A_257, %dma_start3A_258] : memref<4x8x128xi32, #tpu.memory_space<vmem>> -> memref<1x8x128xi32, #tpu.memory_space<vmem>>
        %dma_start3A_260 = tpu.memref_squeeze %dma_start3A_259 : memref<1x8x128xi32, #tpu.memory_space<vmem>> -> memref<8x128xi32, #tpu.memory_space<vmem>>
        %dma_start3A_261 = tpu.memref_slice %arg4[%mul3A_250, %mul3A_2] : memref<200x4096xi32, #tpu.memory_space<hbm>> -> memref<8x128xi32, #tpu.memory_space<hbm>>
        tpu.enqueue_dma source(%dma_start3A_261 : memref<8x128xi32, #tpu.memory_space<hbm>>) target(%dma_start3A_260 : memref<8x128xi32, #tpu.memory_space<vmem>>) target_semaphore(%arg15 : memref<!tpu.dma_semaphore, #tpu.memory_space<semaphore_mem>>)
      } else {
      }
      %scan3A_176 = arith.constant 1 : i32
      %scan3A_177 = arith.constant 0 : i32
      %scan3A_178 = arith.constant 8 : i32
      %scan3A_179 = arith.addi %scan3A_177, %scan3A_178 : i32
      %scan3A_180 = arith.constant 1 : i32
      %scan3A_181:8 = scf.for %scan3A_245 = %scan3A_177 to %scan3A_179 step %scan3A_180 iter_args(%scan3A_246 = %scan3A_150#0, %scan3A_247 = %scan3A_150#1, %scan3A_248 = %scan3A_150#2, %scan3A_249 = %scan3A_150#3, %scan3A_250 = %scan3A_150#4, %scan3A_251 = %scan3A_150#5, %scan3A_252 = %scan3A_150#6, %scan3A_253 = %scan3A_150#7) -> (vector<16xf32>, vector<16xf32>, vector<16xf32>, vector<16xf32>, vector<16xf32>, vector<16xf32>, vector<16xf32>, vector<16xf32>)  : i32 {
        %get3A_254 = arith.constant 0 : i32
        %get3A_255 = arith.constant 0 : i32
        %get3A_256 = tpu.memref_slice %arg9[%scan3A_176, %get3A_254, %get3A_255] : memref<4x8x128xi32, #tpu.memory_space<vmem>> -> memref<1x8x128xi32, #tpu.memory_space<vmem>>
        %get3A_257 = tpu.memref_squeeze %get3A_256 : memref<1x8x128xi32, #tpu.memory_space<vmem>> -> memref<8x128xi32, #tpu.memory_space<vmem>>
        %get3A_258 = arith.index_cast %scan3A_245 : i32 to index
        %get3A_259 = arith.constant 0 : index
        %get3A_260 = tpu.vector_load %get3A_257[%get3A_258, %get3A_259] {strides = array<i32>} : memref<8x128xi32, #tpu.memory_space<vmem>>, vector<16xi32>,
        %ge3A = arith.constant 50001 : i32
        %ge3A_261 = vector.broadcast %ge3A : i32 to vector<16xi32>
        %ge3A_262 = arith.cmpi sge, %get3A_260, %ge3A_261 : vector<16xi32>
        %sub3A = arith.constant 50001 : i32
        %sub3A_263 = vector.broadcast %sub3A : i32 to vector<16xi32>
        %sub3A_264 = arith.subi %get3A_260, %sub3A_263 : vector<16xi32>
        %select_n3A = arith.select %ge3A_262, %sub3A_264, %get3A_260 : vector<16xi1>, vector<16xi32>
        %gather3A = tpu.vector_load_idx %arg7[%select_n3A] : memref<50016xi32, #tpu.memory_space<vmem>>[vector<16xi32>], vector<16xi32>,
        %shift_right_arithmetic3A = arith.constant 16 : i32
        %shift_right_arithmetic3A_265 = vector.broadcast %shift_right_arithmetic3A : i32 to vector<16xi32>
        %shift_right_arithmetic3A_266 = arith.shrsi %gather3A, %shift_right_arithmetic3A_265 : vector<16xi32>
        %and3A = arith.constant 65535 : i32
        %and3A_267 = vector.broadcast %and3A : i32 to vector<16xi32>
        %and3A_268 = arith.andi %shift_right_arithmetic3A_266, %and3A_267 : vector<16xi32>
        %and3A_269 = arith.constant 65535 : i32
        %and3A_270 = vector.broadcast %and3A_269 : i32 to vector<16xi32>
        %and3A_271 = arith.andi %gather3A, %and3A_270 : vector<16xi32>
        %select_n3A_272 = arith.select %ge3A_262, %and3A_268, %and3A_271 : vector<16xi1>, vector<16xi32>
        %gather3A_273 = tpu.vector_load_idx %arg8[%select_n3A_272] : memref<50016xf32, #tpu.memory_space<vmem>>[vector<16xi32>], vector<16xf32>,
        %mul3A_274 = arith.mulf %gather3A_273, %gather3A_273 : vector<16xf32>
        %add3A_275 = arith.addf %scan3A_246, %mul3A_274 : vector<16xf32>
        %get3A_276 = arith.constant 0 : i32
        %get3A_277 = arith.constant 0 : i32
        %get3A_278 = tpu.memref_slice %arg9[%scan3A_176, %get3A_276, %get3A_277] : memref<4x8x128xi32, #tpu.memory_space<vmem>> -> memref<1x8x128xi32, #tpu.memory_space<vmem>>
        %get3A_279 = tpu.memref_squeeze %get3A_278 : memref<1x8x128xi32, #tpu.memory_space<vmem>> -> memref<8x128xi32, #tpu.memory_space<vmem>>
        %get3A_280 = arith.index_cast %scan3A_245 : i32 to index
        %get3A_281 = arith.constant 16 : index
        %get3A_282 = tpu.vector_load %get3A_279[%get3A_280, %get3A_281] {strides = array<i32>} : memref<8x128xi32, #tpu.memory_space<vmem>>, vector<16xi32>,
        %ge3A_283 = arith.constant 50001 : i32
        %ge3A_284 = vector.broadcast %ge3A_283 : i32 to vector<16xi32>
        %ge3A_285 = arith.cmpi sge, %get3A_282, %ge3A_284 : vector<16xi32>
        %sub3A_286 = arith.constant 50001 : i32
        %sub3A_287 = vector.broadcast %sub3A_286 : i32 to vector<16xi32>
        %sub3A_288 = arith.subi %get3A_282, %sub3A_287 : vector<16xi32>
        %select_n3A_289 = arith.select %ge3A_285, %sub3A_288, %get3A_282 : vector<16xi1>, vector<16xi32>
        %gather3A_290 = tpu.vector_load_idx %arg7[%select_n3A_289] : memref<50016xi32, #tpu.memory_space<vmem>>[vector<16xi32>], vector<16xi32>,
        %shift_right_arithmetic3A_291 = arith.constant 16 : i32
        %shift_right_arithmetic3A_292 = vector.broadcast %shift_right_arithmetic3A_291 : i32 to vector<16xi32>
        %shift_right_arithmetic3A_293 = arith.shrsi %gather3A_290, %shift_right_arithmetic3A_292 : vector<16xi32>
        %and3A_294 = arith.constant 65535 : i32
        %and3A_295 = vector.broadcast %and3A_294 : i32 to vector<16xi32>
        %and3A_296 = arith.andi %shift_right_arithmetic3A_293, %and3A_295 : vector<16xi32>
        %and3A_297 = arith.constant 65535 : i32
        %and3A_298 = vector.broadcast %and3A_297 : i32 to vector<16xi32>
        %and3A_299 = arith.andi %gather3A_290, %and3A_298 : vector<16xi32>
        %select_n3A_300 = arith.select %ge3A_285, %and3A_296, %and3A_299 : vector<16xi1>, vector<16xi32>
        %gather3A_301 = tpu.vector_load_idx %arg8[%select_n3A_300] : memref<50016xf32, #tpu.memory_space<vmem>>[vector<16xi32>], vector<16xf32>,
        %mul3A_302 = arith.mulf %gather3A_301, %gather3A_301 : vector<16xf32>
        %add3A_303 = arith.addf %scan3A_247, %mul3A_302 : vector<16xf32>
        %get3A_304 = arith.constant 0 : i32
        %get3A_305 = arith.constant 0 : i32
        %get3A_306 = tpu.memref_slice %arg9[%scan3A_176, %get3A_304, %get3A_305] : memref<4x8x128xi32, #tpu.memory_space<vmem>> -> memref<1x8x128xi32, #tpu.memory_space<vmem>>
        %get3A_307 = tpu.memref_squeeze %get3A_306 : memref<1x8x128xi32, #tpu.memory_space<vmem>> -> memref<8x128xi32, #tpu.memory_space<vmem>>
        %get3A_308 = arith.index_cast %scan3A_245 : i32 to index
        %get3A_309 = arith.constant 32 : index
        %get3A_310 = tpu.vector_load %get3A_307[%get3A_308, %get3A_309] {strides = array<i32>} : memref<8x128xi32, #tpu.memory_space<vmem>>, vector<16xi32>,
        %ge3A_311 = arith.constant 50001 : i32
        %ge3A_312 = vector.broadcast %ge3A_311 : i32 to vector<16xi32>
        %ge3A_313 = arith.cmpi sge, %get3A_310, %ge3A_312 : vector<16xi32>
        %sub3A_314 = arith.constant 50001 : i32
        %sub3A_315 = vector.broadcast %sub3A_314 : i32 to vector<16xi32>
        %sub3A_316 = arith.subi %get3A_310, %sub3A_315 : vector<16xi32>
        %select_n3A_317 = arith.select %ge3A_313, %sub3A_316, %get3A_310 : vector<16xi1>, vector<16xi32>
        %gather3A_318 = tpu.vector_load_idx %arg7[%select_n3A_317] : memref<50016xi32, #tpu.memory_space<vmem>>[vector<16xi32>], vector<16xi32>,
        %shift_right_arithmetic3A_319 = arith.constant 16 : i32
        %shift_right_arithmetic3A_320 = vector.broadcast %shift_right_arithmetic3A_319 : i32 to vector<16xi32>
        %shift_right_arithmetic3A_321 = arith.shrsi %gather3A_318, %shift_right_arithmetic3A_320 : vector<16xi32>
        %and3A_322 = arith.constant 65535 : i32
        %and3A_323 = vector.broadcast %and3A_322 : i32 to vector<16xi32>
        %and3A_324 = arith.andi %shift_right_arithmetic3A_321, %and3A_323 : vector<16xi32>
        %and3A_325 = arith.constant 65535 : i32
        %and3A_326 = vector.broadcast %and3A_325 : i32 to vector<16xi32>
        %and3A_327 = arith.andi %gather3A_318, %and3A_326 : vector<16xi32>
        %select_n3A_328 = arith.select %ge3A_313, %and3A_324, %and3A_327 : vector<16xi1>, vector<16xi32>
        %gather3A_329 = tpu.vector_load_idx %arg8[%select_n3A_328] : memref<50016xf32, #tpu.memory_space<vmem>>[vector<16xi32>], vector<16xf32>,
        %mul3A_330 = arith.mulf %gather3A_329, %gather3A_329 : vector<16xf32>
        %add3A_331 = arith.addf %scan3A_248, %mul3A_330 : vector<16xf32>
        %get3A_332 = arith.constant 0 : i32
        %get3A_333 = arith.constant 0 : i32
        %get3A_334 = tpu.memref_slice %arg9[%scan3A_176, %get3A_332, %get3A_333] : memref<4x8x128xi32, #tpu.memory_space<vmem>> -> memref<1x8x128xi32, #tpu.memory_space<vmem>>
        %get3A_335 = tpu.memref_squeeze %get3A_334 : memref<1x8x128xi32, #tpu.memory_space<vmem>> -> memref<8x128xi32, #tpu.memory_space<vmem>>
        %get3A_336 = arith.index_cast %scan3A_245 : i32 to index
        %get3A_337 = arith.constant 48 : index
        %get3A_338 = tpu.vector_load %get3A_335[%get3A_336, %get3A_337] {strides = array<i32>} : memref<8x128xi32, #tpu.memory_space<vmem>>, vector<16xi32>,
        %ge3A_339 = arith.constant 50001 : i32
        %ge3A_340 = vector.broadcast %ge3A_339 : i32 to vector<16xi32>
        %ge3A_341 = arith.cmpi sge, %get3A_338, %ge3A_340 : vector<16xi32>
        %sub3A_342 = arith.constant 50001 : i32
        %sub3A_343 = vector.broadcast %sub3A_342 : i32 to vector<16xi32>
        %sub3A_344 = arith.subi %get3A_338, %sub3A_343 : vector<16xi32>
        %select_n3A_345 = arith.select %ge3A_341, %sub3A_344, %get3A_338 : vector<16xi1>, vector<16xi32>
        %gather3A_346 = tpu.vector_load_idx %arg7[%select_n3A_345] : memref<50016xi32, #tpu.memory_space<vmem>>[vector<16xi32>], vector<16xi32>,
        %shift_right_arithmetic3A_347 = arith.constant 16 : i32
        %shift_right_arithmetic3A_348 = vector.broadcast %shift_right_arithmetic3A_347 : i32 to vector<16xi32>
        %shift_right_arithmetic3A_349 = arith.shrsi %gather3A_346, %shift_right_arithmetic3A_348 : vector<16xi32>
        %and3A_350 = arith.constant 65535 : i32
        %and3A_351 = vector.broadcast %and3A_350 : i32 to vector<16xi32>
        %and3A_352 = arith.andi %shift_right_arithmetic3A_349, %and3A_351 : vector<16xi32>
        %and3A_353 = arith.constant 65535 : i32
        %and3A_354 = vector.broadcast %and3A_353 : i32 to vector<16xi32>
        %and3A_355 = arith.andi %gather3A_346, %and3A_354 : vector<16xi32>
        %select_n3A_356 = arith.select %ge3A_341, %and3A_352, %and3A_355 : vector<16xi1>, vector<16xi32>
        %gather3A_357 = tpu.vector_load_idx %arg8[%select_n3A_356] : memref<50016xf32, #tpu.memory_space<vmem>>[vector<16xi32>], vector<16xf32>,
        %mul3A_358 = arith.mulf %gather3A_357, %gather3A_357 : vector<16xf32>
        %add3A_359 = arith.addf %scan3A_249, %mul3A_358 : vector<16xf32>
        %get3A_360 = arith.constant 0 : i32
        %get3A_361 = arith.constant 0 : i32
        %get3A_362 = tpu.memref_slice %arg9[%scan3A_176, %get3A_360, %get3A_361] : memref<4x8x128xi32, #tpu.memory_space<vmem>> -> memref<1x8x128xi32, #tpu.memory_space<vmem>>
        %get3A_363 = tpu.memref_squeeze %get3A_362 : memref<1x8x128xi32, #tpu.memory_space<vmem>> -> memref<8x128xi32, #tpu.memory_space<vmem>>
        %get3A_364 = arith.index_cast %scan3A_245 : i32 to index
        %get3A_365 = arith.constant 64 : index
        %get3A_366 = tpu.vector_load %get3A_363[%get3A_364, %get3A_365] {strides = array<i32>} : memref<8x128xi32, #tpu.memory_space<vmem>>, vector<16xi32>,
        %ge3A_367 = arith.constant 50001 : i32
        %ge3A_368 = vector.broadcast %ge3A_367 : i32 to vector<16xi32>
        %ge3A_369 = arith.cmpi sge, %get3A_366, %ge3A_368 : vector<16xi32>
        %sub3A_370 = arith.constant 50001 : i32
        %sub3A_371 = vector.broadcast %sub3A_370 : i32 to vector<16xi32>
        %sub3A_372 = arith.subi %get3A_366, %sub3A_371 : vector<16xi32>
        %select_n3A_373 = arith.select %ge3A_369, %sub3A_372, %get3A_366 : vector<16xi1>, vector<16xi32>
        %gather3A_374 = tpu.vector_load_idx %arg7[%select_n3A_373] : memref<50016xi32, #tpu.memory_space<vmem>>[vector<16xi32>], vector<16xi32>,
        %shift_right_arithmetic3A_375 = arith.constant 16 : i32
        %shift_right_arithmetic3A_376 = vector.broadcast %shift_right_arithmetic3A_375 : i32 to vector<16xi32>
        %shift_right_arithmetic3A_377 = arith.shrsi %gather3A_374, %shift_right_arithmetic3A_376 : vector<16xi32>
        %and3A_378 = arith.constant 65535 : i32
        %and3A_379 = vector.broadcast %and3A_378 : i32 to vector<16xi32>
        %and3A_380 = arith.andi %shift_right_arithmetic3A_377, %and3A_379 : vector<16xi32>
        %and3A_381 = arith.constant 65535 : i32
        %and3A_382 = vector.broadcast %and3A_381 : i32 to vector<16xi32>
        %and3A_383 = arith.andi %gather3A_374, %and3A_382 : vector<16xi32>
        %select_n3A_384 = arith.select %ge3A_369, %and3A_380, %and3A_383 : vector<16xi1>, vector<16xi32>
        %gather3A_385 = tpu.vector_load_idx %arg8[%select_n3A_384] : memref<50016xf32, #tpu.memory_space<vmem>>[vector<16xi32>], vector<16xf32>,
        %mul3A_386 = arith.mulf %gather3A_385, %gather3A_385 : vector<16xf32>
        %add3A_387 = arith.addf %scan3A_250, %mul3A_386 : vector<16xf32>
        %get3A_388 = arith.constant 0 : i32
        %get3A_389 = arith.constant 0 : i32
        %get3A_390 = tpu.memref_slice %arg9[%scan3A_176, %get3A_388, %get3A_389] : memref<4x8x128xi32, #tpu.memory_space<vmem>> -> memref<1x8x128xi32, #tpu.memory_space<vmem>>
        %get3A_391 = tpu.memref_squeeze %get3A_390 : memref<1x8x128xi32, #tpu.memory_space<vmem>> -> memref<8x128xi32, #tpu.memory_space<vmem>>
        %get3A_392 = arith.index_cast %scan3A_245 : i32 to index
        %get3A_393 = arith.constant 80 : index
        %get3A_394 = tpu.vector_load %get3A_391[%get3A_392, %get3A_393] {strides = array<i32>} : memref<8x128xi32, #tpu.memory_space<vmem>>, vector<16xi32>,
        %ge3A_395 = arith.constant 50001 : i32
        %ge3A_396 = vector.broadcast %ge3A_395 : i32 to vector<16xi32>
        %ge3A_397 = arith.cmpi sge, %get3A_394, %ge3A_396 : vector<16xi32>
        %sub3A_398 = arith.constant 50001 : i32
        %sub3A_399 = vector.broadcast %sub3A_398 : i32 to vector<16xi32>
        %sub3A_400 = arith.subi %get3A_394, %sub3A_399 : vector<16xi32>
        %select_n3A_401 = arith.select %ge3A_397, %sub3A_400, %get3A_394 : vector<16xi1>, vector<16xi32>
        %gather3A_402 = tpu.vector_load_idx %arg7[%select_n3A_401] : memref<50016xi32, #tpu.memory_space<vmem>>[vector<16xi32>], vector<16xi32>,
        %shift_right_arithmetic3A_403 = arith.constant 16 : i32
        %shift_right_arithmetic3A_404 = vector.broadcast %shift_right_arithmetic3A_403 : i32 to vector<16xi32>
        %shift_right_arithmetic3A_405 = arith.shrsi %gather3A_402, %shift_right_arithmetic3A_404 : vector<16xi32>
        %and3A_406 = arith.constant 65535 : i32
        %and3A_407 = vector.broadcast %and3A_406 : i32 to vector<16xi32>
        %and3A_408 = arith.andi %shift_right_arithmetic3A_405, %and3A_407 : vector<16xi32>
        %and3A_409 = arith.constant 65535 : i32
        %and3A_410 = vector.broadcast %and3A_409 : i32 to vector<16xi32>
        %and3A_411 = arith.andi %gather3A_402, %and3A_410 : vector<16xi32>
        %select_n3A_412 = arith.select %ge3A_397, %and3A_408, %and3A_411 : vector<16xi1>, vector<16xi32>
        %gather3A_413 = tpu.vector_load_idx %arg8[%select_n3A_412] : memref<50016xf32, #tpu.memory_space<vmem>>[vector<16xi32>], vector<16xf32>,
        %mul3A_414 = arith.mulf %gather3A_413, %gather3A_413 : vector<16xf32>
        %add3A_415 = arith.addf %scan3A_251, %mul3A_414 : vector<16xf32>
        %get3A_416 = arith.constant 0 : i32
        %get3A_417 = arith.constant 0 : i32
        %get3A_418 = tpu.memref_slice %arg9[%scan3A_176, %get3A_416, %get3A_417] : memref<4x8x128xi32, #tpu.memory_space<vmem>> -> memref<1x8x128xi32, #tpu.memory_space<vmem>>
        %get3A_419 = tpu.memref_squeeze %get3A_418 : memref<1x8x128xi32, #tpu.memory_space<vmem>> -> memref<8x128xi32, #tpu.memory_space<vmem>>
        %get3A_420 = arith.index_cast %scan3A_245 : i32 to index
        %get3A_421 = arith.constant 96 : index
        %get3A_422 = tpu.vector_load %get3A_419[%get3A_420, %get3A_421] {strides = array<i32>} : memref<8x128xi32, #tpu.memory_space<vmem>>, vector<16xi32>,
        %ge3A_423 = arith.constant 50001 : i32
        %ge3A_424 = vector.broadcast %ge3A_423 : i32 to vector<16xi32>
        %ge3A_425 = arith.cmpi sge, %get3A_422, %ge3A_424 : vector<16xi32>
        %sub3A_426 = arith.constant 50001 : i32
        %sub3A_427 = vector.broadcast %sub3A_426 : i32 to vector<16xi32>
        %sub3A_428 = arith.subi %get3A_422, %sub3A_427 : vector<16xi32>
        %select_n3A_429 = arith.select %ge3A_425, %sub3A_428, %get3A_422 : vector<16xi1>, vector<16xi32>
        %gather3A_430 = tpu.vector_load_idx %arg7[%select_n3A_429] : memref<50016xi32, #tpu.memory_space<vmem>>[vector<16xi32>], vector<16xi32>,
        %shift_right_arithmetic3A_431 = arith.constant 16 : i32
        %shift_right_arithmetic3A_432 = vector.broadcast %shift_right_arithmetic3A_431 : i32 to vector<16xi32>
        %shift_right_arithmetic3A_433 = arith.shrsi %gather3A_430, %shift_right_arithmetic3A_432 : vector<16xi32>
        %and3A_434 = arith.constant 65535 : i32
        %and3A_435 = vector.broadcast %and3A_434 : i32 to vector<16xi32>
        %and3A_436 = arith.andi %shift_right_arithmetic3A_433, %and3A_435 : vector<16xi32>
        %and3A_437 = arith.constant 65535 : i32
        %and3A_438 = vector.broadcast %and3A_437 : i32 to vector<16xi32>
        %and3A_439 = arith.andi %gather3A_430, %and3A_438 : vector<16xi32>
        %select_n3A_440 = arith.select %ge3A_425, %and3A_436, %and3A_439 : vector<16xi1>, vector<16xi32>
        %gather3A_441 = tpu.vector_load_idx %arg8[%select_n3A_440] : memref<50016xf32, #tpu.memory_space<vmem>>[vector<16xi32>], vector<16xf32>,
        %mul3A_442 = arith.mulf %gather3A_441, %gather3A_441 : vector<16xf32>
        %add3A_443 = arith.addf %scan3A_252, %mul3A_442 : vector<16xf32>
        %get3A_444 = arith.constant 0 : i32
        %get3A_445 = arith.constant 0 : i32
        %get3A_446 = tpu.memref_slice %arg9[%scan3A_176, %get3A_444, %get3A_445] : memref<4x8x128xi32, #tpu.memory_space<vmem>> -> memref<1x8x128xi32, #tpu.memory_space<vmem>>
        %get3A_447 = tpu.memref_squeeze %get3A_446 : memref<1x8x128xi32, #tpu.memory_space<vmem>> -> memref<8x128xi32, #tpu.memory_space<vmem>>
        %get3A_448 = arith.index_cast %scan3A_245 : i32 to index
        %get3A_449 = arith.constant 112 : index
        %get3A_450 = tpu.vector_load %get3A_447[%get3A_448, %get3A_449] {strides = array<i32>} : memref<8x128xi32, #tpu.memory_space<vmem>>, vector<16xi32>,
        %ge3A_451 = arith.constant 50001 : i32
        %ge3A_452 = vector.broadcast %ge3A_451 : i32 to vector<16xi32>
        %ge3A_453 = arith.cmpi sge, %get3A_450, %ge3A_452 : vector<16xi32>
        %sub3A_454 = arith.constant 50001 : i32
        %sub3A_455 = vector.broadcast %sub3A_454 : i32 to vector<16xi32>
        %sub3A_456 = arith.subi %get3A_450, %sub3A_455 : vector<16xi32>
        %select_n3A_457 = arith.select %ge3A_453, %sub3A_456, %get3A_450 : vector<16xi1>, vector<16xi32>
        %gather3A_458 = tpu.vector_load_idx %arg7[%select_n3A_457] : memref<50016xi32, #tpu.memory_space<vmem>>[vector<16xi32>], vector<16xi32>,
        %shift_right_arithmetic3A_459 = arith.constant 16 : i32
        %shift_right_arithmetic3A_460 = vector.broadcast %shift_right_arithmetic3A_459 : i32 to vector<16xi32>
        %shift_right_arithmetic3A_461 = arith.shrsi %gather3A_458, %shift_right_arithmetic3A_460 : vector<16xi32>
        %and3A_462 = arith.constant 65535 : i32
        %and3A_463 = vector.broadcast %and3A_462 : i32 to vector<16xi32>
        %and3A_464 = arith.andi %shift_right_arithmetic3A_461, %and3A_463 : vector<16xi32>
        %and3A_465 = arith.constant 65535 : i32
        %and3A_466 = vector.broadcast %and3A_465 : i32 to vector<16xi32>
        %and3A_467 = arith.andi %gather3A_458, %and3A_466 : vector<16xi32>
        %select_n3A_468 = arith.select %ge3A_453, %and3A_464, %and3A_467 : vector<16xi1>, vector<16xi32>
        %gather3A_469 = tpu.vector_load_idx %arg8[%select_n3A_468] : memref<50016xf32, #tpu.memory_space<vmem>>[vector<16xi32>], vector<16xf32>,
        %mul3A_470 = arith.mulf %gather3A_469, %gather3A_469 : vector<16xf32>
        %add3A_471 = arith.addf %scan3A_253, %mul3A_470 : vector<16xf32>
        scf.yield %add3A_275, %add3A_303, %add3A_331, %add3A_359, %add3A_387, %add3A_415, %add3A_443, %add3A_471 : vector<16xf32>, vector<16xf32>, vector<16xf32>, vector<16xf32>, vector<16xf32>, vector<16xf32>, vector<16xf32>, vector<16xf32>
      }
      %scan3A_182 = arith.constant 8 : i32
      %add3A_183 = arith.constant 2 : i32
      %add3A_184 = arith.addi %mul3A_121, %add3A_183 : i32
      %mul3A_185 = arith.constant 8 : i32
      %mul3A_186 = arith.muli %add3A_184, %mul3A_185 : i32
      %dma_wait3A_187 = arith.constant 2 : i32
      %dma_wait3A_188 = arith.constant 0 : i32
      %dma_wait3A_189 = arith.constant 0 : i32
      %dma_wait3A_190 = tpu.memref_slice %arg9[%dma_wait3A_187, %dma_wait3A_188, %dma_wait3A_189] : memref<4x8x128xi32, #tpu.memory_space<vmem>> -> memref<1x8x128xi32, #tpu.memory_space<vmem>>
      %dma_wait3A_191 = tpu.memref_squeeze %dma_wait3A_190 : memref<1x8x128xi32, #tpu.memory_space<vmem>> -> memref<8x128xi32, #tpu.memory_space<vmem>>
      %dma_wait3A_192 = tpu.memref_slice %arg4[%mul3A_186, %mul3A_2] : memref<200x4096xi32, #tpu.memory_space<hbm>> -> memref<8x128xi32, #tpu.memory_space<hbm>>
      %dma_wait3A_193 = arith.constant 0 : i32
      %dma_wait3A_194 = arith.constant 0 : i32
      %dma_wait3A_195 = tpu.memref_slice %arg9[%dma_wait3A_187, %dma_wait3A_193, %dma_wait3A_194] : memref<4x8x128xi32, #tpu.memory_space<vmem>> -> memref<1x8x128xi32, #tpu.memory_space<vmem>>
      %dma_wait3A_196 = tpu.memref_squeeze %dma_wait3A_195 : memref<1x8x128xi32, #tpu.memory_space<vmem>> -> memref<8x128xi32, #tpu.memory_space<vmem>>
      %dma_wait3A_197 = tpu.memref_slice %arg4[%mul3A_186, %mul3A_2] : memref<200x4096xi32, #tpu.memory_space<hbm>> -> memref<8x128xi32, #tpu.memory_space<hbm>>
      tpu.wait_dma2 semaphore(%arg17 : memref<!tpu.dma_semaphore, #tpu.memory_space<semaphore_mem>>) src(%dma_wait3A_197 : memref<8x128xi32, #tpu.memory_space<hbm>>) dst(%dma_wait3A_196 : memref<8x128xi32, #tpu.memory_space<vmem>>)
      %add3A_198 = arith.constant 2 : i32
      %add3A_199 = arith.addi %mul3A_121, %add3A_198 : i32
      %add3A_200 = arith.constant 3 : i32
      %add3A_201 = arith.addi %add3A_199, %add3A_200 : i32
      %lt3A_202 = arith.constant 25 : i32
      %lt3A_203 = arith.cmpi slt, %add3A_201, %lt3A_202 : i32
      %convert_element_type3A_204 = arith.extui %lt3A_203 : i1 to i32
      %cond3A_205 = arith.constant 0 : i32
      %cond3A_206 = arith.cmpi ne, %convert_element_type3A_204, %cond3A_205 : i32
      scf.if %cond3A_206 {
        %add3A_245 = arith.constant 2 : i32
        %add3A_246 = arith.addi %mul3A_121, %add3A_245 : i32
        %add3A_247 = arith.constant 3 : i32
        %add3A_248 = arith.addi %add3A_246, %add3A_247 : i32
        %mul3A_249 = arith.constant 8 : i32
        %mul3A_250 = arith.muli %add3A_248, %mul3A_249 : i32
        %dma_start3A_251 = arith.constant 1 : i32
        %dma_start3A_252 = arith.constant 0 : i32
        %dma_start3A_253 = arith.constant 0 : i32
        %dma_start3A_254 = tpu.memref_slice %arg9[%dma_start3A_251, %dma_start3A_252, %dma_start3A_253] : memref<4x8x128xi32, #tpu.memory_space<vmem>> -> memref<1x8x128xi32, #tpu.memory_space<vmem>>
        %dma_start3A_255 = tpu.memref_squeeze %dma_start3A_254 : memref<1x8x128xi32, #tpu.memory_space<vmem>> -> memref<8x128xi32, #tpu.memory_space<vmem>>
        %dma_start3A_256 = tpu.memref_slice %arg4[%mul3A_250, %mul3A_2] : memref<200x4096xi32, #tpu.memory_space<hbm>> -> memref<8x128xi32, #tpu.memory_space<hbm>>
        %dma_start3A_257 = arith.constant 0 : i32
        %dma_start3A_258 = arith.constant 0 : i32
        %dma_start3A_259 = tpu.memref_slice %arg9[%dma_start3A_251, %dma_start3A_257, %dma_start3A_258] : memref<4x8x128xi32, #tpu.memory_space<vmem>> -> memref<1x8x128xi32, #tpu.memory_space<vmem>>
        %dma_start3A_260 = tpu.memref_squeeze %dma_start3A_259 : memref<1x8x128xi32, #tpu.memory_space<vmem>> -> memref<8x128xi32, #tpu.memory_space<vmem>>
        %dma_start3A_261 = tpu.memref_slice %arg4[%mul3A_250, %mul3A_2] : memref<200x4096xi32, #tpu.memory_space<hbm>> -> memref<8x128xi32, #tpu.memory_space<hbm>>
        tpu.enqueue_dma source(%dma_start3A_261 : memref<8x128xi32, #tpu.memory_space<hbm>>) target(%dma_start3A_260 : memref<8x128xi32, #tpu.memory_space<vmem>>) target_semaphore(%arg16 : memref<!tpu.dma_semaphore, #tpu.memory_space<semaphore_mem>>)
      } else {
      }
      %scan3A_207 = arith.constant 2 : i32
      %scan3A_208 = arith.constant 0 : i32
      %scan3A_209 = arith.constant 8 : i32
      %scan3A_210 = arith.addi %scan3A_208, %scan3A_209 : i32
      %scan3A_211 = arith.constant 1 : i32
      %scan3A_212:8 = scf.for %scan3A_245 = %scan3A_208 to %scan3A_210 step %scan3A_211 iter_args(%scan3A_246 = %scan3A_181#0, %scan3A_247 = %scan3A_181#1, %scan3A_248 = %scan3A_181#2, %scan3A_249 = %scan3A_181#3, %scan3A_250 = %scan3A_181#4, %scan3A_251 = %scan3A_181#5, %scan3A_252 = %scan3A_181#6, %scan3A_253 = %scan3A_181#7) -> (vector<16xf32>, vector<16xf32>, vector<16xf32>, vector<16xf32>, vector<16xf32>, vector<16xf32>, vector<16xf32>, vector<16xf32>)  : i32 {
        %get3A_254 = arith.constant 0 : i32
        %get3A_255 = arith.constant 0 : i32
        %get3A_256 = tpu.memref_slice %arg9[%scan3A_207, %get3A_254, %get3A_255] : memref<4x8x128xi32, #tpu.memory_space<vmem>> -> memref<1x8x128xi32, #tpu.memory_space<vmem>>
        %get3A_257 = tpu.memref_squeeze %get3A_256 : memref<1x8x128xi32, #tpu.memory_space<vmem>> -> memref<8x128xi32, #tpu.memory_space<vmem>>
        %get3A_258 = arith.index_cast %scan3A_245 : i32 to index
        %get3A_259 = arith.constant 0 : index
        %get3A_260 = tpu.vector_load %get3A_257[%get3A_258, %get3A_259] {strides = array<i32>} : memref<8x128xi32, #tpu.memory_space<vmem>>, vector<16xi32>,
        %ge3A = arith.constant 50001 : i32
        %ge3A_261 = vector.broadcast %ge3A : i32 to vector<16xi32>
        %ge3A_262 = arith.cmpi sge, %get3A_260, %ge3A_261 : vector<16xi32>
        %sub3A = arith.constant 50001 : i32
        %sub3A_263 = vector.broadcast %sub3A : i32 to vector<16xi32>
        %sub3A_264 = arith.subi %get3A_260, %sub3A_263 : vector<16xi32>
        %select_n3A = arith.select %ge3A_262, %sub3A_264, %get3A_260 : vector<16xi1>, vector<16xi32>
        %gather3A = tpu.vector_load_idx %arg7[%select_n3A] : memref<50016xi32, #tpu.memory_space<vmem>>[vector<16xi32>], vector<16xi32>,
        %shift_right_arithmetic3A = arith.constant 16 : i32
        %shift_right_arithmetic3A_265 = vector.broadcast %shift_right_arithmetic3A : i32 to vector<16xi32>
        %shift_right_arithmetic3A_266 = arith.shrsi %gather3A, %shift_right_arithmetic3A_265 : vector<16xi32>
        %and3A = arith.constant 65535 : i32
        %and3A_267 = vector.broadcast %and3A : i32 to vector<16xi32>
        %and3A_268 = arith.andi %shift_right_arithmetic3A_266, %and3A_267 : vector<16xi32>
        %and3A_269 = arith.constant 65535 : i32
        %and3A_270 = vector.broadcast %and3A_269 : i32 to vector<16xi32>
        %and3A_271 = arith.andi %gather3A, %and3A_270 : vector<16xi32>
        %select_n3A_272 = arith.select %ge3A_262, %and3A_268, %and3A_271 : vector<16xi1>, vector<16xi32>
        %gather3A_273 = tpu.vector_load_idx %arg8[%select_n3A_272] : memref<50016xf32, #tpu.memory_space<vmem>>[vector<16xi32>], vector<16xf32>,
        %mul3A_274 = arith.mulf %gather3A_273, %gather3A_273 : vector<16xf32>
        %add3A_275 = arith.addf %scan3A_246, %mul3A_274 : vector<16xf32>
        %get3A_276 = arith.constant 0 : i32
        %get3A_277 = arith.constant 0 : i32
        %get3A_278 = tpu.memref_slice %arg9[%scan3A_207, %get3A_276, %get3A_277] : memref<4x8x128xi32, #tpu.memory_space<vmem>> -> memref<1x8x128xi32, #tpu.memory_space<vmem>>
        %get3A_279 = tpu.memref_squeeze %get3A_278 : memref<1x8x128xi32, #tpu.memory_space<vmem>> -> memref<8x128xi32, #tpu.memory_space<vmem>>
        %get3A_280 = arith.index_cast %scan3A_245 : i32 to index
        %get3A_281 = arith.constant 16 : index
        %get3A_282 = tpu.vector_load %get3A_279[%get3A_280, %get3A_281] {strides = array<i32>} : memref<8x128xi32, #tpu.memory_space<vmem>>, vector<16xi32>,
        %ge3A_283 = arith.constant 50001 : i32
        %ge3A_284 = vector.broadcast %ge3A_283 : i32 to vector<16xi32>
        %ge3A_285 = arith.cmpi sge, %get3A_282, %ge3A_284 : vector<16xi32>
        %sub3A_286 = arith.constant 50001 : i32
        %sub3A_287 = vector.broadcast %sub3A_286 : i32 to vector<16xi32>
        %sub3A_288 = arith.subi %get3A_282, %sub3A_287 : vector<16xi32>
        %select_n3A_289 = arith.select %ge3A_285, %sub3A_288, %get3A_282 : vector<16xi1>, vector<16xi32>
        %gather3A_290 = tpu.vector_load_idx %arg7[%select_n3A_289] : memref<50016xi32, #tpu.memory_space<vmem>>[vector<16xi32>], vector<16xi32>,
        %shift_right_arithmetic3A_291 = arith.constant 16 : i32
        %shift_right_arithmetic3A_292 = vector.broadcast %shift_right_arithmetic3A_291 : i32 to vector<16xi32>
        %shift_right_arithmetic3A_293 = arith.shrsi %gather3A_290, %shift_right_arithmetic3A_292 : vector<16xi32>
        %and3A_294 = arith.constant 65535 : i32
        %and3A_295 = vector.broadcast %and3A_294 : i32 to vector<16xi32>
        %and3A_296 = arith.andi %shift_right_arithmetic3A_293, %and3A_295 : vector<16xi32>
        %and3A_297 = arith.constant 65535 : i32
        %and3A_298 = vector.broadcast %and3A_297 : i32 to vector<16xi32>
        %and3A_299 = arith.andi %gather3A_290, %and3A_298 : vector<16xi32>
        %select_n3A_300 = arith.select %ge3A_285, %and3A_296, %and3A_299 : vector<16xi1>, vector<16xi32>
        %gather3A_301 = tpu.vector_load_idx %arg8[%select_n3A_300] : memref<50016xf32, #tpu.memory_space<vmem>>[vector<16xi32>], vector<16xf32>,
        %mul3A_302 = arith.mulf %gather3A_301, %gather3A_301 : vector<16xf32>
        %add3A_303 = arith.addf %scan3A_247, %mul3A_302 : vector<16xf32>
        %get3A_304 = arith.constant 0 : i32
        %get3A_305 = arith.constant 0 : i32
        %get3A_306 = tpu.memref_slice %arg9[%scan3A_207, %get3A_304, %get3A_305] : memref<4x8x128xi32, #tpu.memory_space<vmem>> -> memref<1x8x128xi32, #tpu.memory_space<vmem>>
        %get3A_307 = tpu.memref_squeeze %get3A_306 : memref<1x8x128xi32, #tpu.memory_space<vmem>> -> memref<8x128xi32, #tpu.memory_space<vmem>>
        %get3A_308 = arith.index_cast %scan3A_245 : i32 to index
        %get3A_309 = arith.constant 32 : index
        %get3A_310 = tpu.vector_load %get3A_307[%get3A_308, %get3A_309] {strides = array<i32>} : memref<8x128xi32, #tpu.memory_space<vmem>>, vector<16xi32>,
        %ge3A_311 = arith.constant 50001 : i32
        %ge3A_312 = vector.broadcast %ge3A_311 : i32 to vector<16xi32>
        %ge3A_313 = arith.cmpi sge, %get3A_310, %ge3A_312 : vector<16xi32>
        %sub3A_314 = arith.constant 50001 : i32
        %sub3A_315 = vector.broadcast %sub3A_314 : i32 to vector<16xi32>
        %sub3A_316 = arith.subi %get3A_310, %sub3A_315 : vector<16xi32>
        %select_n3A_317 = arith.select %ge3A_313, %sub3A_316, %get3A_310 : vector<16xi1>, vector<16xi32>
        %gather3A_318 = tpu.vector_load_idx %arg7[%select_n3A_317] : memref<50016xi32, #tpu.memory_space<vmem>>[vector<16xi32>], vector<16xi32>,
        %shift_right_arithmetic3A_319 = arith.constant 16 : i32
        %shift_right_arithmetic3A_320 = vector.broadcast %shift_right_arithmetic3A_319 : i32 to vector<16xi32>
        %shift_right_arithmetic3A_321 = arith.shrsi %gather3A_318, %shift_right_arithmetic3A_320 : vector<16xi32>
        %and3A_322 = arith.constant 65535 : i32
        %and3A_323 = vector.broadcast %and3A_322 : i32 to vector<16xi32>
        %and3A_324 = arith.andi %shift_right_arithmetic3A_321, %and3A_323 : vector<16xi32>
        %and3A_325 = arith.constant 65535 : i32
        %and3A_326 = vector.broadcast %and3A_325 : i32 to vector<16xi32>
        %and3A_327 = arith.andi %gather3A_318, %and3A_326 : vector<16xi32>
        %select_n3A_328 = arith.select %ge3A_313, %and3A_324, %and3A_327 : vector<16xi1>, vector<16xi32>
        %gather3A_329 = tpu.vector_load_idx %arg8[%select_n3A_328] : memref<50016xf32, #tpu.memory_space<vmem>>[vector<16xi32>], vector<16xf32>,
        %mul3A_330 = arith.mulf %gather3A_329, %gather3A_329 : vector<16xf32>
        %add3A_331 = arith.addf %scan3A_248, %mul3A_330 : vector<16xf32>
        %get3A_332 = arith.constant 0 : i32
        %get3A_333 = arith.constant 0 : i32
        %get3A_334 = tpu.memref_slice %arg9[%scan3A_207, %get3A_332, %get3A_333] : memref<4x8x128xi32, #tpu.memory_space<vmem>> -> memref<1x8x128xi32, #tpu.memory_space<vmem>>
        %get3A_335 = tpu.memref_squeeze %get3A_334 : memref<1x8x128xi32, #tpu.memory_space<vmem>> -> memref<8x128xi32, #tpu.memory_space<vmem>>
        %get3A_336 = arith.index_cast %scan3A_245 : i32 to index
        %get3A_337 = arith.constant 48 : index
        %get3A_338 = tpu.vector_load %get3A_335[%get3A_336, %get3A_337] {strides = array<i32>} : memref<8x128xi32, #tpu.memory_space<vmem>>, vector<16xi32>,
        %ge3A_339 = arith.constant 50001 : i32
        %ge3A_340 = vector.broadcast %ge3A_339 : i32 to vector<16xi32>
        %ge3A_341 = arith.cmpi sge, %get3A_338, %ge3A_340 : vector<16xi32>
        %sub3A_342 = arith.constant 50001 : i32
        %sub3A_343 = vector.broadcast %sub3A_342 : i32 to vector<16xi32>
        %sub3A_344 = arith.subi %get3A_338, %sub3A_343 : vector<16xi32>
        %select_n3A_345 = arith.select %ge3A_341, %sub3A_344, %get3A_338 : vector<16xi1>, vector<16xi32>
        %gather3A_346 = tpu.vector_load_idx %arg7[%select_n3A_345] : memref<50016xi32, #tpu.memory_space<vmem>>[vector<16xi32>], vector<16xi32>,
        %shift_right_arithmetic3A_347 = arith.constant 16 : i32
        %shift_right_arithmetic3A_348 = vector.broadcast %shift_right_arithmetic3A_347 : i32 to vector<16xi32>
        %shift_right_arithmetic3A_349 = arith.shrsi %gather3A_346, %shift_right_arithmetic3A_348 : vector<16xi32>
        %and3A_350 = arith.constant 65535 : i32
        %and3A_351 = vector.broadcast %and3A_350 : i32 to vector<16xi32>
        %and3A_352 = arith.andi %shift_right_arithmetic3A_349, %and3A_351 : vector<16xi32>
        %and3A_353 = arith.constant 65535 : i32
        %and3A_354 = vector.broadcast %and3A_353 : i32 to vector<16xi32>
        %and3A_355 = arith.andi %gather3A_346, %and3A_354 : vector<16xi32>
        %select_n3A_356 = arith.select %ge3A_341, %and3A_352, %and3A_355 : vector<16xi1>, vector<16xi32>
        %gather3A_357 = tpu.vector_load_idx %arg8[%select_n3A_356] : memref<50016xf32, #tpu.memory_space<vmem>>[vector<16xi32>], vector<16xf32>,
        %mul3A_358 = arith.mulf %gather3A_357, %gather3A_357 : vector<16xf32>
        %add3A_359 = arith.addf %scan3A_249, %mul3A_358 : vector<16xf32>
        %get3A_360 = arith.constant 0 : i32
        %get3A_361 = arith.constant 0 : i32
        %get3A_362 = tpu.memref_slice %arg9[%scan3A_207, %get3A_360, %get3A_361] : memref<4x8x128xi32, #tpu.memory_space<vmem>> -> memref<1x8x128xi32, #tpu.memory_space<vmem>>
        %get3A_363 = tpu.memref_squeeze %get3A_362 : memref<1x8x128xi32, #tpu.memory_space<vmem>> -> memref<8x128xi32, #tpu.memory_space<vmem>>
        %get3A_364 = arith.index_cast %scan3A_245 : i32 to index
        %get3A_365 = arith.constant 64 : index
        %get3A_366 = tpu.vector_load %get3A_363[%get3A_364, %get3A_365] {strides = array<i32>} : memref<8x128xi32, #tpu.memory_space<vmem>>, vector<16xi32>,
        %ge3A_367 = arith.constant 50001 : i32
        %ge3A_368 = vector.broadcast %ge3A_367 : i32 to vector<16xi32>
        %ge3A_369 = arith.cmpi sge, %get3A_366, %ge3A_368 : vector<16xi32>
        %sub3A_370 = arith.constant 50001 : i32
        %sub3A_371 = vector.broadcast %sub3A_370 : i32 to vector<16xi32>
        %sub3A_372 = arith.subi %get3A_366, %sub3A_371 : vector<16xi32>
        %select_n3A_373 = arith.select %ge3A_369, %sub3A_372, %get3A_366 : vector<16xi1>, vector<16xi32>
        %gather3A_374 = tpu.vector_load_idx %arg7[%select_n3A_373] : memref<50016xi32, #tpu.memory_space<vmem>>[vector<16xi32>], vector<16xi32>,
        %shift_right_arithmetic3A_375 = arith.constant 16 : i32
        %shift_right_arithmetic3A_376 = vector.broadcast %shift_right_arithmetic3A_375 : i32 to vector<16xi32>
        %shift_right_arithmetic3A_377 = arith.shrsi %gather3A_374, %shift_right_arithmetic3A_376 : vector<16xi32>
        %and3A_378 = arith.constant 65535 : i32
        %and3A_379 = vector.broadcast %and3A_378 : i32 to vector<16xi32>
        %and3A_380 = arith.andi %shift_right_arithmetic3A_377, %and3A_379 : vector<16xi32>
        %and3A_381 = arith.constant 65535 : i32
        %and3A_382 = vector.broadcast %and3A_381 : i32 to vector<16xi32>
        %and3A_383 = arith.andi %gather3A_374, %and3A_382 : vector<16xi32>
        %select_n3A_384 = arith.select %ge3A_369, %and3A_380, %and3A_383 : vector<16xi1>, vector<16xi32>
        %gather3A_385 = tpu.vector_load_idx %arg8[%select_n3A_384] : memref<50016xf32, #tpu.memory_space<vmem>>[vector<16xi32>], vector<16xf32>,
        %mul3A_386 = arith.mulf %gather3A_385, %gather3A_385 : vector<16xf32>
        %add3A_387 = arith.addf %scan3A_250, %mul3A_386 : vector<16xf32>
        %get3A_388 = arith.constant 0 : i32
        %get3A_389 = arith.constant 0 : i32
        %get3A_390 = tpu.memref_slice %arg9[%scan3A_207, %get3A_388, %get3A_389] : memref<4x8x128xi32, #tpu.memory_space<vmem>> -> memref<1x8x128xi32, #tpu.memory_space<vmem>>
        %get3A_391 = tpu.memref_squeeze %get3A_390 : memref<1x8x128xi32, #tpu.memory_space<vmem>> -> memref<8x128xi32, #tpu.memory_space<vmem>>
        %get3A_392 = arith.index_cast %scan3A_245 : i32 to index
        %get3A_393 = arith.constant 80 : index
        %get3A_394 = tpu.vector_load %get3A_391[%get3A_392, %get3A_393] {strides = array<i32>} : memref<8x128xi32, #tpu.memory_space<vmem>>, vector<16xi32>,
        %ge3A_395 = arith.constant 50001 : i32
        %ge3A_396 = vector.broadcast %ge3A_395 : i32 to vector<16xi32>
        %ge3A_397 = arith.cmpi sge, %get3A_394, %ge3A_396 : vector<16xi32>
        %sub3A_398 = arith.constant 50001 : i32
        %sub3A_399 = vector.broadcast %sub3A_398 : i32 to vector<16xi32>
        %sub3A_400 = arith.subi %get3A_394, %sub3A_399 : vector<16xi32>
        %select_n3A_401 = arith.select %ge3A_397, %sub3A_400, %get3A_394 : vector<16xi1>, vector<16xi32>
        %gather3A_402 = tpu.vector_load_idx %arg7[%select_n3A_401] : memref<50016xi32, #tpu.memory_space<vmem>>[vector<16xi32>], vector<16xi32>,
        %shift_right_arithmetic3A_403 = arith.constant 16 : i32
        %shift_right_arithmetic3A_404 = vector.broadcast %shift_right_arithmetic3A_403 : i32 to vector<16xi32>
        %shift_right_arithmetic3A_405 = arith.shrsi %gather3A_402, %shift_right_arithmetic3A_404 : vector<16xi32>
        %and3A_406 = arith.constant 65535 : i32
        %and3A_407 = vector.broadcast %and3A_406 : i32 to vector<16xi32>
        %and3A_408 = arith.andi %shift_right_arithmetic3A_405, %and3A_407 : vector<16xi32>
        %and3A_409 = arith.constant 65535 : i32
        %and3A_410 = vector.broadcast %and3A_409 : i32 to vector<16xi32>
        %and3A_411 = arith.andi %gather3A_402, %and3A_410 : vector<16xi32>
        %select_n3A_412 = arith.select %ge3A_397, %and3A_408, %and3A_411 : vector<16xi1>, vector<16xi32>
        %gather3A_413 = tpu.vector_load_idx %arg8[%select_n3A_412] : memref<50016xf32, #tpu.memory_space<vmem>>[vector<16xi32>], vector<16xf32>,
        %mul3A_414 = arith.mulf %gather3A_413, %gather3A_413 : vector<16xf32>
        %add3A_415 = arith.addf %scan3A_251, %mul3A_414 : vector<16xf32>
        %get3A_416 = arith.constant 0 : i32
        %get3A_417 = arith.constant 0 : i32
        %get3A_418 = tpu.memref_slice %arg9[%scan3A_207, %get3A_416, %get3A_417] : memref<4x8x128xi32, #tpu.memory_space<vmem>> -> memref<1x8x128xi32, #tpu.memory_space<vmem>>
        %get3A_419 = tpu.memref_squeeze %get3A_418 : memref<1x8x128xi32, #tpu.memory_space<vmem>> -> memref<8x128xi32, #tpu.memory_space<vmem>>
        %get3A_420 = arith.index_cast %scan3A_245 : i32 to index
        %get3A_421 = arith.constant 96 : index
        %get3A_422 = tpu.vector_load %get3A_419[%get3A_420, %get3A_421] {strides = array<i32>} : memref<8x128xi32, #tpu.memory_space<vmem>>, vector<16xi32>,
        %ge3A_423 = arith.constant 50001 : i32
        %ge3A_424 = vector.broadcast %ge3A_423 : i32 to vector<16xi32>
        %ge3A_425 = arith.cmpi sge, %get3A_422, %ge3A_424 : vector<16xi32>
        %sub3A_426 = arith.constant 50001 : i32
        %sub3A_427 = vector.broadcast %sub3A_426 : i32 to vector<16xi32>
        %sub3A_428 = arith.subi %get3A_422, %sub3A_427 : vector<16xi32>
        %select_n3A_429 = arith.select %ge3A_425, %sub3A_428, %get3A_422 : vector<16xi1>, vector<16xi32>
        %gather3A_430 = tpu.vector_load_idx %arg7[%select_n3A_429] : memref<50016xi32, #tpu.memory_space<vmem>>[vector<16xi32>], vector<16xi32>,
        %shift_right_arithmetic3A_431 = arith.constant 16 : i32
        %shift_right_arithmetic3A_432 = vector.broadcast %shift_right_arithmetic3A_431 : i32 to vector<16xi32>
        %shift_right_arithmetic3A_433 = arith.shrsi %gather3A_430, %shift_right_arithmetic3A_432 : vector<16xi32>
        %and3A_434 = arith.constant 65535 : i32
        %and3A_435 = vector.broadcast %and3A_434 : i32 to vector<16xi32>
        %and3A_436 = arith.andi %shift_right_arithmetic3A_433, %and3A_435 : vector<16xi32>
        %and3A_437 = arith.constant 65535 : i32
        %and3A_438 = vector.broadcast %and3A_437 : i32 to vector<16xi32>
        %and3A_439 = arith.andi %gather3A_430, %and3A_438 : vector<16xi32>
        %select_n3A_440 = arith.select %ge3A_425, %and3A_436, %and3A_439 : vector<16xi1>, vector<16xi32>
        %gather3A_441 = tpu.vector_load_idx %arg8[%select_n3A_440] : memref<50016xf32, #tpu.memory_space<vmem>>[vector<16xi32>], vector<16xf32>,
        %mul3A_442 = arith.mulf %gather3A_441, %gather3A_441 : vector<16xf32>
        %add3A_443 = arith.addf %scan3A_252, %mul3A_442 : vector<16xf32>
        %get3A_444 = arith.constant 0 : i32
        %get3A_445 = arith.constant 0 : i32
        %get3A_446 = tpu.memref_slice %arg9[%scan3A_207, %get3A_444, %get3A_445] : memref<4x8x128xi32, #tpu.memory_space<vmem>> -> memref<1x8x128xi32, #tpu.memory_space<vmem>>
        %get3A_447 = tpu.memref_squeeze %get3A_446 : memref<1x8x128xi32, #tpu.memory_space<vmem>> -> memref<8x128xi32, #tpu.memory_space<vmem>>
        %get3A_448 = arith.index_cast %scan3A_245 : i32 to index
        %get3A_449 = arith.constant 112 : index
        %get3A_450 = tpu.vector_load %get3A_447[%get3A_448, %get3A_449] {strides = array<i32>} : memref<8x128xi32, #tpu.memory_space<vmem>>, vector<16xi32>,
        %ge3A_451 = arith.constant 50001 : i32
        %ge3A_452 = vector.broadcast %ge3A_451 : i32 to vector<16xi32>
        %ge3A_453 = arith.cmpi sge, %get3A_450, %ge3A_452 : vector<16xi32>
        %sub3A_454 = arith.constant 50001 : i32
        %sub3A_455 = vector.broadcast %sub3A_454 : i32 to vector<16xi32>
        %sub3A_456 = arith.subi %get3A_450, %sub3A_455 : vector<16xi32>
        %select_n3A_457 = arith.select %ge3A_453, %sub3A_456, %get3A_450 : vector<16xi1>, vector<16xi32>
        %gather3A_458 = tpu.vector_load_idx %arg7[%select_n3A_457] : memref<50016xi32, #tpu.memory_space<vmem>>[vector<16xi32>], vector<16xi32>,
        %shift_right_arithmetic3A_459 = arith.constant 16 : i32
        %shift_right_arithmetic3A_460 = vector.broadcast %shift_right_arithmetic3A_459 : i32 to vector<16xi32>
        %shift_right_arithmetic3A_461 = arith.shrsi %gather3A_458, %shift_right_arithmetic3A_460 : vector<16xi32>
        %and3A_462 = arith.constant 65535 : i32
        %and3A_463 = vector.broadcast %and3A_462 : i32 to vector<16xi32>
        %and3A_464 = arith.andi %shift_right_arithmetic3A_461, %and3A_463 : vector<16xi32>
        %and3A_465 = arith.constant 65535 : i32
        %and3A_466 = vector.broadcast %and3A_465 : i32 to vector<16xi32>
        %and3A_467 = arith.andi %gather3A_458, %and3A_466 : vector<16xi32>
        %select_n3A_468 = arith.select %ge3A_453, %and3A_464, %and3A_467 : vector<16xi1>, vector<16xi32>
        %gather3A_469 = tpu.vector_load_idx %arg8[%select_n3A_468] : memref<50016xf32, #tpu.memory_space<vmem>>[vector<16xi32>], vector<16xf32>,
        %mul3A_470 = arith.mulf %gather3A_469, %gather3A_469 : vector<16xf32>
        %add3A_471 = arith.addf %scan3A_253, %mul3A_470 : vector<16xf32>
        scf.yield %add3A_275, %add3A_303, %add3A_331, %add3A_359, %add3A_387, %add3A_415, %add3A_443, %add3A_471 : vector<16xf32>, vector<16xf32>, vector<16xf32>, vector<16xf32>, vector<16xf32>, vector<16xf32>, vector<16xf32>, vector<16xf32>
      }
      %scan3A_213 = arith.constant 8 : i32
      %add3A_214 = arith.constant 3 : i32
      %add3A_215 = arith.addi %mul3A_121, %add3A_214 : i32
      %mul3A_216 = arith.constant 8 : i32
      %mul3A_217 = arith.muli %add3A_215, %mul3A_216 : i32
      %dma_wait3A_218 = arith.constant 3 : i32
      %dma_wait3A_219 = arith.constant 0 : i32
      %dma_wait3A_220 = arith.constant 0 : i32
      %dma_wait3A_221 = tpu.memref_slice %arg9[%dma_wait3A_218, %dma_wait3A_219, %dma_wait3A_220] : memref<4x8x128xi32, #tpu.memory_space<vmem>> -> memref<1x8x128xi32, #tpu.memory_space<vmem>>
      %dma_wait3A_222 = tpu.memref_squeeze %dma_wait3A_221 : memref<1x8x128xi32, #tpu.memory_space<vmem>> -> memref<8x128xi32, #tpu.memory_space<vmem>>
      %dma_wait3A_223 = tpu.memref_slice %arg4[%mul3A_217, %mul3A_2] : memref<200x4096xi32, #tpu.memory_space<hbm>> -> memref<8x128xi32, #tpu.memory_space<hbm>>
      %dma_wait3A_224 = arith.constant 0 : i32
      %dma_wait3A_225 = arith.constant 0 : i32
      %dma_wait3A_226 = tpu.memref_slice %arg9[%dma_wait3A_218, %dma_wait3A_224, %dma_wait3A_225] : memref<4x8x128xi32, #tpu.memory_space<vmem>> -> memref<1x8x128xi32, #tpu.memory_space<vmem>>
      %dma_wait3A_227 = tpu.memref_squeeze %dma_wait3A_226 : memref<1x8x128xi32, #tpu.memory_space<vmem>> -> memref<8x128xi32, #tpu.memory_space<vmem>>
      %dma_wait3A_228 = tpu.memref_slice %arg4[%mul3A_217, %mul3A_2] : memref<200x4096xi32, #tpu.memory_space<hbm>> -> memref<8x128xi32, #tpu.memory_space<hbm>>
      tpu.wait_dma2 semaphore(%arg18 : memref<!tpu.dma_semaphore, #tpu.memory_space<semaphore_mem>>) src(%dma_wait3A_228 : memref<8x128xi32, #tpu.memory_space<hbm>>) dst(%dma_wait3A_227 : memref<8x128xi32, #tpu.memory_space<vmem>>)
      %add3A_229 = arith.constant 3 : i32
      %add3A_230 = arith.addi %mul3A_121, %add3A_229 : i32
      %add3A_231 = arith.constant 3 : i32
      %add3A_232 = arith.addi %add3A_230, %add3A_231 : i32
      %lt3A_233 = arith.constant 25 : i32
      %lt3A_234 = arith.cmpi slt, %add3A_232, %lt3A_233 : i32
      %convert_element_type3A_235 = arith.extui %lt3A_234 : i1 to i32
      %cond3A_236 = arith.constant 0 : i32
      %cond3A_237 = arith.cmpi ne, %convert_element_type3A_235, %cond3A_236 : i32
      scf.if %cond3A_237 {
        %add3A_245 = arith.constant 3 : i32
        %add3A_246 = arith.addi %mul3A_121, %add3A_245 : i32
        %add3A_247 = arith.constant 3 : i32
        %add3A_248 = arith.addi %add3A_246, %add3A_247 : i32
        %mul3A_249 = arith.constant 8 : i32
        %mul3A_250 = arith.muli %add3A_248, %mul3A_249 : i32
        %dma_start3A_251 = arith.constant 2 : i32
        %dma_start3A_252 = arith.constant 0 : i32
        %dma_start3A_253 = arith.constant 0 : i32
        %dma_start3A_254 = tpu.memref_slice %arg9[%dma_start3A_251, %dma_start3A_252, %dma_start3A_253] : memref<4x8x128xi32, #tpu.memory_space<vmem>> -> memref<1x8x128xi32, #tpu.memory_space<vmem>>
        %dma_start3A_255 = tpu.memref_squeeze %dma_start3A_254 : memref<1x8x128xi32, #tpu.memory_space<vmem>> -> memref<8x128xi32, #tpu.memory_space<vmem>>
        %dma_start3A_256 = tpu.memref_slice %arg4[%mul3A_250, %mul3A_2] : memref<200x4096xi32, #tpu.memory_space<hbm>> -> memref<8x128xi32, #tpu.memory_space<hbm>>
        %dma_start3A_257 = arith.constant 0 : i32
        %dma_start3A_258 = arith.constant 0 : i32
        %dma_start3A_259 = tpu.memref_slice %arg9[%dma_start3A_251, %dma_start3A_257, %dma_start3A_258] : memref<4x8x128xi32, #tpu.memory_space<vmem>> -> memref<1x8x128xi32, #tpu.memory_space<vmem>>
        %dma_start3A_260 = tpu.memref_squeeze %dma_start3A_259 : memref<1x8x128xi32, #tpu.memory_space<vmem>> -> memref<8x128xi32, #tpu.memory_space<vmem>>
        %dma_start3A_261 = tpu.memref_slice %arg4[%mul3A_250, %mul3A_2] : memref<200x4096xi32, #tpu.memory_space<hbm>> -> memref<8x128xi32, #tpu.memory_space<hbm>>
        tpu.enqueue_dma source(%dma_start3A_261 : memref<8x128xi32, #tpu.memory_space<hbm>>) target(%dma_start3A_260 : memref<8x128xi32, #tpu.memory_space<vmem>>) target_semaphore(%arg17 : memref<!tpu.dma_semaphore, #tpu.memory_space<semaphore_mem>>)
      } else {
      }
      %scan3A_238 = arith.constant 3 : i32
      %scan3A_239 = arith.constant 0 : i32
      %scan3A_240 = arith.constant 8 : i32
      %scan3A_241 = arith.addi %scan3A_239, %scan3A_240 : i32
      %scan3A_242 = arith.constant 1 : i32
      %scan3A_243:8 = scf.for %scan3A_245 = %scan3A_239 to %scan3A_241 step %scan3A_242 iter_args(%scan3A_246 = %scan3A_212#0, %scan3A_247 = %scan3A_212#1, %scan3A_248 = %scan3A_212#2, %scan3A_249 = %scan3A_212#3, %scan3A_250 = %scan3A_212#4, %scan3A_251 = %scan3A_212#5, %scan3A_252 = %scan3A_212#6, %scan3A_253 = %scan3A_212#7) -> (vector<16xf32>, vector<16xf32>, vector<16xf32>, vector<16xf32>, vector<16xf32>, vector<16xf32>, vector<16xf32>, vector<16xf32>)  : i32 {
        %get3A_254 = arith.constant 0 : i32
        %get3A_255 = arith.constant 0 : i32
        %get3A_256 = tpu.memref_slice %arg9[%scan3A_238, %get3A_254, %get3A_255] : memref<4x8x128xi32, #tpu.memory_space<vmem>> -> memref<1x8x128xi32, #tpu.memory_space<vmem>>
        %get3A_257 = tpu.memref_squeeze %get3A_256 : memref<1x8x128xi32, #tpu.memory_space<vmem>> -> memref<8x128xi32, #tpu.memory_space<vmem>>
        %get3A_258 = arith.index_cast %scan3A_245 : i32 to index
        %get3A_259 = arith.constant 0 : index
        %get3A_260 = tpu.vector_load %get3A_257[%get3A_258, %get3A_259] {strides = array<i32>} : memref<8x128xi32, #tpu.memory_space<vmem>>, vector<16xi32>,
        %ge3A = arith.constant 50001 : i32
        %ge3A_261 = vector.broadcast %ge3A : i32 to vector<16xi32>
        %ge3A_262 = arith.cmpi sge, %get3A_260, %ge3A_261 : vector<16xi32>
        %sub3A = arith.constant 50001 : i32
        %sub3A_263 = vector.broadcast %sub3A : i32 to vector<16xi32>
        %sub3A_264 = arith.subi %get3A_260, %sub3A_263 : vector<16xi32>
        %select_n3A = arith.select %ge3A_262, %sub3A_264, %get3A_260 : vector<16xi1>, vector<16xi32>
        %gather3A = tpu.vector_load_idx %arg7[%select_n3A] : memref<50016xi32, #tpu.memory_space<vmem>>[vector<16xi32>], vector<16xi32>,
        %shift_right_arithmetic3A = arith.constant 16 : i32
        %shift_right_arithmetic3A_265 = vector.broadcast %shift_right_arithmetic3A : i32 to vector<16xi32>
        %shift_right_arithmetic3A_266 = arith.shrsi %gather3A, %shift_right_arithmetic3A_265 : vector<16xi32>
        %and3A = arith.constant 65535 : i32
        %and3A_267 = vector.broadcast %and3A : i32 to vector<16xi32>
        %and3A_268 = arith.andi %shift_right_arithmetic3A_266, %and3A_267 : vector<16xi32>
        %and3A_269 = arith.constant 65535 : i32
        %and3A_270 = vector.broadcast %and3A_269 : i32 to vector<16xi32>
        %and3A_271 = arith.andi %gather3A, %and3A_270 : vector<16xi32>
        %select_n3A_272 = arith.select %ge3A_262, %and3A_268, %and3A_271 : vector<16xi1>, vector<16xi32>
        %gather3A_273 = tpu.vector_load_idx %arg8[%select_n3A_272] : memref<50016xf32, #tpu.memory_space<vmem>>[vector<16xi32>], vector<16xf32>,
        %mul3A_274 = arith.mulf %gather3A_273, %gather3A_273 : vector<16xf32>
        %add3A_275 = arith.addf %scan3A_246, %mul3A_274 : vector<16xf32>
        %get3A_276 = arith.constant 0 : i32
        %get3A_277 = arith.constant 0 : i32
        %get3A_278 = tpu.memref_slice %arg9[%scan3A_238, %get3A_276, %get3A_277] : memref<4x8x128xi32, #tpu.memory_space<vmem>> -> memref<1x8x128xi32, #tpu.memory_space<vmem>>
        %get3A_279 = tpu.memref_squeeze %get3A_278 : memref<1x8x128xi32, #tpu.memory_space<vmem>> -> memref<8x128xi32, #tpu.memory_space<vmem>>
        %get3A_280 = arith.index_cast %scan3A_245 : i32 to index
        %get3A_281 = arith.constant 16 : index
        %get3A_282 = tpu.vector_load %get3A_279[%get3A_280, %get3A_281] {strides = array<i32>} : memref<8x128xi32, #tpu.memory_space<vmem>>, vector<16xi32>,
        %ge3A_283 = arith.constant 50001 : i32
        %ge3A_284 = vector.broadcast %ge3A_283 : i32 to vector<16xi32>
        %ge3A_285 = arith.cmpi sge, %get3A_282, %ge3A_284 : vector<16xi32>
        %sub3A_286 = arith.constant 50001 : i32
        %sub3A_287 = vector.broadcast %sub3A_286 : i32 to vector<16xi32>
        %sub3A_288 = arith.subi %get3A_282, %sub3A_287 : vector<16xi32>
        %select_n3A_289 = arith.select %ge3A_285, %sub3A_288, %get3A_282 : vector<16xi1>, vector<16xi32>
        %gather3A_290 = tpu.vector_load_idx %arg7[%select_n3A_289] : memref<50016xi32, #tpu.memory_space<vmem>>[vector<16xi32>], vector<16xi32>,
        %shift_right_arithmetic3A_291 = arith.constant 16 : i32
        %shift_right_arithmetic3A_292 = vector.broadcast %shift_right_arithmetic3A_291 : i32 to vector<16xi32>
        %shift_right_arithmetic3A_293 = arith.shrsi %gather3A_290, %shift_right_arithmetic3A_292 : vector<16xi32>
        %and3A_294 = arith.constant 65535 : i32
        %and3A_295 = vector.broadcast %and3A_294 : i32 to vector<16xi32>
        %and3A_296 = arith.andi %shift_right_arithmetic3A_293, %and3A_295 : vector<16xi32>
        %and3A_297 = arith.constant 65535 : i32
        %and3A_298 = vector.broadcast %and3A_297 : i32 to vector<16xi32>
        %and3A_299 = arith.andi %gather3A_290, %and3A_298 : vector<16xi32>
        %select_n3A_300 = arith.select %ge3A_285, %and3A_296, %and3A_299 : vector<16xi1>, vector<16xi32>
        %gather3A_301 = tpu.vector_load_idx %arg8[%select_n3A_300] : memref<50016xf32, #tpu.memory_space<vmem>>[vector<16xi32>], vector<16xf32>,
        %mul3A_302 = arith.mulf %gather3A_301, %gather3A_301 : vector<16xf32>
        %add3A_303 = arith.addf %scan3A_247, %mul3A_302 : vector<16xf32>
        %get3A_304 = arith.constant 0 : i32
        %get3A_305 = arith.constant 0 : i32
        %get3A_306 = tpu.memref_slice %arg9[%scan3A_238, %get3A_304, %get3A_305] : memref<4x8x128xi32, #tpu.memory_space<vmem>> -> memref<1x8x128xi32, #tpu.memory_space<vmem>>
        %get3A_307 = tpu.memref_squeeze %get3A_306 : memref<1x8x128xi32, #tpu.memory_space<vmem>> -> memref<8x128xi32, #tpu.memory_space<vmem>>
        %get3A_308 = arith.index_cast %scan3A_245 : i32 to index
        %get3A_309 = arith.constant 32 : index
        %get3A_310 = tpu.vector_load %get3A_307[%get3A_308, %get3A_309] {strides = array<i32>} : memref<8x128xi32, #tpu.memory_space<vmem>>, vector<16xi32>,
        %ge3A_311 = arith.constant 50001 : i32
        %ge3A_312 = vector.broadcast %ge3A_311 : i32 to vector<16xi32>
        %ge3A_313 = arith.cmpi sge, %get3A_310, %ge3A_312 : vector<16xi32>
        %sub3A_314 = arith.constant 50001 : i32
        %sub3A_315 = vector.broadcast %sub3A_314 : i32 to vector<16xi32>
        %sub3A_316 = arith.subi %get3A_310, %sub3A_315 : vector<16xi32>
        %select_n3A_317 = arith.select %ge3A_313, %sub3A_316, %get3A_310 : vector<16xi1>, vector<16xi32>
        %gather3A_318 = tpu.vector_load_idx %arg7[%select_n3A_317] : memref<50016xi32, #tpu.memory_space<vmem>>[vector<16xi32>], vector<16xi32>,
        %shift_right_arithmetic3A_319 = arith.constant 16 : i32
        %shift_right_arithmetic3A_320 = vector.broadcast %shift_right_arithmetic3A_319 : i32 to vector<16xi32>
        %shift_right_arithmetic3A_321 = arith.shrsi %gather3A_318, %shift_right_arithmetic3A_320 : vector<16xi32>
        %and3A_322 = arith.constant 65535 : i32
        %and3A_323 = vector.broadcast %and3A_322 : i32 to vector<16xi32>
        %and3A_324 = arith.andi %shift_right_arithmetic3A_321, %and3A_323 : vector<16xi32>
        %and3A_325 = arith.constant 65535 : i32
        %and3A_326 = vector.broadcast %and3A_325 : i32 to vector<16xi32>
        %and3A_327 = arith.andi %gather3A_318, %and3A_326 : vector<16xi32>
        %select_n3A_328 = arith.select %ge3A_313, %and3A_324, %and3A_327 : vector<16xi1>, vector<16xi32>
        %gather3A_329 = tpu.vector_load_idx %arg8[%select_n3A_328] : memref<50016xf32, #tpu.memory_space<vmem>>[vector<16xi32>], vector<16xf32>,
        %mul3A_330 = arith.mulf %gather3A_329, %gather3A_329 : vector<16xf32>
        %add3A_331 = arith.addf %scan3A_248, %mul3A_330 : vector<16xf32>
        %get3A_332 = arith.constant 0 : i32
        %get3A_333 = arith.constant 0 : i32
        %get3A_334 = tpu.memref_slice %arg9[%scan3A_238, %get3A_332, %get3A_333] : memref<4x8x128xi32, #tpu.memory_space<vmem>> -> memref<1x8x128xi32, #tpu.memory_space<vmem>>
        %get3A_335 = tpu.memref_squeeze %get3A_334 : memref<1x8x128xi32, #tpu.memory_space<vmem>> -> memref<8x128xi32, #tpu.memory_space<vmem>>
        %get3A_336 = arith.index_cast %scan3A_245 : i32 to index
        %get3A_337 = arith.constant 48 : index
        %get3A_338 = tpu.vector_load %get3A_335[%get3A_336, %get3A_337] {strides = array<i32>} : memref<8x128xi32, #tpu.memory_space<vmem>>, vector<16xi32>,
        %ge3A_339 = arith.constant 50001 : i32
        %ge3A_340 = vector.broadcast %ge3A_339 : i32 to vector<16xi32>
        %ge3A_341 = arith.cmpi sge, %get3A_338, %ge3A_340 : vector<16xi32>
        %sub3A_342 = arith.constant 50001 : i32
        %sub3A_343 = vector.broadcast %sub3A_342 : i32 to vector<16xi32>
        %sub3A_344 = arith.subi %get3A_338, %sub3A_343 : vector<16xi32>
        %select_n3A_345 = arith.select %ge3A_341, %sub3A_344, %get3A_338 : vector<16xi1>, vector<16xi32>
        %gather3A_346 = tpu.vector_load_idx %arg7[%select_n3A_345] : memref<50016xi32, #tpu.memory_space<vmem>>[vector<16xi32>], vector<16xi32>,
        %shift_right_arithmetic3A_347 = arith.constant 16 : i32
        %shift_right_arithmetic3A_348 = vector.broadcast %shift_right_arithmetic3A_347 : i32 to vector<16xi32>
        %shift_right_arithmetic3A_349 = arith.shrsi %gather3A_346, %shift_right_arithmetic3A_348 : vector<16xi32>
        %and3A_350 = arith.constant 65535 : i32
        %and3A_351 = vector.broadcast %and3A_350 : i32 to vector<16xi32>
        %and3A_352 = arith.andi %shift_right_arithmetic3A_349, %and3A_351 : vector<16xi32>
        %and3A_353 = arith.constant 65535 : i32
        %and3A_354 = vector.broadcast %and3A_353 : i32 to vector<16xi32>
        %and3A_355 = arith.andi %gather3A_346, %and3A_354 : vector<16xi32>
        %select_n3A_356 = arith.select %ge3A_341, %and3A_352, %and3A_355 : vector<16xi1>, vector<16xi32>
        %gather3A_357 = tpu.vector_load_idx %arg8[%select_n3A_356] : memref<50016xf32, #tpu.memory_space<vmem>>[vector<16xi32>], vector<16xf32>,
        %mul3A_358 = arith.mulf %gather3A_357, %gather3A_357 : vector<16xf32>
        %add3A_359 = arith.addf %scan3A_249, %mul3A_358 : vector<16xf32>
        %get3A_360 = arith.constant 0 : i32
        %get3A_361 = arith.constant 0 : i32
        %get3A_362 = tpu.memref_slice %arg9[%scan3A_238, %get3A_360, %get3A_361] : memref<4x8x128xi32, #tpu.memory_space<vmem>> -> memref<1x8x128xi32, #tpu.memory_space<vmem>>
        %get3A_363 = tpu.memref_squeeze %get3A_362 : memref<1x8x128xi32, #tpu.memory_space<vmem>> -> memref<8x128xi32, #tpu.memory_space<vmem>>
        %get3A_364 = arith.index_cast %scan3A_245 : i32 to index
        %get3A_365 = arith.constant 64 : index
        %get3A_366 = tpu.vector_load %get3A_363[%get3A_364, %get3A_365] {strides = array<i32>} : memref<8x128xi32, #tpu.memory_space<vmem>>, vector<16xi32>,
        %ge3A_367 = arith.constant 50001 : i32
        %ge3A_368 = vector.broadcast %ge3A_367 : i32 to vector<16xi32>
        %ge3A_369 = arith.cmpi sge, %get3A_366, %ge3A_368 : vector<16xi32>
        %sub3A_370 = arith.constant 50001 : i32
        %sub3A_371 = vector.broadcast %sub3A_370 : i32 to vector<16xi32>
        %sub3A_372 = arith.subi %get3A_366, %sub3A_371 : vector<16xi32>
        %select_n3A_373 = arith.select %ge3A_369, %sub3A_372, %get3A_366 : vector<16xi1>, vector<16xi32>
        %gather3A_374 = tpu.vector_load_idx %arg7[%select_n3A_373] : memref<50016xi32, #tpu.memory_space<vmem>>[vector<16xi32>], vector<16xi32>,
        %shift_right_arithmetic3A_375 = arith.constant 16 : i32
        %shift_right_arithmetic3A_376 = vector.broadcast %shift_right_arithmetic3A_375 : i32 to vector<16xi32>
        %shift_right_arithmetic3A_377 = arith.shrsi %gather3A_374, %shift_right_arithmetic3A_376 : vector<16xi32>
        %and3A_378 = arith.constant 65535 : i32
        %and3A_379 = vector.broadcast %and3A_378 : i32 to vector<16xi32>
        %and3A_380 = arith.andi %shift_right_arithmetic3A_377, %and3A_379 : vector<16xi32>
        %and3A_381 = arith.constant 65535 : i32
        %and3A_382 = vector.broadcast %and3A_381 : i32 to vector<16xi32>
        %and3A_383 = arith.andi %gather3A_374, %and3A_382 : vector<16xi32>
        %select_n3A_384 = arith.select %ge3A_369, %and3A_380, %and3A_383 : vector<16xi1>, vector<16xi32>
        %gather3A_385 = tpu.vector_load_idx %arg8[%select_n3A_384] : memref<50016xf32, #tpu.memory_space<vmem>>[vector<16xi32>], vector<16xf32>,
        %mul3A_386 = arith.mulf %gather3A_385, %gather3A_385 : vector<16xf32>
        %add3A_387 = arith.addf %scan3A_250, %mul3A_386 : vector<16xf32>
        %get3A_388 = arith.constant 0 : i32
        %get3A_389 = arith.constant 0 : i32
        %get3A_390 = tpu.memref_slice %arg9[%scan3A_238, %get3A_388, %get3A_389] : memref<4x8x128xi32, #tpu.memory_space<vmem>> -> memref<1x8x128xi32, #tpu.memory_space<vmem>>
        %get3A_391 = tpu.memref_squeeze %get3A_390 : memref<1x8x128xi32, #tpu.memory_space<vmem>> -> memref<8x128xi32, #tpu.memory_space<vmem>>
        %get3A_392 = arith.index_cast %scan3A_245 : i32 to index
        %get3A_393 = arith.constant 80 : index
        %get3A_394 = tpu.vector_load %get3A_391[%get3A_392, %get3A_393] {strides = array<i32>} : memref<8x128xi32, #tpu.memory_space<vmem>>, vector<16xi32>,
        %ge3A_395 = arith.constant 50001 : i32
        %ge3A_396 = vector.broadcast %ge3A_395 : i32 to vector<16xi32>
        %ge3A_397 = arith.cmpi sge, %get3A_394, %ge3A_396 : vector<16xi32>
        %sub3A_398 = arith.constant 50001 : i32
        %sub3A_399 = vector.broadcast %sub3A_398 : i32 to vector<16xi32>
        %sub3A_400 = arith.subi %get3A_394, %sub3A_399 : vector<16xi32>
        %select_n3A_401 = arith.select %ge3A_397, %sub3A_400, %get3A_394 : vector<16xi1>, vector<16xi32>
        %gather3A_402 = tpu.vector_load_idx %arg7[%select_n3A_401] : memref<50016xi32, #tpu.memory_space<vmem>>[vector<16xi32>], vector<16xi32>,
        %shift_right_arithmetic3A_403 = arith.constant 16 : i32
        %shift_right_arithmetic3A_404 = vector.broadcast %shift_right_arithmetic3A_403 : i32 to vector<16xi32>
        %shift_right_arithmetic3A_405 = arith.shrsi %gather3A_402, %shift_right_arithmetic3A_404 : vector<16xi32>
        %and3A_406 = arith.constant 65535 : i32
        %and3A_407 = vector.broadcast %and3A_406 : i32 to vector<16xi32>
        %and3A_408 = arith.andi %shift_right_arithmetic3A_405, %and3A_407 : vector<16xi32>
        %and3A_409 = arith.constant 65535 : i32
        %and3A_410 = vector.broadcast %and3A_409 : i32 to vector<16xi32>
        %and3A_411 = arith.andi %gather3A_402, %and3A_410 : vector<16xi32>
        %select_n3A_412 = arith.select %ge3A_397, %and3A_408, %and3A_411 : vector<16xi1>, vector<16xi32>
        %gather3A_413 = tpu.vector_load_idx %arg8[%select_n3A_412] : memref<50016xf32, #tpu.memory_space<vmem>>[vector<16xi32>], vector<16xf32>,
        %mul3A_414 = arith.mulf %gather3A_413, %gather3A_413 : vector<16xf32>
        %add3A_415 = arith.addf %scan3A_251, %mul3A_414 : vector<16xf32>
        %get3A_416 = arith.constant 0 : i32
        %get3A_417 = arith.constant 0 : i32
        %get3A_418 = tpu.memref_slice %arg9[%scan3A_238, %get3A_416, %get3A_417] : memref<4x8x128xi32, #tpu.memory_space<vmem>> -> memref<1x8x128xi32, #tpu.memory_space<vmem>>
        %get3A_419 = tpu.memref_squeeze %get3A_418 : memref<1x8x128xi32, #tpu.memory_space<vmem>> -> memref<8x128xi32, #tpu.memory_space<vmem>>
        %get3A_420 = arith.index_cast %scan3A_245 : i32 to index
        %get3A_421 = arith.constant 96 : index
        %get3A_422 = tpu.vector_load %get3A_419[%get3A_420, %get3A_421] {strides = array<i32>} : memref<8x128xi32, #tpu.memory_space<vmem>>, vector<16xi32>,
        %ge3A_423 = arith.constant 50001 : i32
        %ge3A_424 = vector.broadcast %ge3A_423 : i32 to vector<16xi32>
        %ge3A_425 = arith.cmpi sge, %get3A_422, %ge3A_424 : vector<16xi32>
        %sub3A_426 = arith.constant 50001 : i32
        %sub3A_427 = vector.broadcast %sub3A_426 : i32 to vector<16xi32>
        %sub3A_428 = arith.subi %get3A_422, %sub3A_427 : vector<16xi32>
        %select_n3A_429 = arith.select %ge3A_425, %sub3A_428, %get3A_422 : vector<16xi1>, vector<16xi32>
        %gather3A_430 = tpu.vector_load_idx %arg7[%select_n3A_429] : memref<50016xi32, #tpu.memory_space<vmem>>[vector<16xi32>], vector<16xi32>,
        %shift_right_arithmetic3A_431 = arith.constant 16 : i32
        %shift_right_arithmetic3A_432 = vector.broadcast %shift_right_arithmetic3A_431 : i32 to vector<16xi32>
        %shift_right_arithmetic3A_433 = arith.shrsi %gather3A_430, %shift_right_arithmetic3A_432 : vector<16xi32>
        %and3A_434 = arith.constant 65535 : i32
        %and3A_435 = vector.broadcast %and3A_434 : i32 to vector<16xi32>
        %and3A_436 = arith.andi %shift_right_arithmetic3A_433, %and3A_435 : vector<16xi32>
        %and3A_437 = arith.constant 65535 : i32
        %and3A_438 = vector.broadcast %and3A_437 : i32 to vector<16xi32>
        %and3A_439 = arith.andi %gather3A_430, %and3A_438 : vector<16xi32>
        %select_n3A_440 = arith.select %ge3A_425, %and3A_436, %and3A_439 : vector<16xi1>, vector<16xi32>
        %gather3A_441 = tpu.vector_load_idx %arg8[%select_n3A_440] : memref<50016xf32, #tpu.memory_space<vmem>>[vector<16xi32>], vector<16xf32>,
        %mul3A_442 = arith.mulf %gather3A_441, %gather3A_441 : vector<16xf32>
        %add3A_443 = arith.addf %scan3A_252, %mul3A_442 : vector<16xf32>
        %get3A_444 = arith.constant 0 : i32
        %get3A_445 = arith.constant 0 : i32
        %get3A_446 = tpu.memref_slice %arg9[%scan3A_238, %get3A_444, %get3A_445] : memref<4x8x128xi32, #tpu.memory_space<vmem>> -> memref<1x8x128xi32, #tpu.memory_space<vmem>>
        %get3A_447 = tpu.memref_squeeze %get3A_446 : memref<1x8x128xi32, #tpu.memory_space<vmem>> -> memref<8x128xi32, #tpu.memory_space<vmem>>
        %get3A_448 = arith.index_cast %scan3A_245 : i32 to index
        %get3A_449 = arith.constant 112 : index
        %get3A_450 = tpu.vector_load %get3A_447[%get3A_448, %get3A_449] {strides = array<i32>} : memref<8x128xi32, #tpu.memory_space<vmem>>, vector<16xi32>,
        %ge3A_451 = arith.constant 50001 : i32
        %ge3A_452 = vector.broadcast %ge3A_451 : i32 to vector<16xi32>
        %ge3A_453 = arith.cmpi sge, %get3A_450, %ge3A_452 : vector<16xi32>
        %sub3A_454 = arith.constant 50001 : i32
        %sub3A_455 = vector.broadcast %sub3A_454 : i32 to vector<16xi32>
        %sub3A_456 = arith.subi %get3A_450, %sub3A_455 : vector<16xi32>
        %select_n3A_457 = arith.select %ge3A_453, %sub3A_456, %get3A_450 : vector<16xi1>, vector<16xi32>
        %gather3A_458 = tpu.vector_load_idx %arg7[%select_n3A_457] : memref<50016xi32, #tpu.memory_space<vmem>>[vector<16xi32>], vector<16xi32>,
        %shift_right_arithmetic3A_459 = arith.constant 16 : i32
        %shift_right_arithmetic3A_460 = vector.broadcast %shift_right_arithmetic3A_459 : i32 to vector<16xi32>
        %shift_right_arithmetic3A_461 = arith.shrsi %gather3A_458, %shift_right_arithmetic3A_460 : vector<16xi32>
        %and3A_462 = arith.constant 65535 : i32
        %and3A_463 = vector.broadcast %and3A_462 : i32 to vector<16xi32>
        %and3A_464 = arith.andi %shift_right_arithmetic3A_461, %and3A_463 : vector<16xi32>
        %and3A_465 = arith.constant 65535 : i32
        %and3A_466 = vector.broadcast %and3A_465 : i32 to vector<16xi32>
        %and3A_467 = arith.andi %gather3A_458, %and3A_466 : vector<16xi32>
        %select_n3A_468 = arith.select %ge3A_453, %and3A_464, %and3A_467 : vector<16xi1>, vector<16xi32>
        %gather3A_469 = tpu.vector_load_idx %arg8[%select_n3A_468] : memref<50016xf32, #tpu.memory_space<vmem>>[vector<16xi32>], vector<16xf32>,
        %mul3A_470 = arith.mulf %gather3A_469, %gather3A_469 : vector<16xf32>
        %add3A_471 = arith.addf %scan3A_253, %mul3A_470 : vector<16xf32>
        scf.yield %add3A_275, %add3A_303, %add3A_331, %add3A_359, %add3A_387, %add3A_415, %add3A_443, %add3A_471 : vector<16xf32>, vector<16xf32>, vector<16xf32>, vector<16xf32>, vector<16xf32>, vector<16xf32>, vector<16xf32>, vector<16xf32>
      }
      %scan3A_244 = arith.constant 8 : i32
      scf.yield %scan3A_243#0, %scan3A_243#1, %scan3A_243#2, %scan3A_243#3, %scan3A_243#4, %scan3A_243#5, %scan3A_243#6, %scan3A_243#7 : vector<16xf32>, vector<16xf32>, vector<16xf32>, vector<16xf32>, vector<16xf32>, vector<16xf32>, vector<16xf32>, vector<16xf32>
    }
    %scan3A_67 = arith.constant 6 : i32
    %dma_wait3A = arith.constant 0 : i32
    %dma_wait3A_68 = arith.constant 0 : i32
    %dma_wait3A_69 = arith.constant 0 : i32
    %dma_wait3A_70 = tpu.memref_slice %arg9[%dma_wait3A, %dma_wait3A_68, %dma_wait3A_69] : memref<4x8x128xi32, #tpu.memory_space<vmem>> -> memref<1x8x128xi32, #tpu.memory_space<vmem>>
    %dma_wait3A_71 = tpu.memref_squeeze %dma_wait3A_70 : memref<1x8x128xi32, #tpu.memory_space<vmem>> -> memref<8x128xi32, #tpu.memory_space<vmem>>
    %dma_wait3A_72 = arith.constant 192 : i32
    %dma_wait3A_73 = tpu.memref_slice %arg4[%dma_wait3A_72, %mul3A_2] : memref<200x4096xi32, #tpu.memory_space<hbm>> -> memref<8x128xi32, #tpu.memory_space<hbm>>
    %dma_wait3A_74 = arith.constant 0 : i32
    %dma_wait3A_75 = arith.constant 0 : i32
    %dma_wait3A_76 = tpu.memref_slice %arg9[%dma_wait3A, %dma_wait3A_74, %dma_wait3A_75] : memref<4x8x128xi32, #tpu.memory_space<vmem>> -> memref<1x8x128xi32, #tpu.memory_space<vmem>>
    %dma_wait3A_77 = tpu.memref_squeeze %dma_wait3A_76 : memref<1x8x128xi32, #tpu.memory_space<vmem>> -> memref<8x128xi32, #tpu.memory_space<vmem>>
    %dma_wait3A_78 = arith.constant 192 : i32
    %dma_wait3A_79 = tpu.memref_slice %arg4[%dma_wait3A_78, %mul3A_2] : memref<200x4096xi32, #tpu.memory_space<hbm>> -> memref<8x128xi32, #tpu.memory_space<hbm>>
    tpu.wait_dma2 semaphore(%arg15 : memref<!tpu.dma_semaphore, #tpu.memory_space<semaphore_mem>>) src(%dma_wait3A_79 : memref<8x128xi32, #tpu.memory_space<hbm>>) dst(%dma_wait3A_77 : memref<8x128xi32, #tpu.memory_space<vmem>>)
    %scan3A_80 = arith.constant 0 : i32
    %scan3A_81 = arith.constant 0 : i32
    %scan3A_82 = arith.constant 8 : i32
    %scan3A_83 = arith.addi %scan3A_81, %scan3A_82 : i32
    %scan3A_84 = arith.constant 1 : i32
    %scan3A_85:8 = scf.for %scan3A_111 = %scan3A_81 to %scan3A_83 step %scan3A_84 iter_args(%scan3A_112 = %scan3A_66#0, %scan3A_113 = %scan3A_66#1, %scan3A_114 = %scan3A_66#2, %scan3A_115 = %scan3A_66#3, %scan3A_116 = %scan3A_66#4, %scan3A_117 = %scan3A_66#5, %scan3A_118 = %scan3A_66#6, %scan3A_119 = %scan3A_66#7) -> (vector<16xf32>, vector<16xf32>, vector<16xf32>, vector<16xf32>, vector<16xf32>, vector<16xf32>, vector<16xf32>, vector<16xf32>)  : i32 {
      %get3A_120 = arith.constant 0 : i32
      %get3A_121 = arith.constant 0 : i32
      %get3A_122 = tpu.memref_slice %arg9[%scan3A_80, %get3A_120, %get3A_121] : memref<4x8x128xi32, #tpu.memory_space<vmem>> -> memref<1x8x128xi32, #tpu.memory_space<vmem>>
      %get3A_123 = tpu.memref_squeeze %get3A_122 : memref<1x8x128xi32, #tpu.memory_space<vmem>> -> memref<8x128xi32, #tpu.memory_space<vmem>>
      %get3A_124 = arith.index_cast %scan3A_111 : i32 to index
      %get3A_125 = arith.constant 0 : index
      %get3A_126 = tpu.vector_load %get3A_123[%get3A_124, %get3A_125] {strides = array<i32>} : memref<8x128xi32, #tpu.memory_space<vmem>>, vector<16xi32>,
      %ge3A = arith.constant 50001 : i32
      %ge3A_127 = vector.broadcast %ge3A : i32 to vector<16xi32>
      %ge3A_128 = arith.cmpi sge, %get3A_126, %ge3A_127 : vector<16xi32>
      %sub3A = arith.constant 50001 : i32
      %sub3A_129 = vector.broadcast %sub3A : i32 to vector<16xi32>
      %sub3A_130 = arith.subi %get3A_126, %sub3A_129 : vector<16xi32>
      %select_n3A = arith.select %ge3A_128, %sub3A_130, %get3A_126 : vector<16xi1>, vector<16xi32>
      %gather3A = tpu.vector_load_idx %arg7[%select_n3A] : memref<50016xi32, #tpu.memory_space<vmem>>[vector<16xi32>], vector<16xi32>,
      %shift_right_arithmetic3A = arith.constant 16 : i32
      %shift_right_arithmetic3A_131 = vector.broadcast %shift_right_arithmetic3A : i32 to vector<16xi32>
      %shift_right_arithmetic3A_132 = arith.shrsi %gather3A, %shift_right_arithmetic3A_131 : vector<16xi32>
      %and3A = arith.constant 65535 : i32
      %and3A_133 = vector.broadcast %and3A : i32 to vector<16xi32>
      %and3A_134 = arith.andi %shift_right_arithmetic3A_132, %and3A_133 : vector<16xi32>
      %and3A_135 = arith.constant 65535 : i32
      %and3A_136 = vector.broadcast %and3A_135 : i32 to vector<16xi32>
      %and3A_137 = arith.andi %gather3A, %and3A_136 : vector<16xi32>
      %select_n3A_138 = arith.select %ge3A_128, %and3A_134, %and3A_137 : vector<16xi1>, vector<16xi32>
      %gather3A_139 = tpu.vector_load_idx %arg8[%select_n3A_138] : memref<50016xf32, #tpu.memory_space<vmem>>[vector<16xi32>], vector<16xf32>,
      %mul3A_140 = arith.mulf %gather3A_139, %gather3A_139 : vector<16xf32>
      %add3A_141 = arith.addf %scan3A_112, %mul3A_140 : vector<16xf32>
      %get3A_142 = arith.constant 0 : i32
      %get3A_143 = arith.constant 0 : i32
      %get3A_144 = tpu.memref_slice %arg9[%scan3A_80, %get3A_142, %get3A_143] : memref<4x8x128xi32, #tpu.memory_space<vmem>> -> memref<1x8x128xi32, #tpu.memory_space<vmem>>
      %get3A_145 = tpu.memref_squeeze %get3A_144 : memref<1x8x128xi32, #tpu.memory_space<vmem>> -> memref<8x128xi32, #tpu.memory_space<vmem>>
      %get3A_146 = arith.index_cast %scan3A_111 : i32 to index
      %get3A_147 = arith.constant 16 : index
      %get3A_148 = tpu.vector_load %get3A_145[%get3A_146, %get3A_147] {strides = array<i32>} : memref<8x128xi32, #tpu.memory_space<vmem>>, vector<16xi32>,
      %ge3A_149 = arith.constant 50001 : i32
      %ge3A_150 = vector.broadcast %ge3A_149 : i32 to vector<16xi32>
      %ge3A_151 = arith.cmpi sge, %get3A_148, %ge3A_150 : vector<16xi32>
      %sub3A_152 = arith.constant 50001 : i32
      %sub3A_153 = vector.broadcast %sub3A_152 : i32 to vector<16xi32>
      %sub3A_154 = arith.subi %get3A_148, %sub3A_153 : vector<16xi32>
      %select_n3A_155 = arith.select %ge3A_151, %sub3A_154, %get3A_148 : vector<16xi1>, vector<16xi32>
      %gather3A_156 = tpu.vector_load_idx %arg7[%select_n3A_155] : memref<50016xi32, #tpu.memory_space<vmem>>[vector<16xi32>], vector<16xi32>,
      %shift_right_arithmetic3A_157 = arith.constant 16 : i32
      %shift_right_arithmetic3A_158 = vector.broadcast %shift_right_arithmetic3A_157 : i32 to vector<16xi32>
      %shift_right_arithmetic3A_159 = arith.shrsi %gather3A_156, %shift_right_arithmetic3A_158 : vector<16xi32>
      %and3A_160 = arith.constant 65535 : i32
      %and3A_161 = vector.broadcast %and3A_160 : i32 to vector<16xi32>
      %and3A_162 = arith.andi %shift_right_arithmetic3A_159, %and3A_161 : vector<16xi32>
      %and3A_163 = arith.constant 65535 : i32
      %and3A_164 = vector.broadcast %and3A_163 : i32 to vector<16xi32>
      %and3A_165 = arith.andi %gather3A_156, %and3A_164 : vector<16xi32>
      %select_n3A_166 = arith.select %ge3A_151, %and3A_162, %and3A_165 : vector<16xi1>, vector<16xi32>
      %gather3A_167 = tpu.vector_load_idx %arg8[%select_n3A_166] : memref<50016xf32, #tpu.memory_space<vmem>>[vector<16xi32>], vector<16xf32>,
      %mul3A_168 = arith.mulf %gather3A_167, %gather3A_167 : vector<16xf32>
      %add3A_169 = arith.addf %scan3A_113, %mul3A_168 : vector<16xf32>
      %get3A_170 = arith.constant 0 : i32
      %get3A_171 = arith.constant 0 : i32
      %get3A_172 = tpu.memref_slice %arg9[%scan3A_80, %get3A_170, %get3A_171] : memref<4x8x128xi32, #tpu.memory_space<vmem>> -> memref<1x8x128xi32, #tpu.memory_space<vmem>>
      %get3A_173 = tpu.memref_squeeze %get3A_172 : memref<1x8x128xi32, #tpu.memory_space<vmem>> -> memref<8x128xi32, #tpu.memory_space<vmem>>
      %get3A_174 = arith.index_cast %scan3A_111 : i32 to index
      %get3A_175 = arith.constant 32 : index
      %get3A_176 = tpu.vector_load %get3A_173[%get3A_174, %get3A_175] {strides = array<i32>} : memref<8x128xi32, #tpu.memory_space<vmem>>, vector<16xi32>,
      %ge3A_177 = arith.constant 50001 : i32
      %ge3A_178 = vector.broadcast %ge3A_177 : i32 to vector<16xi32>
      %ge3A_179 = arith.cmpi sge, %get3A_176, %ge3A_178 : vector<16xi32>
      %sub3A_180 = arith.constant 50001 : i32
      %sub3A_181 = vector.broadcast %sub3A_180 : i32 to vector<16xi32>
      %sub3A_182 = arith.subi %get3A_176, %sub3A_181 : vector<16xi32>
      %select_n3A_183 = arith.select %ge3A_179, %sub3A_182, %get3A_176 : vector<16xi1>, vector<16xi32>
      %gather3A_184 = tpu.vector_load_idx %arg7[%select_n3A_183] : memref<50016xi32, #tpu.memory_space<vmem>>[vector<16xi32>], vector<16xi32>,
      %shift_right_arithmetic3A_185 = arith.constant 16 : i32
      %shift_right_arithmetic3A_186 = vector.broadcast %shift_right_arithmetic3A_185 : i32 to vector<16xi32>
      %shift_right_arithmetic3A_187 = arith.shrsi %gather3A_184, %shift_right_arithmetic3A_186 : vector<16xi32>
      %and3A_188 = arith.constant 65535 : i32
      %and3A_189 = vector.broadcast %and3A_188 : i32 to vector<16xi32>
      %and3A_190 = arith.andi %shift_right_arithmetic3A_187, %and3A_189 : vector<16xi32>
      %and3A_191 = arith.constant 65535 : i32
      %and3A_192 = vector.broadcast %and3A_191 : i32 to vector<16xi32>
      %and3A_193 = arith.andi %gather3A_184, %and3A_192 : vector<16xi32>
      %select_n3A_194 = arith.select %ge3A_179, %and3A_190, %and3A_193 : vector<16xi1>, vector<16xi32>
      %gather3A_195 = tpu.vector_load_idx %arg8[%select_n3A_194] : memref<50016xf32, #tpu.memory_space<vmem>>[vector<16xi32>], vector<16xf32>,
      %mul3A_196 = arith.mulf %gather3A_195, %gather3A_195 : vector<16xf32>
      %add3A_197 = arith.addf %scan3A_114, %mul3A_196 : vector<16xf32>
      %get3A_198 = arith.constant 0 : i32
      %get3A_199 = arith.constant 0 : i32
      %get3A_200 = tpu.memref_slice %arg9[%scan3A_80, %get3A_198, %get3A_199] : memref<4x8x128xi32, #tpu.memory_space<vmem>> -> memref<1x8x128xi32, #tpu.memory_space<vmem>>
      %get3A_201 = tpu.memref_squeeze %get3A_200 : memref<1x8x128xi32, #tpu.memory_space<vmem>> -> memref<8x128xi32, #tpu.memory_space<vmem>>
      %get3A_202 = arith.index_cast %scan3A_111 : i32 to index
      %get3A_203 = arith.constant 48 : index
      %get3A_204 = tpu.vector_load %get3A_201[%get3A_202, %get3A_203] {strides = array<i32>} : memref<8x128xi32, #tpu.memory_space<vmem>>, vector<16xi32>,
      %ge3A_205 = arith.constant 50001 : i32
      %ge3A_206 = vector.broadcast %ge3A_205 : i32 to vector<16xi32>
      %ge3A_207 = arith.cmpi sge, %get3A_204, %ge3A_206 : vector<16xi32>
      %sub3A_208 = arith.constant 50001 : i32
      %sub3A_209 = vector.broadcast %sub3A_208 : i32 to vector<16xi32>
      %sub3A_210 = arith.subi %get3A_204, %sub3A_209 : vector<16xi32>
      %select_n3A_211 = arith.select %ge3A_207, %sub3A_210, %get3A_204 : vector<16xi1>, vector<16xi32>
      %gather3A_212 = tpu.vector_load_idx %arg7[%select_n3A_211] : memref<50016xi32, #tpu.memory_space<vmem>>[vector<16xi32>], vector<16xi32>,
      %shift_right_arithmetic3A_213 = arith.constant 16 : i32
      %shift_right_arithmetic3A_214 = vector.broadcast %shift_right_arithmetic3A_213 : i32 to vector<16xi32>
      %shift_right_arithmetic3A_215 = arith.shrsi %gather3A_212, %shift_right_arithmetic3A_214 : vector<16xi32>
      %and3A_216 = arith.constant 65535 : i32
      %and3A_217 = vector.broadcast %and3A_216 : i32 to vector<16xi32>
      %and3A_218 = arith.andi %shift_right_arithmetic3A_215, %and3A_217 : vector<16xi32>
      %and3A_219 = arith.constant 65535 : i32
      %and3A_220 = vector.broadcast %and3A_219 : i32 to vector<16xi32>
      %and3A_221 = arith.andi %gather3A_212, %and3A_220 : vector<16xi32>
      %select_n3A_222 = arith.select %ge3A_207, %and3A_218, %and3A_221 : vector<16xi1>, vector<16xi32>
      %gather3A_223 = tpu.vector_load_idx %arg8[%select_n3A_222] : memref<50016xf32, #tpu.memory_space<vmem>>[vector<16xi32>], vector<16xf32>,
      %mul3A_224 = arith.mulf %gather3A_223, %gather3A_223 : vector<16xf32>
      %add3A_225 = arith.addf %scan3A_115, %mul3A_224 : vector<16xf32>
      %get3A_226 = arith.constant 0 : i32
      %get3A_227 = arith.constant 0 : i32
      %get3A_228 = tpu.memref_slice %arg9[%scan3A_80, %get3A_226, %get3A_227] : memref<4x8x128xi32, #tpu.memory_space<vmem>> -> memref<1x8x128xi32, #tpu.memory_space<vmem>>
      %get3A_229 = tpu.memref_squeeze %get3A_228 : memref<1x8x128xi32, #tpu.memory_space<vmem>> -> memref<8x128xi32, #tpu.memory_space<vmem>>
      %get3A_230 = arith.index_cast %scan3A_111 : i32 to index
      %get3A_231 = arith.constant 64 : index
      %get3A_232 = tpu.vector_load %get3A_229[%get3A_230, %get3A_231] {strides = array<i32>} : memref<8x128xi32, #tpu.memory_space<vmem>>, vector<16xi32>,
      %ge3A_233 = arith.constant 50001 : i32
      %ge3A_234 = vector.broadcast %ge3A_233 : i32 to vector<16xi32>
      %ge3A_235 = arith.cmpi sge, %get3A_232, %ge3A_234 : vector<16xi32>
      %sub3A_236 = arith.constant 50001 : i32
      %sub3A_237 = vector.broadcast %sub3A_236 : i32 to vector<16xi32>
      %sub3A_238 = arith.subi %get3A_232, %sub3A_237 : vector<16xi32>
      %select_n3A_239 = arith.select %ge3A_235, %sub3A_238, %get3A_232 : vector<16xi1>, vector<16xi32>
      %gather3A_240 = tpu.vector_load_idx %arg7[%select_n3A_239] : memref<50016xi32, #tpu.memory_space<vmem>>[vector<16xi32>], vector<16xi32>,
      %shift_right_arithmetic3A_241 = arith.constant 16 : i32
      %shift_right_arithmetic3A_242 = vector.broadcast %shift_right_arithmetic3A_241 : i32 to vector<16xi32>
      %shift_right_arithmetic3A_243 = arith.shrsi %gather3A_240, %shift_right_arithmetic3A_242 : vector<16xi32>
      %and3A_244 = arith.constant 65535 : i32
      %and3A_245 = vector.broadcast %and3A_244 : i32 to vector<16xi32>
      %and3A_246 = arith.andi %shift_right_arithmetic3A_243, %and3A_245 : vector<16xi32>
      %and3A_247 = arith.constant 65535 : i32
      %and3A_248 = vector.broadcast %and3A_247 : i32 to vector<16xi32>
      %and3A_249 = arith.andi %gather3A_240, %and3A_248 : vector<16xi32>
      %select_n3A_250 = arith.select %ge3A_235, %and3A_246, %and3A_249 : vector<16xi1>, vector<16xi32>
      %gather3A_251 = tpu.vector_load_idx %arg8[%select_n3A_250] : memref<50016xf32, #tpu.memory_space<vmem>>[vector<16xi32>], vector<16xf32>,
      %mul3A_252 = arith.mulf %gather3A_251, %gather3A_251 : vector<16xf32>
      %add3A_253 = arith.addf %scan3A_116, %mul3A_252 : vector<16xf32>
      %get3A_254 = arith.constant 0 : i32
      %get3A_255 = arith.constant 0 : i32
      %get3A_256 = tpu.memref_slice %arg9[%scan3A_80, %get3A_254, %get3A_255] : memref<4x8x128xi32, #tpu.memory_space<vmem>> -> memref<1x8x128xi32, #tpu.memory_space<vmem>>
      %get3A_257 = tpu.memref_squeeze %get3A_256 : memref<1x8x128xi32, #tpu.memory_space<vmem>> -> memref<8x128xi32, #tpu.memory_space<vmem>>
      %get3A_258 = arith.index_cast %scan3A_111 : i32 to index
      %get3A_259 = arith.constant 80 : index
      %get3A_260 = tpu.vector_load %get3A_257[%get3A_258, %get3A_259] {strides = array<i32>} : memref<8x128xi32, #tpu.memory_space<vmem>>, vector<16xi32>,
      %ge3A_261 = arith.constant 50001 : i32
      %ge3A_262 = vector.broadcast %ge3A_261 : i32 to vector<16xi32>
      %ge3A_263 = arith.cmpi sge, %get3A_260, %ge3A_262 : vector<16xi32>
      %sub3A_264 = arith.constant 50001 : i32
      %sub3A_265 = vector.broadcast %sub3A_264 : i32 to vector<16xi32>
      %sub3A_266 = arith.subi %get3A_260, %sub3A_265 : vector<16xi32>
      %select_n3A_267 = arith.select %ge3A_263, %sub3A_266, %get3A_260 : vector<16xi1>, vector<16xi32>
      %gather3A_268 = tpu.vector_load_idx %arg7[%select_n3A_267] : memref<50016xi32, #tpu.memory_space<vmem>>[vector<16xi32>], vector<16xi32>,
      %shift_right_arithmetic3A_269 = arith.constant 16 : i32
      %shift_right_arithmetic3A_270 = vector.broadcast %shift_right_arithmetic3A_269 : i32 to vector<16xi32>
      %shift_right_arithmetic3A_271 = arith.shrsi %gather3A_268, %shift_right_arithmetic3A_270 : vector<16xi32>
      %and3A_272 = arith.constant 65535 : i32
      %and3A_273 = vector.broadcast %and3A_272 : i32 to vector<16xi32>
      %and3A_274 = arith.andi %shift_right_arithmetic3A_271, %and3A_273 : vector<16xi32>
      %and3A_275 = arith.constant 65535 : i32
      %and3A_276 = vector.broadcast %and3A_275 : i32 to vector<16xi32>
      %and3A_277 = arith.andi %gather3A_268, %and3A_276 : vector<16xi32>
      %select_n3A_278 = arith.select %ge3A_263, %and3A_274, %and3A_277 : vector<16xi1>, vector<16xi32>
      %gather3A_279 = tpu.vector_load_idx %arg8[%select_n3A_278] : memref<50016xf32, #tpu.memory_space<vmem>>[vector<16xi32>], vector<16xf32>,
      %mul3A_280 = arith.mulf %gather3A_279, %gather3A_279 : vector<16xf32>
      %add3A_281 = arith.addf %scan3A_117, %mul3A_280 : vector<16xf32>
      %get3A_282 = arith.constant 0 : i32
      %get3A_283 = arith.constant 0 : i32
      %get3A_284 = tpu.memref_slice %arg9[%scan3A_80, %get3A_282, %get3A_283] : memref<4x8x128xi32, #tpu.memory_space<vmem>> -> memref<1x8x128xi32, #tpu.memory_space<vmem>>
      %get3A_285 = tpu.memref_squeeze %get3A_284 : memref<1x8x128xi32, #tpu.memory_space<vmem>> -> memref<8x128xi32, #tpu.memory_space<vmem>>
      %get3A_286 = arith.index_cast %scan3A_111 : i32 to index
      %get3A_287 = arith.constant 96 : index
      %get3A_288 = tpu.vector_load %get3A_285[%get3A_286, %get3A_287] {strides = array<i32>} : memref<8x128xi32, #tpu.memory_space<vmem>>, vector<16xi32>,
      %ge3A_289 = arith.constant 50001 : i32
      %ge3A_290 = vector.broadcast %ge3A_289 : i32 to vector<16xi32>
      %ge3A_291 = arith.cmpi sge, %get3A_288, %ge3A_290 : vector<16xi32>
      %sub3A_292 = arith.constant 50001 : i32
      %sub3A_293 = vector.broadcast %sub3A_292 : i32 to vector<16xi32>
      %sub3A_294 = arith.subi %get3A_288, %sub3A_293 : vector<16xi32>
      %select_n3A_295 = arith.select %ge3A_291, %sub3A_294, %get3A_288 : vector<16xi1>, vector<16xi32>
      %gather3A_296 = tpu.vector_load_idx %arg7[%select_n3A_295] : memref<50016xi32, #tpu.memory_space<vmem>>[vector<16xi32>], vector<16xi32>,
      %shift_right_arithmetic3A_297 = arith.constant 16 : i32
      %shift_right_arithmetic3A_298 = vector.broadcast %shift_right_arithmetic3A_297 : i32 to vector<16xi32>
      %shift_right_arithmetic3A_299 = arith.shrsi %gather3A_296, %shift_right_arithmetic3A_298 : vector<16xi32>
      %and3A_300 = arith.constant 65535 : i32
      %and3A_301 = vector.broadcast %and3A_300 : i32 to vector<16xi32>
      %and3A_302 = arith.andi %shift_right_arithmetic3A_299, %and3A_301 : vector<16xi32>
      %and3A_303 = arith.constant 65535 : i32
      %and3A_304 = vector.broadcast %and3A_303 : i32 to vector<16xi32>
      %and3A_305 = arith.andi %gather3A_296, %and3A_304 : vector<16xi32>
      %select_n3A_306 = arith.select %ge3A_291, %and3A_302, %and3A_305 : vector<16xi1>, vector<16xi32>
      %gather3A_307 = tpu.vector_load_idx %arg8[%select_n3A_306] : memref<50016xf32, #tpu.memory_space<vmem>>[vector<16xi32>], vector<16xf32>,
      %mul3A_308 = arith.mulf %gather3A_307, %gather3A_307 : vector<16xf32>
      %add3A_309 = arith.addf %scan3A_118, %mul3A_308 : vector<16xf32>
      %get3A_310 = arith.constant 0 : i32
      %get3A_311 = arith.constant 0 : i32
      %get3A_312 = tpu.memref_slice %arg9[%scan3A_80, %get3A_310, %get3A_311] : memref<4x8x128xi32, #tpu.memory_space<vmem>> -> memref<1x8x128xi32, #tpu.memory_space<vmem>>
      %get3A_313 = tpu.memref_squeeze %get3A_312 : memref<1x8x128xi32, #tpu.memory_space<vmem>> -> memref<8x128xi32, #tpu.memory_space<vmem>>
      %get3A_314 = arith.index_cast %scan3A_111 : i32 to index
      %get3A_315 = arith.constant 112 : index
      %get3A_316 = tpu.vector_load %get3A_313[%get3A_314, %get3A_315] {strides = array<i32>} : memref<8x128xi32, #tpu.memory_space<vmem>>, vector<16xi32>,
      %ge3A_317 = arith.constant 50001 : i32
      %ge3A_318 = vector.broadcast %ge3A_317 : i32 to vector<16xi32>
      %ge3A_319 = arith.cmpi sge, %get3A_316, %ge3A_318 : vector<16xi32>
      %sub3A_320 = arith.constant 50001 : i32
      %sub3A_321 = vector.broadcast %sub3A_320 : i32 to vector<16xi32>
      %sub3A_322 = arith.subi %get3A_316, %sub3A_321 : vector<16xi32>
      %select_n3A_323 = arith.select %ge3A_319, %sub3A_322, %get3A_316 : vector<16xi1>, vector<16xi32>
      %gather3A_324 = tpu.vector_load_idx %arg7[%select_n3A_323] : memref<50016xi32, #tpu.memory_space<vmem>>[vector<16xi32>], vector<16xi32>,
      %shift_right_arithmetic3A_325 = arith.constant 16 : i32
      %shift_right_arithmetic3A_326 = vector.broadcast %shift_right_arithmetic3A_325 : i32 to vector<16xi32>
      %shift_right_arithmetic3A_327 = arith.shrsi %gather3A_324, %shift_right_arithmetic3A_326 : vector<16xi32>
      %and3A_328 = arith.constant 65535 : i32
      %and3A_329 = vector.broadcast %and3A_328 : i32 to vector<16xi32>
      %and3A_330 = arith.andi %shift_right_arithmetic3A_327, %and3A_329 : vector<16xi32>
      %and3A_331 = arith.constant 65535 : i32
      %and3A_332 = vector.broadcast %and3A_331 : i32 to vector<16xi32>
      %and3A_333 = arith.andi %gather3A_324, %and3A_332 : vector<16xi32>
      %select_n3A_334 = arith.select %ge3A_319, %and3A_330, %and3A_333 : vector<16xi1>, vector<16xi32>
      %gather3A_335 = tpu.vector_load_idx %arg8[%select_n3A_334] : memref<50016xf32, #tpu.memory_space<vmem>>[vector<16xi32>], vector<16xf32>,
      %mul3A_336 = arith.mulf %gather3A_335, %gather3A_335 : vector<16xf32>
      %add3A_337 = arith.addf %scan3A_119, %mul3A_336 : vector<16xf32>
      scf.yield %add3A_141, %add3A_169, %add3A_197, %add3A_225, %add3A_253, %add3A_281, %add3A_309, %add3A_337 : vector<16xf32>, vector<16xf32>, vector<16xf32>, vector<16xf32>, vector<16xf32>, vector<16xf32>, vector<16xf32>, vector<16xf32>
    }
    %scan3A_86 = arith.constant 8 : i32
    %get3A = arith.constant 0 : index
    %get3A_87 = tpu.vector_load %arg11[%get3A] {strides = array<i32>} : memref<16xf32, #tpu.memory_space<vmem>>, vector<16xf32>,
    %add3A_88 = arith.addf %scan3A_85#0, %get3A_87 : vector<16xf32>
    %swap3A = arith.constant 0 : index
    %swap3A_89 = tpu.vector_load %arg10[%swap3A] {strides = array<i32>} : memref<128xf32, #tpu.memory_space<vmem>>, vector<16xf32>,
    tpu.vector_store %arg10[%swap3A], %add3A_88 {strides = array<i32>} : memref<128xf32, #tpu.memory_space<vmem>>, vector<16xf32>,
    %add3A_90 = arith.addf %scan3A_85#1, %get3A_87 : vector<16xf32>
    %swap3A_91 = arith.constant 16 : index
    %swap3A_92 = tpu.vector_load %arg10[%swap3A_91] {strides = array<i32>} : memref<128xf32, #tpu.memory_space<vmem>>, vector<16xf32>,
    tpu.vector_store %arg10[%swap3A_91], %add3A_90 {strides = array<i32>} : memref<128xf32, #tpu.memory_space<vmem>>, vector<16xf32>,
    %add3A_93 = arith.addf %scan3A_85#2, %get3A_87 : vector<16xf32>
    %swap3A_94 = arith.constant 32 : index
    %swap3A_95 = tpu.vector_load %arg10[%swap3A_94] {strides = array<i32>} : memref<128xf32, #tpu.memory_space<vmem>>, vector<16xf32>,
    tpu.vector_store %arg10[%swap3A_94], %add3A_93 {strides = array<i32>} : memref<128xf32, #tpu.memory_space<vmem>>, vector<16xf32>,
    %add3A_96 = arith.addf %scan3A_85#3, %get3A_87 : vector<16xf32>
    %swap3A_97 = arith.constant 48 : index
    %swap3A_98 = tpu.vector_load %arg10[%swap3A_97] {strides = array<i32>} : memref<128xf32, #tpu.memory_space<vmem>>, vector<16xf32>,
    tpu.vector_store %arg10[%swap3A_97], %add3A_96 {strides = array<i32>} : memref<128xf32, #tpu.memory_space<vmem>>, vector<16xf32>,
    %add3A_99 = arith.addf %scan3A_85#4, %get3A_87 : vector<16xf32>
    %swap3A_100 = arith.constant 64 : index
    %swap3A_101 = tpu.vector_load %arg10[%swap3A_100] {strides = array<i32>} : memref<128xf32, #tpu.memory_space<vmem>>, vector<16xf32>,
    tpu.vector_store %arg10[%swap3A_100], %add3A_99 {strides = array<i32>} : memref<128xf32, #tpu.memory_space<vmem>>, vector<16xf32>,
    %add3A_102 = arith.addf %scan3A_85#5, %get3A_87 : vector<16xf32>
    %swap3A_103 = arith.constant 80 : index
    %swap3A_104 = tpu.vector_load %arg10[%swap3A_103] {strides = array<i32>} : memref<128xf32, #tpu.memory_space<vmem>>, vector<16xf32>,
    tpu.vector_store %arg10[%swap3A_103], %add3A_102 {strides = array<i32>} : memref<128xf32, #tpu.memory_space<vmem>>, vector<16xf32>,
    %add3A_105 = arith.addf %scan3A_85#6, %get3A_87 : vector<16xf32>
    %swap3A_106 = arith.constant 96 : index
    %swap3A_107 = tpu.vector_load %arg10[%swap3A_106] {strides = array<i32>} : memref<128xf32, #tpu.memory_space<vmem>>, vector<16xf32>,
    tpu.vector_store %arg10[%swap3A_106], %add3A_105 {strides = array<i32>} : memref<128xf32, #tpu.memory_space<vmem>>, vector<16xf32>,
    %add3A_108 = arith.addf %scan3A_85#7, %get3A_87 : vector<16xf32>
    %swap3A_109 = arith.constant 112 : index
    %swap3A_110 = tpu.vector_load %arg10[%swap3A_109] {strides = array<i32>} : memref<128xf32, #tpu.memory_space<vmem>>, vector<16xf32>,
    tpu.vector_store %arg10[%swap3A_109], %add3A_108 {strides = array<i32>} : memref<128xf32, #tpu.memory_space<vmem>>, vector<16xf32>,
    "tpu.region"() ({
      %run_scoped3A = tpu.sem_alloc : memref<!tpu.dma_semaphore, #tpu.memory_space<semaphore_mem>>
      %dma_start3A_111 = tpu.memref_slice %arg6[%mul3A_2] : memref<4096xf32, #tpu.memory_space<hbm>> -> memref<128xf32, #tpu.memory_space<hbm>>
      %dma_start3A_112 = tpu.memref_slice %arg6[%mul3A_2] : memref<4096xf32, #tpu.memory_space<hbm>> -> memref<128xf32, #tpu.memory_space<hbm>>
      tpu.enqueue_dma source(%arg10 : memref<128xf32, #tpu.memory_space<vmem>>) target(%dma_start3A_112 : memref<128xf32, #tpu.memory_space<hbm>>) target_semaphore(%run_scoped3A : memref<!tpu.dma_semaphore, #tpu.memory_space<semaphore_mem>>)
      %dma_wait3A_113 = tpu.memref_slice %arg6[%mul3A_2] : memref<4096xf32, #tpu.memory_space<hbm>> -> memref<128xf32, #tpu.memory_space<hbm>>
      %dma_wait3A_114 = tpu.memref_slice %arg6[%mul3A_2] : memref<4096xf32, #tpu.memory_space<hbm>> -> memref<128xf32, #tpu.memory_space<hbm>>
      tpu.wait_dma2 semaphore(%run_scoped3A : memref<!tpu.dma_semaphore, #tpu.memory_space<semaphore_mem>>) src(%arg10 : memref<128xf32, #tpu.memory_space<vmem>>) dst(%dma_wait3A_114 : memref<128xf32, #tpu.memory_space<hbm>>)
      tpu.yield
    }) : () -> ()
    return
  }
}

</mosaic_0001>

<sc_bundles>
// kernel: kernel.3.cloned.1.call-start
scs
__scs_entry_jumppad:
0x0: {  	(pc) =	sbr.rel $0x88, $3  }
0x1: {  	(tag) =	ssettag $0x0;
	lr =	simm.s32 $0x1  }
0x2: {  	[smem:$0x3F9D] =	sst lr;
	_ =	strace $0xD0000000  }
0x3: {  	_ = 	snop  }
0x4: {  	_ = 	snop  }
0x5: {  	_ = 	snop  }
0x6: {  	_ = 	snop  }
0x7: {  	_ = 	snop  }
__scs_overlays_trampoline_lowered:
0x8: {  	[smem:$0x3FAC] =	sst s0  }
0x9: {  	[smem:$0x3FAD] =	sst s1  }
0xa: {  	[smem:$0x3FAE] =	sst s2  }
0xb: {  	[smem:$0x3FAF] =	sst s3  }
0xc: {  	[smem:$0x3FB0] =	sst s4  }
0xd: {  	[smem:$0x3FB1] =	sst s5  }
0xe: {  	[smem:$0x3FB2] =	sst s6  }
0xf: {  	[smem:$0x3FB3] =	sst s7  }
0x10: {  	[smem:$0x3FB4] =	sst s8  }
0x11: {  	[smem:$0x3FB5] =	sst s9;
	s0 =	simm.s32 @!p0 $0x0  }
0x12: {  	s1 =	sld [smem:$0x3F9B];
	s0 =	simm.s32 @p0 $0x1  }
0x13: {  	[smem:$0x3FB6] =	sst s0;
	s0 =	simm.s32 @!p1 $0x0  }
0x14: {  	s2 =	sld [smem:$0x3F9A];
	s0 =	simm.s32 @p1 $0x1  }
0x15: {  	[smem:$0x3FB7] =	sst s0;
	s0 =	simm.s32 @!p2 $0x0  }
0x16: {  	s3 =	sld [smem:$0x3FDB];
	s0 =	simm.s32 @p2 $0x1  }
0x17: {  	s4 =	simm.s32 $0x1BF5;
	[smem:$0x3FB9] =	sst s0  }
0x18: {  	s0 =	sld [smem:$0x3F9C];
	_ =	swait.ge [sflag:s4], $0x0  }
0x19: {  	s7 =	sld [smem:$0x3F9D]  }
0x1a: {  	s8 =	sadd.s32 $0xFFFFE003, lr  }
0x1b: {  	s9 =	sadd.s32 $0xFFFFFEF7, lr;
	s5 =	simm.s32 $0xFFFFFFFF;
	p2 =	slt.u32 s8, $0xFFFFF086  }
0x1c: {  	p1 =	slt.u32 s9, $0xF7A;
	s5 =	simm.s32 @!p2 $0x0  }
0x1d: {  	s5 =	simm.s32 @p1 $0x1;
	p0 =	seq.s32 s7, s2  }
0x1e: {  	s7 =	smul.u32 @!p0 $0xF7A, s2;
	p2 =	seq.s32 @!p0 s5, $0x0  }
0x1f: {  	s9 =	smul.u32 $0xF7A, s1;
	s8 =	simm.s32 @!p0 $0x1BF5;
	p2 =	por !p2, p0  }
0x20: {  	[sflag:s8] =	ssyncset.s32 @!p0 $0xFFFFF086;
	s6 =	sadd.s32 @!p0 s3, s7;
	s7 =	simm.s32 @!p0 $0x108  }
0x21: {  	s3 =	sadd.s32 s3, s9;
	s6 =	sadd.s32 @!p0 $0x88, s6;
	s7 =	simm.s32 @p2 $0x1082  }
0x22: {  	[simem:s7], [sflag:s8] =	dma.local @!p0 [hbm:s6], $0xF7A  }
0x23: {  	s9 =	sor.u32 $0xD0000000, s2;
	s6 =	simm.s32 $0x108;
	_ =	swait.ge @!p0 [sflag:s8], $0x0  }
0x24: {  	s3 =	sadd.s32 $0x88, s3;
	s6 =	simm.s32 @!p1 $0x1082;
	[sflag:s4] =	ssyncset.s32 $0xFFFFF086  }
0x25: {  	[simem:s6], [sflag:s4] =	dma.local [hbm:s3], $0xF7A  }
0x26: {  	[smem:$0x3F9D] =	sst s1;
	(tag) =	ssettag s2;
	_ =	strace s9  }
0x27: {  	s1 =	sld [smem:$0x3FAD]  }
0x28: {  	s2 =	sld [smem:$0x3FAE]  }
0x29: {  	s4 =	sld [smem:$0x3FB0]  }
0x2a: {  	p0 =	seq.s32 s5, $0x0;
	s5 =	sld [smem:$0x3FB1]  }
0x2b: {  	s6 =	sld [smem:$0x3FB2]  }
0x2c: {  	s7 =	sld [smem:$0x3FB3]  }
0x2d: {  	s3 =	simm.s32 $0x108;
	s8 =	sld [smem:$0x3FB4]  }
0x2e: {  	s3 =	simm.s32 @!p0 $0x1082;
	s9 =	sld [smem:$0x3FB5]  }
0x2f: {  	lr =	sadd.s32 s0, s3;
	s0 =	sld [smem:$0x3FAC]  }
0x30: {  	s3 =	sld [smem:$0x3FAF]  }
0x31: {  	[smem:$0x3FB8] =	sst s10  }
0x32: {  	s10 =	sld [smem:$0x3FB6];
	_ =	sdelay $0x3  }
0x33: {  	p0 =	seq.s32 s10, $0x1;
	s10 =	sld [smem:$0x3FB8];
	_ =	sdelay $0x3  }
0x34: {  	[smem:$0x3FB8] =	sst s10  }
0x35: {  	s10 =	sld [smem:$0x3FB7];
	_ =	sdelay $0x3  }
0x36: {  	p1 =	seq.s32 s10, $0x1;
	s10 =	sld [smem:$0x3FB8];
	_ =	sdelay $0x3  }
0x37: {  	[smem:$0x3FB8] =	sst s10  }
0x38: {  	s10 =	sld [smem:$0x3FB9]  }
0x39: {  	_ = 	snop;
	(pc) =	sbr.ind lr, $3  }
0x3a: {  	_ = 	snop  }
0x3b: {  	_ = 	snop  }
0x3c: {  	p2 =	seq.s32 s10, $0x1;
	s10 =	sld [smem:$0x3FB8]  }
0x3d: {  	_ =	shalt  }
0x3e: {  	_ =	shalt  }
0x3f: {  	_ =	shalt  }
0x40: {  	_ =	shalt  }
0x41: {  	_ =	shalt  }
0x42: {  	_ =	shalt  }
0x43: {  	_ =	shalt  }
0x44: {  	_ =	shalt  }
0x45: {  	_ =	shalt  }
0x46: {  	_ =	shalt  }
0x47: {  	_ =	shalt  }
0x48: {  	_ =	shalt  }
0x49: {  	_ =	shalt  }
0x4a: {  	_ =	shalt  }
0x4b: {  	_ =	shalt  }
0x4c: {  	_ =	shalt  }
0x4d: {  	_ =	shalt  }
0x4e: {  	_ =	shalt  }
0x4f: {  	_ =	shalt  }
0x50: {  	_ =	shalt  }
0x51: {  	_ =	shalt  }
0x52: {  	_ =	shalt  }
0x53: {  	_ =	shalt  }
0x54: {  	_ =	shalt  }
0x55: {  	_ =	shalt  }
0x56: {  	_ =	shalt  }
0x57: {  	_ =	shalt  }
0x58: {  	_ =	shalt  }
0x59: {  	_ =	shalt  }
0x5a: {  	_ =	shalt  }
0x5b: {  	_ =	shalt  }
0x5c: {  	_ =	shalt  }
0x5d: {  	_ =	shalt  }
0x5e: {  	_ =	shalt  }
0x5f: {  	_ =	shalt  }
0x60: {  	_ =	shalt  }
0x61: {  	_ =	shalt  }
0x62: {  	_ =	shalt  }
0x63: {  	_ =	shalt  }
0x64: {  	_ =	shalt  }
0x65: {  	_ =	shalt  }
0x66: {  	_ =	shalt  }
0x67: {  	_ =	shalt  }
0x68: {  	_ =	shalt  }
0x69: {  	_ =	shalt  }
0x6a: {  	_ =	shalt  }
0x6b: {  	_ =	shalt  }
0x6c: {  	_ =	shalt  }
0x6d: {  	_ =	shalt  }
0x6e: {  	_ =	shalt  }
0x6f: {  	_ =	shalt  }
0x70: {  	_ =	shalt  }
0x71: {  	_ =	shalt  }
0x72: {  	_ =	shalt  }
0x73: {  	_ =	shalt  }
0x74: {  	_ =	shalt  }
0x75: {  	_ =	shalt  }
0x76: {  	_ =	shalt  }
0x77: {  	_ =	shalt  }
0x78: {  	_ =	shalt  }
0x79: {  	_ =	shalt  }
0x7a: {  	_ =	shalt  }
0x7b: {  	_ =	shalt  }
0x7c: {  	_ =	shalt  }
0x7d: {  	_ =	shalt  }
0x7e: {  	_ =	shalt  }
0x7f: {  	_ =	shalt  }
0x80: {  	_ =	shalt  }
0x81: {  	_ =	shalt  }
0x82: {  	_ =	shalt  }
0x83: {  	_ =	shalt  }
0x84: {  	_ =	shalt  }
0x85: {  	_ =	shalt  }
0x86: {  	_ =	shalt  }
0x87: {  	_ =	shalt  }
.Lfunc_end0:
.L_simem_size_0:
called_computation_lowered:
.L_overlay_start_0:
0x88: {  	s2 =	sld [smem:$0x3FD9]  }
0x89: {  	s3 =	sld [smem:$0x3FFE];
	_ =	sdelay $0x1  }
0x8a: {  	s1 =	srdreg.scid  }
0x8b: {  	s0 =	sand.u32 $0x1, s1  }
0x8c: {  	s17 =	sshll.u32 s0, $0xA;
	s2 =	sadd.s32 s3, s2  }
0x8d: {  	s2 =	sadd.s32 s2, s17  }
0x8e: {  	[smem:$0x3FC4] =	sst s2  }
0x8f: {  	_ = 	snop  }
0x90: {  	s2 =	sld [smem:$0x3FC9]  }
0x91: {  	s18 =	sld [smem:$0x3FD0];
	(tm) =	ssettm $0x1  }
0x92: {  	s4 =	sld [smem:$0x3FFB];
	_ =	sdelay $0x3  }
0x93: {  	_ =	strace s4  }
0x94: {  	s4 =	sld [smem:$0x3FFC];
	_ =	sdelay $0x3  }
0x95: {  	_ =	strace s4  }
0x96: {  	s4 =	sld [smem:$0x3FFD];
	_ =	sdelay $0x3  }
0x97: {  	_ =	strace s4  }
0x98: {  	_ =	strace $0x8FFFFFFF  }
0x99: {  	s19 =	sld [smem:$0x3FDB];
	_ =	sdelay $0x1  }
0x9a: {  	s5 =	simm.s32 $_scs_section_size  }
0x9b: {  	s6 =	simm.s32 $_size__tile_overlayer_lowered;
	s7 =	simm.s32 $_tile_overlayer_lowered  }
0x9c: {  	s22 =	simm.s32 $0x1BFF;
	s21 =	sshll.u32 s7, $0x1;
	s4 =	sadd.s32 s5, s19  }
0x9d: {  	s8 =	simm.s32 $0x0;
	s20 =	sshll.u32 s6, $0x1;
	s6 =	sadd.s32 s21, s4  }
0x9e: {  	[timem:s8], [sflag:s22] =	dma.local [hbm:s6], s20  }
0x9f: {  	_ =	swait.ge [sflag:s22], s20  }
0xa0: {  	s5 =	ssub.s32 $0x0, s20;
	[sflag:s22] =	ssyncset.done $0x0  }
0xa1: {  	[sflag:s22] =	ssyncadd.s32 s5;
	_ =	sdelay $0x1  }
0xa2: {  	s23 =	simm.s32 $0x1B8B  }
0xa3: {  	_ =	swait.ge [sflag:s23], $0x1  }
0xa4: {  	[sflag:s23] =	ssyncset.done $0x0  }
0xa5: {  	s25 =	simm.s32 $0x1B8E;
	s24 =	sld [smem:$0x3FFE];
	[sflag:s23] =	ssyncadd.s32 $0xFFFFFFFF  }
0xa6: {  	s26 =	simm.s32 $execute0_lowered;
	[smem:$0x3FD2] =	sst s25  }
0xa7: {  	s6 =	sshll.u32 s26, $0x1;
	_ =	strace $0x80000046;
	[dreg:$0x1] =	wrdreg $0xFFFFFFFF  }
0xa8: {  	s28 =	simm.s32 $_size_execute0_lowered;
	s4 =	sadd.s32 s4, s6;
	[dreg:$0x0] =	wrdreg $0x0  }
0xa9: {  	s6 =	sshll.u32 s28, $0x1;
	[dreg:$0x2] =	wrdreg s4  }
0xaa: {  	[dreg:$0x3] =	wrdreg s6  }
0xab: {  	[dreg:$0x4] =	wrdreg $0xC0  }
0xac: {  	_ =	task [dreg:s8], $0x5FFFF  }
0xad: {  	[dreg:$0x1] =	wrdreg $0xFFFFFFFF  }
0xae: {  	[dreg:$0x0] =	wrdreg $0x60  }
0xaf: {  	[dreg:$0x2] =	wrdreg s24  }
0xb0: {  	[dreg:$0x3] =	wrdreg s2  }
0xb1: {  	[dreg:$0x4] =	wrdreg s18  }
0xb2: {  	[dreg:$0x5] =	wrdreg $0x198000  }
0xb3: {  	[dreg:$0x6] =	wrdreg $0x1A4380  }
0xb4: {  	[dreg:$0x7] =	wrdreg $0x9  }
0xb5: {  	_ =	task.clear_ibuf [dreg:s8], $0x8FFFF;
	_ =	strace $0x90000046  }
0xb6: {  	s29 =	simm.s32 $0x9;
	_ =	strace $0x80000048  }
0xb7: {  	_ =	swait.ge [sflag:s29], $0x1  }
0xb8: {  	[sflag:s29] =	ssyncadd.s32 $0xFFFFFFFF  }
0xb9: {  	_ =	strace $0x90000048  }
0xba: {  	_ =	sfence  }
0xbb: {  	s30 =	sld [smem:$0x0];
	_ =	sdelay $0x2  }
0xbc: {  	s31 =	sshll.u32 s1, $0xD;
	s1 =	sshrl.u32 s1, $0x2  }
0xbd: {  	s3 =	sand.u32 $0x4000, s31;
	s1 =	sadd.s32 s1, s30  }
0xbe: {  	s0 =	sor.u32 s3, s0;
	s1 =	sshll.u32 s1, $0x11  }
0xbf: {  	s0 =	sor.u32 s1, s0  }
0xc0: {  	s0 =	sadd.s32 $0x8F2B, s0  }
0xc1: {  	[sflag:s0] =	ssyncadd.remote.s32 $0x1  }
0xc2: {  	_ =	sfence.sel $0xFFFF  }
0xc3: {  	[dreg:$0x0] =	wrdreg $0xFFFFFFFF;
	(pc) =	sbr.abs _section_cstart, $3  }
0xc4: {  	[dreg:$0x1] =	wrdreg $0xFFFFFFFF  }
0xc5: {  	_ =	task.clear_ibuf [dreg:s8], $0x2FFFF;
	_ =	strace $0x9FFFFFFF  }
0xc6: {  	(tm) =	ssettm $0x7FFFFFFF  }
0xc7: {  	_ =	shalt  }
tec
execute0_lowered:
.L_overlay_start_1:
0x0: {  	(tag) =	ssettag $0x1  }
0x1: {  	s9 =	rddreg [dreg:$0x0]  }
0x2: {  	s2 =	rddreg [dreg:$0x1]  }
0x3: {  	s0 =	rddreg [dreg:$0x2]  }
0x4: {  	s3 =	rddreg [dreg:$0x3]  }
0x5: {  	s4 =	rddreg [dreg:$0x4];
	s5 =	simm.s32 $0x0  }
0x6: {  	s1 =	srdreg.scid;
	s6 =	stileid.u32;
	s20 =	simm.s32 $0x1  }
0x7: {  	s22 =	simm.s32 $0xC380;
	s23 =	simm.s32 $0x18700;
	s28 =	simm.s32 $0x19300  }
0x8: {  	s29 =	simm.s32 $0x3;
	s30 =	simm.s32 $0x4;
	s31 =	simm.s32 $0x5  }
0x9: {  	s19 =	simm.s32 $0x6;
	[smem:$0x7FF] =	sst s5;
	s1 =	sand.u32 $0x1, s1  }
0xa: {  	s7 =	sshll.u32 s6, $0x1;
	s24 =	sadd.s32 $0x1A00, s9;
	s15 =	sadd.s32 $0x3000, s2  }
0xb: {  	p0 =	seq.s32 s6, $0x1;
	s26 =	sshrl.u32 s4, $0x3;
	p1 =	sne.s32 s6, $0x0  }
0xc: {  	_ =	strace $0x80000047;
	s16 =	sor.u32 s1, s7;
	[dreg:$0x6] =	wrdreg s24  }
0xd: {  	s1 =	ssub.s32 $0x2, s1;
	s7 =	sadd.s32 $0x3400, s9;
	[dreg:$0x7] =	wrdreg s26  }
0xe: {  	s26 =	simm.s32 $0x2;
	s8 =	sshll.u32 s16, $0x7;
	s25 =	sshrl.u32 s1, $0x1  }
0xf: {  	s9 =	sshll.u32 s16, $0xA;
	s16 =	sshll.u32 s16, $0x4;
	s8 =	sadd.s32 s2, s8  }
0x10: {  	s1 =	ssub.s32 s1, s25;
	s12 =	sor.u32 $0x20000, s9;
	s13 =	sor.u32 $0x28000, s9  }
0x11: {  	s14 =	sor.u32 $0x30000, s9;
	s16 =	sadd.s32 s0, s16;
	s10 =	sadd.s32 $0x1000, s8  }
0x12: {  	s11 =	sadd.s32 $0x2000, s8;
	s17 =	smax.u32 s1, $0x1;
	s1 =	simm.s32 $0x0  }
.LBB2_1:
.Ltmp0:
0x13: {  	(pc) =	sbr.rel @p0 .LBB2_4-.Ltmp0, $1  }
0x14: {  	_ =	sdelay $0x3  }
.Ltmp1:
0x15: {  	(pc) =	sbr.rel @p1 .LBB2_6-.Ltmp1, $1  }
0x16: {  	_ =	sdelay $0x3  }
.Ltmp2:
0x17: {  	(pc) =	sbr.rel .LBB2_5-.Ltmp2, $3  }
0x18: {  	_ =	sdelay $0x1  }
0x19: {  	s6 =	sshrl.u32 s3, $0x3;
	s0 =	rddreg [dreg:$0x0];
	s18 =	simm.s32 $0x1C01  }
0x1a: {  	[spmem:s6], [sflag:s18] =	dma.local [hbm:s0], $0x1870  }
.LBB2_4:
0x1b: {  	s0 =	rddreg [dreg:$0x6]  }
0x1c: {  	s6 =	rddreg [dreg:$0x7];
	s18 =	simm.s32 $0x1C41  }
0x1d: {  	[spmem:s6], [sflag:s18] =	dma.local [hbm:s0], $0x1870  }
.LBB2_5:
0x1e: {  	_ =	swait.ge [sflag:s20], $0x1870  }
0x1f: {  	[sflag:s20] =	ssyncset.done $0x0  }
0x20: {  	[sflag:s20] =	ssyncadd.s32 $0xFFFFE790  }
.LBB2_6:
0x21: {  	s6 =	simm.s32 $0x0;
	s0 =	simm.s32 $0x19780  }
0x22: {  	[tilespmem:s0], [sflag:$0x1] =	stream.linear.gather [hbm4b:s7+s6], $0x80, $0x38;
	[tilespmem:$0x1B070] =	vst v63  }
0x23: {  	[bflag:$0x0] =	sbarrier.arrive $0xFFFF  }
0x24: {  	[tilespmem:s6], [sflag:$0x1] =	stream.linear.gather [spmem:s3], $0xC380, $0x38;
	[tilespmem:$0x1B070] =	vst v63  }
0x25: {  	_ = 	snop  }
0x26: {  	[tilespmem:s22], [sflag:$0x1] =	stream.linear.gather [spmem:s4], $0xC380, $0x38;
	[tilespmem:$0x1B070] =	vst v63  }
0x27: {  	_ = 	snop  }
0x28: {  	[tilespmem:s23], [sflag:$0x2] =	stream.linear.gather [hbm4b:s8+s6], $0x400, $0x38;
	[tilespmem:$0x1B070] =	vst v63  }
0x29: {  	s24 =	simm.s32 $0x18B00  }
0x2a: {  	[tilespmem:s24], [sflag:$0x3] =	stream.linear.gather [hbm4b:s10+s6], $0x400, $0x38;
	[tilespmem:$0x1B070] =	vst v63  }
0x2b: {  	s25 =	simm.s32 $0x18F00  }
0x2c: {  	[tilespmem:s25], [sflag:$0x4] =	stream.linear.gather [hbm4b:s11+s6], $0x400, $0x38;
	[tilespmem:$0x1B070] =	vst v63  }
0x2d: {  	_ =	swait.ge [sflag:s20], $0xC380  }
0x2e: {  	[sflag:s20] =	ssyncset.done $0x0  }
0x2f: {  	[sflag:s20] =	ssyncadd.s32 $0xFFFF3C80  }
0x30: {  	_ =	swait.ge [sflag:s20], $0xC380  }
0x31: {  	[sflag:s20] =	ssyncset.done $0x0  }
0x32: {  	[sflag:s20] =	ssyncadd.s32 $0xFFFF3C80  }
0x33: {  	v0 =	vimm.f32 $0.0e+00;
	v6 =	vimm.f32 $0.0e+00;
	_ =	swait.ge [sflag:s20], $0x80  }
0x34: {  	v1 =	vimm.f32 $0.0e+00;
	v2 =	vimm.f32 $0.0e+00;
	v3 =	vimm.f32 $0.0e+00;
	[sflag:s20] =	ssyncset.done $0x0  }
0x35: {  	v4 =	vimm.f32 $0.0e+00;
	v5 =	vimm.f32 $0.0e+00;
	v7 =	vimm.f32 $0.0e+00;
	s18 =	simm.s32 $0x0;
	[sflag:s20] =	ssyncadd.s32 $0xFFFFFF80  }
.LBB2_7:
0x36: {  	s21 =	sshll.u32 s18, $0x11  }
0x37: {  	_ =	swait.ge [sflag:s26], $0x400;
	s24 =	sor.u32 s9, s21  }
0x38: {  	[sflag:s26] =	ssyncset.done $0x0;
	s24 =	sshrl.u32 s24, $0x3  }
0x39: {  	s0 =	simm.s32 $0x0;
	[sflag:s26] =	ssyncadd.s32 $0xFFFFFC00;
	s24 =	sadd.s32 s24, s15  }
0x3a: {  	[tilespmem:s28], [sflag:$0x5] =	stream.linear.gather [hbm4b:s24+s6], $0x400, $0x38;
	[tilespmem:$0x1B070] =	vst v63  }
0x3b: {  	v8 =	vld [tilespmem:s0+$0x18770]  }
0x3c: {  	v9 =	vld [tilespmem:s0+$0x18700]  }
0x3d: {  	v10 =	vld [tilespmem:s0+$0x18710]  }
0x3e: {  	v12 =	vld [tilespmem:s0+$0x18720]  }
0x3f: {  	v13 =	vld [tilespmem:s0+$0x18740]  }
0x40: {  	v17 =	vld [tilespmem:s0+$0x18760];
	vm7 =	vgt.s32 v8, $0xC350;
	v11 =	vadd.s32 $0xFFFF3CAF, v8  }
0x41: {  	vm6 =	vgt.s32 v9, $0xC350;
	v8 =	vsel vm7, v11, v8;
	v11 =	vld [tilespmem:s0+$0x18730]  }
0x42: {  	s25 =	simm.s32 $0x80;
	v15 =	vld [tilespmem:s0+$0x18750];
	v14 =	vadd.s32 $0xFFFF3CAF, v9;
	vm1 =	vgt.s32 v10, $0xC350;
	v16 =	vadd.s32 $0xFFFF3CAF, v10  }
0x43: {  	v18 =	vld [tilespmem:s25+$0x18700];
	vm2 =	vgt.s32 v12, $0xC350;
	v9 =	vsel vm6, v14, v9;
	v14 =	vadd.s32 $0xFFFF3CAF, v12  }
0x44: {  	v19 =	vld [tilespmem:s25+$0x18710];
	vm0 =	vgt.s32 v13, $0xC350;
	v12 =	vsel vm2, v14, v12;
	v14 =	vadd.s32 $0xFFFF3CAF, v13  }
0x45: {  	v20 =	vld [tilespmem:s25+$0x18720];
	vm4 =	vgt.s32 v17, $0xC350;
	v10 =	vsel vm1, v16, v10;
	v13 =	vsel vm0, v14, v13  }
0x46: {  	v21 =	vld [tilespmem:s25+$0x18730];
	v14 =	vadd.s32 $0xFFFF3CAF, v17;
	vm5 =	vgt.s32 v11, $0xC350;
	v16 =	vadd.s32 $0xFFFF3CAF, v11  }
0x47: {  	v14 =	vsel vm4, v14, v17;
	v17 =	vld [tilespmem:s25+$0x18770];
	v11 =	vsel vm5, v16, v11  }
0x48: {  	v8 =	vld.idx.msk [tilespmem:v8+s5+$0x0], $0xffff  }
0x49: {  	vm3 =	vgt.s32 v15, $0xC350;
	vm13 =	vgt.s32 v18, $0xC350;
	v9 =	vld.idx.msk [tilespmem:v9+s5+$0x0], $0xffff  }
0x4a: {  	v23 =	vadd.s32 $0xFFFF3CAF, v18;
	vm14 =	vgt.s32 v19, $0xC350;
	vm8 =	vgt.s32 v20, $0xC350;
	v10 =	vld.idx.msk [tilespmem:v10+s5+$0x0], $0xffff  }
0x4b: {  	vm15 =	vgt.s32 v21, $0xC350;
	v18 =	vsel vm13, v23, v18;
	v16 =	vadd.s32 $0xFFFF3CAF, v15;
	v12 =	vld.idx.msk [tilespmem:v12+s5+$0x0], $0xffff  }
0x4c: {  	v15 =	vsel vm3, v16, v15;
	vm9 =	vgt.s32 v17, $0xC350;
	v22 =	vadd.s32 $0xFFFF3CAF, v17;
	v11 =	vld.idx.msk [tilespmem:v11+s5+$0x0], $0xffff  }
0x4d: {  	v13 =	vld.idx.msk [tilespmem:v13+s5+$0x0], $0xffff;
	v17 =	vsel vm9, v22, v17;
	v16 =	vshrl.u32 v8, $0x10;
	v8 =	vand.u32 $0xFFFF, v8  }
0x4e: {  	v24 =	vld [tilespmem:s25+$0x18750];
	v8 =	vsel vm7, v16, v8;
	v16 =	vshrl.u32 v9, $0x10;
	v9 =	vand.u32 $0xFFFF, v9  }
0x4f: {  	v25 =	vld [tilespmem:s25+$0x18760];
	v9 =	vsel vm6, v16, v9;
	v16 =	vshrl.u32 v10, $0x10;
	v10 =	vand.u32 $0xFFFF, v10  }
0x50: {  	v14 =	vld.idx.msk [tilespmem:v14+s5+$0x0], $0xffff;
	v10 =	vsel vm1, v16, v10;
	v16 =	vshrl.u32 v12, $0x10;
	v12 =	vand.u32 $0xFFFF, v12  }
0x51: {  	v15 =	vld.idx.msk [tilespmem:v15+s5+$0x0], $0xffff;
	v12 =	vsel vm2, v16, v12;
	v16 =	vshrl.u32 v11, $0x10;
	v11 =	vand.u32 $0xFFFF, v11  }
0x52: {  	v17 =	vld.idx.msk [tilespmem:v17+s5+$0x0], $0xffff;
	v11 =	vsel vm5, v16, v11;
	v16 =	vshrl.u32 v13, $0x10;
	v13 =	vand.u32 $0xFFFF, v13  }
0x53: {  	v23 =	vadd.s32 $0xFFFF3CAF, v20;
	v22 =	vadd.s32 $0xFFFF3CAF, v19;
	v13 =	vsel vm0, v16, v13;
	v16 =	vld [tilespmem:s25+$0x18740]  }
0x54: {  	v20 =	vsel vm8, v23, v20;
	v19 =	vsel vm14, v22, v19;
	v22 =	vadd.s32 $0xFFFF3CAF, v21;
	v8 =	vld.idx.msk [tilespmem:v8+s22+$0x0], $0xffff  }
0x55: {  	v21 =	vsel vm15, v22, v21;
	v9 =	vld.idx.msk [tilespmem:v9+s22+$0x0], $0xffff  }
0x56: {  	v22 =	vadd.s32 $0xFFFF3CAF, v24;
	vm1 =	vgt.s32 v24, $0xC350;
	v63 =	vshrl.u32 v14, $0x10;
	v10 =	vld.idx.msk [tilespmem:v10+s22+$0x0], $0xffff  }
0x57: {  	v14 =	vand.u32 $0xFFFF, v14;
	vm2 =	vgt.s32 v25, $0xC350;
	v22 =	vsel vm1, v22, v24;
	v12 =	vld.idx.msk [tilespmem:v12+s22+$0x0], $0xffff  }
0x58: {  	v18 =	vld.idx.msk [tilespmem:v18+s5+$0x0], $0xffff;
	v62 =	vshrl.u32 v15, $0x10;
	vm0 =	vgt.s32 v16, $0xC350;
	v23 =	vadd.s32 $0xFFFF3CAF, v16  }
0x59: {  	v20 =	vld.idx.msk [tilespmem:v20+s5+$0x0], $0xffff;
	v15 =	vand.u32 $0xFFFF, v15;
	v8 =	vmul.f32 v8, v8;
	v16 =	vsel vm0, v23, v16  }
0x5a: {  	v19 =	vld.idx.msk [tilespmem:v19+s5+$0x0], $0xffff;
	v24 =	vsel vm3, v62, v15;
	v9 =	vmul.f32 v9, v9;
	v23 =	vadd.s32 $0xFFFF3CAF, v25  }
0x5b: {  	v11 =	vld.idx.msk [tilespmem:v11+s22+$0x0], $0xffff;
	v8 =	vadd.f32 v8, v6;
	v10 =	vmul.f32 v10, v10;
	v23 =	vsel vm2, v23, v25  }
0x5c: {  	v21 =	vld.idx.msk [tilespmem:v21+s5+$0x0], $0xffff;
	v12 =	vmul.f32 v12, v12;
	v6 =	vadd.f32 v9, v7;
	v7 =	vshrl.u32 v17, $0x10  }
0x5d: {  	v9 =	vand.u32 $0xFFFF, v17;
	v25 =	vsel vm4, v63, v14;
	v5 =	vadd.f32 v10, v5;
	v14 =	vld.idx.msk [tilespmem:v22+s5+$0x0], $0xffff  }
0x5e: {  	v22 =	vsel vm9, v7, v9;
	v9 =	vshrl.u32 v18, $0x10;
	v10 =	vand.u32 $0xFFFF, v18;
	v26 =	vld.idx.msk [tilespmem:v16+s5+$0x0], $0xffff  }
0x5f: {  	v4 =	vadd.f32 v12, v4;
	v16 =	vsel vm13, v9, v10;
	v9 =	vld.idx.msk [tilespmem:v13+s22+$0x0], $0xffff  }
0x60: {  	v7 =	vmul.f32 v11, v11;
	v11 =	vand.u32 $0xFFFF, v19;
	v10 =	vshrl.u32 v19, $0x10;
	v15 =	vld.idx.msk [tilespmem:v23+s5+$0x0], $0xffff  }
0x61: {  	v12 =	vand.u32 $0xFFFF, v20;
	v17 =	vsel vm14, v10, v11;
	v11 =	vshrl.u32 v20, $0x10;
	v10 =	vld.idx.msk [tilespmem:v24+s22+$0x0], $0xffff  }
0x62: {  	v13 =	vand.u32 $0xFFFF, v21;
	v18 =	vsel vm8, v11, v12;
	v12 =	vshrl.u32 v21, $0x10;
	v11 =	vld.idx.msk [tilespmem:v25+s22+$0x0], $0xffff  }
0x63: {  	s24 =	simm.s32 $0x600;
	s25 =	simm.s32 $0x100;
	v13 =	vsel vm15, v12, v13;
	v12 =	vld.idx.msk [tilespmem:v22+s22+$0x0], $0xffff;
	v19 =	vshrl.u32 v26, $0x10;
	v20 =	vand.u32 $0xFFFF, v26  }
.LBB2_8:
0x64: {  	p2 =	sne.s32 s24, $0xE00;
	v21 =	vld [tilespmem:s25+$0x18770];
	v19 =	vsel vm0, v19, v20;
	v20 =	vshrl.u32 v14, $0x10;
	v14 =	vand.u32 $0xFFFF, v14  }
0x65: {  	v22 =	vld [tilespmem:s25+$0x18700];
	v20 =	vsel vm1, v20, v14;
	v14 =	vshrl.u32 v15, $0x10;
	v15 =	vand.u32 $0xFFFF, v15  }
0x66: {  	v3 =	vadd.f32 v7, v3;
	v7 =	vmul.f32 v9, v9;
	v23 =	vld [tilespmem:s25+$0x18710];
	v24 =	vsel vm2, v14, v15  }
0x67: {  	v10 =	vmul.f32 v10, v10;
	v9 =	vld [tilespmem:s25+$0x18720]  }
0x68: {  	v2 =	vadd.f32 v7, v2;
	v7 =	vmul.f32 v11, v11;
	v14 =	vld [tilespmem:s25+$0x18730]  }
0x69: {  	v12 =	vmul.f32 v12, v12;
	v11 =	vld [tilespmem:s25+$0x18740];
	vm7 =	vgt.s32 v21, $0xC350;
	v15 =	vadd.s32 $0xFFFF3CAF, v21  }
0x6a: {  	vm4 =	vgt.s32 v22, $0xC350;
	v25 =	vadd.s32 $0xFFFF3CAF, v22;
	v26 =	vld [tilespmem:s25+$0x18750];
	v15 =	vsel vm7, v15, v21  }
0x6b: {  	v8 =	vadd.f32 v12, v8;
	vm5 =	vgt.s32 v23, $0xC350;
	v21 =	vadd.s32 $0xFFFF3CAF, v23;
	v27 =	vld [tilespmem:s25+$0x18760]  }
0x6c: {  	v12 =	vsel vm4, v25, v22;
	vm6 =	vgt.s32 v9, $0xC350;
	v22 =	vadd.s32 $0xFFFF3CAF, v9;
	v16 =	vld.idx.msk [tilespmem:v16+s22+$0x0], $0xffff  }
0x6d: {  	v21 =	vsel vm5, v21, v23;
	vm3 =	vgt.s32 v14, $0xC350;
	v23 =	vadd.s32 $0xFFFF3CAF, v14;
	v17 =	vld.idx.msk [tilespmem:v17+s22+$0x0], $0xffff  }
0x6e: {  	v9 =	vsel vm6, v22, v9;
	vm0 =	vgt.s32 v11, $0xC350;
	v22 =	vadd.s32 $0xFFFF3CAF, v11;
	v18 =	vld.idx.msk [tilespmem:v18+s22+$0x0], $0xffff  }
0x6f: {  	v14 =	vsel vm3, v23, v14;
	vm1 =	vgt.s32 v26, $0xC350;
	v23 =	vadd.s32 $0xFFFF3CAF, v26;
	v15 =	vld.idx.msk [tilespmem:v15+s5+$0x0], $0xffff  }
0x70: {  	v11 =	vsel vm0, v22, v11;
	vm2 =	vgt.s32 v27, $0xC350;
	v22 =	vadd.s32 $0xFFFF3CAF, v27;
	v13 =	vld.idx.msk [tilespmem:v13+s22+$0x0], $0xffff  }
0x71: {  	v1 =	vadd.f32 v10, v1;
	v23 =	vsel vm1, v23, v26;
	v12 =	vld.idx.msk [tilespmem:v12+s5+$0x0], $0xffff;
	v22 =	vsel vm2, v22, v27  }
0x72: {  	v0 =	vadd.f32 v7, v0;
	v16 =	vmul.f32 v16, v16;
	v10 =	vld.idx.msk [tilespmem:v21+s5+$0x0], $0xffff  }
0x73: {  	v7 =	vmul.f32 v17, v17;
	v21 =	vld.idx.msk [tilespmem:v9+s5+$0x0], $0xffff  }
0x74: {  	v6 =	vadd.f32 v16, v6;
	v9 =	vmul.f32 v18, v18;
	v25 =	vld.idx.msk [tilespmem:v14+s5+$0x0], $0xffff  }
0x75: {  	v5 =	vadd.f32 v7, v5;
	v26 =	vld.idx.msk [tilespmem:v11+s5+$0x0], $0xffff;
	v11 =	vshrl.u32 v15, $0x10;
	v15 =	vand.u32 $0xFFFF, v15  }
0x76: {  	v4 =	vadd.f32 v9, v4;
	v7 =	vmul.f32 v13, v13;
	v14 =	vld.idx.msk [tilespmem:v23+s5+$0x0], $0xffff;
	v23 =	vsel vm7, v11, v15  }
.Ltmp3:
0x77: {  	v9 =	vshrl.u32 v12, $0x10;
	v11 =	vand.u32 $0xFFFF, v12;
	v15 =	vld.idx.msk [tilespmem:v22+s5+$0x0], $0xffff;
	(pc) =	sbr.rel @p2 .LBB2_8-.Ltmp3, $4  }
0x78: {  	v16 =	vsel vm4, v9, v11;
	v11 =	vshrl.u32 v10, $0x10;
	v10 =	vand.u32 $0xFFFF, v10;
	v9 =	vld.idx.msk [tilespmem:v19+s22+$0x0], $0xffff  }
0x79: {  	v17 =	vsel vm5, v11, v10;
	v11 =	vshrl.u32 v21, $0x10;
	v12 =	vand.u32 $0xFFFF, v21;
	v10 =	vld.idx.msk [tilespmem:v20+s22+$0x0], $0xffff  }
0x7a: {  	v18 =	vsel vm6, v11, v12;
	v12 =	vshrl.u32 v25, $0x10;
	v13 =	vand.u32 $0xFFFF, v25;
	v11 =	vld.idx.msk [tilespmem:v24+s22+$0x0], $0xffff  }
0x7b: {  	s25 =	sshra.s32 s24, $0x2;
	s24 =	sadd.s32 $0x200, s24;
	v13 =	vsel vm3, v12, v13;
	v19 =	vshrl.u32 v26, $0x10;
	v20 =	vand.u32 $0xFFFF, v26;
	v12 =	vld.idx.msk [tilespmem:v23+s22+$0x0], $0xffff  }
0x7c: {  	v21 =	vld [tilespmem:s25+$0x18770]  }
0x7d: {  	v22 =	vld [tilespmem:s25+$0x18700]  }
0x7e: {  	v23 =	vld [tilespmem:s25+$0x18710]  }
0x7f: {  	v24 =	vld [tilespmem:s25+$0x18720]  }
0x80: {  	v25 =	vld [tilespmem:s25+$0x18730]  }
0x81: {  	v26 =	vld [tilespmem:s25+$0x18740]  }
0x82: {  	v28 =	vld [tilespmem:s25+$0x18750];
	vm10 =	vgt.s32 v21, $0xC350;
	v27 =	vadd.s32 $0xFFFF3CAF, v21  }
0x83: {  	v29 =	vld [tilespmem:s25+$0x18760];
	vm7 =	vgt.s32 v22, $0xC350;
	v40 =	vadd.s32 $0xFFFF3CAF, v22;
	v21 =	vsel vm10, v27, v21  }
0x84: {  	v16 =	vld.idx.msk [tilespmem:v16+s22+$0x0], $0xffff;
	vm3 =	vgt.s32 v23, $0xC350;
	v41 =	vadd.s32 $0xFFFF3CAF, v23;
	v22 =	vsel vm7, v40, v22  }
0x85: {  	v17 =	vld.idx.msk [tilespmem:v17+s22+$0x0], $0xffff;
	vm4 =	vgt.s32 v24, $0xC350;
	v42 =	vadd.s32 $0xFFFF3CAF, v24;
	v23 =	vsel vm3, v41, v23  }
0x86: {  	v18 =	vld.idx.msk [tilespmem:v18+s22+$0x0], $0xffff;
	vm5 =	vgt.s32 v25, $0xC350;
	v43 =	vadd.s32 $0xFFFF3CAF, v25;
	v24 =	vsel vm4, v42, v24  }
0x87: {  	v13 =	vld.idx.msk [tilespmem:v13+s22+$0x0], $0xffff;
	vm6 =	vgt.s32 v26, $0xC350;
	v44 =	vadd.s32 $0xFFFF3CAF, v26;
	v25 =	vsel vm5, v43, v25  }
0x88: {  	vm8 =	vgt.s32 v28, $0xC350;
	v45 =	vadd.s32 $0xFFFF3CAF, v28;
	v26 =	vsel vm6, v44, v26;
	v21 =	vld.idx.msk [tilespmem:v21+s5+$0x0], $0xffff  }
0x89: {  	vm9 =	vgt.s32 v29, $0xC350;
	v46 =	vadd.s32 $0xFFFF3CAF, v29;
	v27 =	vsel vm8, v45, v28;
	v22 =	vld.idx.msk [tilespmem:v22+s5+$0x0], $0xffff  }
0x8a: {  	v28 =	vsel vm9, v46, v29;
	v23 =	vld.idx.msk [tilespmem:v23+s5+$0x0], $0xffff  }
0x8b: {  	v19 =	vsel vm0, v19, v20;
	v20 =	vshrl.u32 v14, $0x10;
	v14 =	vand.u32 $0xFFFF, v14;
	v24 =	vld.idx.msk [tilespmem:v24+s5+$0x0], $0xffff  }
0x8c: {  	v14 =	vsel vm1, v20, v14;
	v20 =	vshrl.u32 v15, $0x10;
	v15 =	vand.u32 $0xFFFF, v15;
	v25 =	vld.idx.msk [tilespmem:v25+s5+$0x0], $0xffff  }
0x8d: {  	v15 =	vsel vm2, v20, v15;
	v20 =	vld.idx.msk [tilespmem:v26+s5+$0x0], $0xffff;
	v47 =	vshrl.u32 v21, $0x10;
	v21 =	vand.u32 $0xFFFF, v21  }
0x8e: {  	v48 =	vld.idx.msk [tilespmem:v27+s5+$0x0], $0xffff;
	v49 =	vshrl.u32 v22, $0x10;
	v22 =	vand.u32 $0xFFFF, v22;
	v21 =	vsel vm10, v47, v21  }
0x8f: {  	v28 =	vld.idx.msk [tilespmem:v28+s5+$0x0], $0xffff;
	v50 =	vshrl.u32 v23, $0x10;
	v23 =	vand.u32 $0xFFFF, v23;
	v22 =	vsel vm7, v49, v22  }
0x90: {  	v19 =	vld.idx.msk [tilespmem:v19+s22+$0x0], $0xffff;
	v51 =	vshrl.u32 v24, $0x10;
	v24 =	vand.u32 $0xFFFF, v24;
	v23 =	vsel vm3, v50, v23  }
0x91: {  	v14 =	vld.idx.msk [tilespmem:v14+s22+$0x0], $0xffff;
	v52 =	vshrl.u32 v25, $0x10;
	v25 =	vand.u32 $0xFFFF, v25;
	v24 =	vsel vm4, v51, v24  }
0x92: {  	v15 =	vld.idx.msk [tilespmem:v15+s22+$0x0], $0xffff;
	v53 =	vshrl.u32 v20, $0x10;
	v20 =	vand.u32 $0xFFFF, v20;
	v25 =	vsel vm5, v52, v25  }
0x93: {  	v54 =	vshrl.u32 v48, $0x10;
	v26 =	vand.u32 $0xFFFF, v48;
	v20 =	vsel vm6, v53, v20;
	v21 =	vld.idx.msk [tilespmem:v21+s22+$0x0], $0xffff  }
0x94: {  	v55 =	vshrl.u32 v28, $0x10;
	v28 =	vand.u32 $0xFFFF, v28;
	v26 =	vsel vm8, v54, v26;
	v22 =	vld.idx.msk [tilespmem:v22+s22+$0x0], $0xffff  }
0x95: {  	v27 =	vsel vm9, v55, v28;
	v23 =	vld.idx.msk [tilespmem:v23+s22+$0x0], $0xffff  }
0x96: {  	v24 =	vld.idx.msk [tilespmem:v24+s22+$0x0], $0xffff  }
0x97: {  	v25 =	vld.idx.msk [tilespmem:v25+s22+$0x0], $0xffff  }
0x98: {  	v20 =	vld.idx.msk [tilespmem:v20+s22+$0x0], $0xffff  }
0x99: {  	v26 =	vld.idx.msk [tilespmem:v26+s22+$0x0], $0xffff  }
0x9a: {  	s24 =	sadd.s32 s12, s21;
	v27 =	vld.idx.msk [tilespmem:v27+s22+$0x0], $0xffff;
	_ =	swait.ge [sflag:s29], $0x400  }
0x9b: {  	v3 =	vadd.f32 v7, v3;
	s24 =	sshrl.u32 s24, $0x3;
	v7 =	vmul.f32 v10, v10;
	[sflag:s29] =	ssyncset.done $0x0  }
0x9c: {  	s0 =	simm.s32 $0x0;
	v9 =	vmul.f32 v9, v9;
	s24 =	sadd.s32 s2, s24;
	[sflag:s29] =	ssyncadd.s32 $0xFFFFFC00  }
0x9d: {  	v1 =	vadd.f32 v7, v1;
	v7 =	vmul.f32 v17, v17;
	[tilespmem:s23], [sflag:$0x2] =	stream.linear.gather [hbm4b:s24+s0], $0x400, $0x38;
	[tilespmem:$0x1B070] =	vst v63  }
0x9e: {  	v10 =	vmul.f32 v11, v11;
	v2 =	vadd.f32 v9, v2;
	v9 =	vmul.f32 v16, v16;
	s0 =	simm.s32 $0x0  }
0x9f: {  	v12 =	vmul.f32 v12, v12;
	v5 =	vadd.f32 v7, v5;
	v7 =	vmul.f32 v19, v19;
	v56 =	vld [tilespmem:s0+$0x18B70]  }
0xa0: {  	v0 =	vadd.f32 v10, v0;
	v11 =	vmul.f32 v13, v13;
	v6 =	vadd.f32 v9, v6;
	v10 =	vld [tilespmem:s0+$0x18B00]  }
0xa1: {  	v9 =	vmul.f32 v18, v18;
	v2 =	vadd.f32 v7, v2;
	v7 =	vmul.f32 v15, v15;
	v16 =	vld [tilespmem:s0+$0x18B20]  }
0xa2: {  	v8 =	vadd.f32 v12, v8;
	v3 =	vadd.f32 v11, v3;
	v11 =	vmul.f32 v14, v14;
	v14 =	vld [tilespmem:s0+$0x18B40]  }
0xa3: {  	v4 =	vadd.f32 v9, v4;
	v7 =	vadd.f32 v7, v0;
	v15 =	vmul.f32 v21, v21;
	v21 =	vld [tilespmem:s0+$0x18B60]  }
0xa4: {  	v12 =	vld [tilespmem:s0+$0x18B10];
	v0 =	vmul.f32 v25, v25;
	vm15 =	vgt.s32 v56, $0xC350;
	v13 =	vadd.s32 $0xFFFF3CAF, v56  }
0xa5: {  	vm9 =	vgt.s32 v10, $0xC350;
	v17 =	vadd.s32 $0xFFFF3CAF, v10;
	v13 =	vsel vm15, v13, v56  }
0xa6: {  	v9 =	vld [tilespmem:s0+$0x18B30];
	vm10 =	vgt.s32 v16, $0xC350;
	v10 =	vsel vm9, v17, v10;
	v17 =	vadd.s32 $0xFFFF3CAF, v16  }
0xa7: {  	vm2 =	vgt.s32 v14, $0xC350;
	v16 =	vsel vm10, v17, v16;
	v17 =	vadd.s32 $0xFFFF3CAF, v14  }
0xa8: {  	s25 =	simm.s32 $0x80;
	v18 =	vld [tilespmem:s0+$0x18B50];
	vm0 =	vgt.s32 v21, $0xC350;
	v14 =	vsel vm2, v17, v14;
	v17 =	vadd.s32 $0xFFFF3CAF, v21  }
0xa9: {  	v61 =	vld [tilespmem:s25+$0x18B60];
	vm3 =	vgt.s32 v12, $0xC350;
	v19 =	vadd.s32 $0xFFFF3CAF, v12;
	v17 =	vsel vm0, v17, v21  }
0xaa: {  	v0 =	vadd.f32 v0, v3;
	v12 =	vsel vm3, v19, v12;
	v13 =	vld.idx.msk [tilespmem:v13+s5+$0x0], $0xffff  }
0xab: {  	v3 =	vmul.f32 v20, v20;
	v20 =	vld [tilespmem:s25+$0x18B70];
	vm11 =	vgt.s32 v9, $0xC350;
	v19 =	vadd.s32 $0xFFFF3CAF, v9  }
0xac: {  	v9 =	vsel vm11, v19, v9;
	v21 =	vld [tilespmem:s25+$0x18B00]  }
0xad: {  	v11 =	vadd.f32 v11, v1;
	vm1 =	vgt.s32 v18, $0xC350;
	v19 =	vadd.s32 $0xFFFF3CAF, v18;
	v10 =	vld.idx.msk [tilespmem:v10+s5+$0x0], $0xffff  }
0xae: {  	v1 =	vmul.f32 v23, v23;
	v8 =	vadd.f32 v15, v8;
	v18 =	vsel vm1, v19, v18;
	v17 =	vld.idx.msk [tilespmem:v17+s5+$0x0], $0xffff  }
0xaf: {  	v15 =	vmul.f32 v22, v22;
	v12 =	vld.idx.msk [tilespmem:v12+s5+$0x0], $0xffff;
	v19 =	vshrl.u32 v13, $0x10;
	v13 =	vand.u32 $0xFFFF, v13  }
0xb0: {  	v5 =	vadd.f32 v1, v5;
	v16 =	vld.idx.msk [tilespmem:v16+s5+$0x0], $0xffff;
	v13 =	vsel vm15, v19, v13;
	v19 =	vmul.f32 v24, v24  }
0xb1: {  	v6 =	vadd.f32 v15, v6;
	v15 =	vmul.f32 v26, v26;
	v63 =	vadd.s32 $0xFFFF3CAF, v61;
	v9 =	vld.idx.msk [tilespmem:v9+s5+$0x0], $0xffff  }
0xb2: {  	vm12 =	vgt.s32 v20, $0xC350;
	v14 =	vld.idx.msk [tilespmem:v14+s5+$0x0], $0xffff;
	vm13 =	vgt.s32 v21, $0xC350;
	v4 =	vadd.f32 v19, v4  }
0xb3: {  	v1 =	vld.idx.msk [tilespmem:v18+s5+$0x0], $0xffff;
	v19 =	vshrl.u32 v10, $0x10;
	v10 =	vand.u32 $0xFFFF, v10;
	v59 =	vshrl.u32 v17, $0x10  }
0xb4: {  	v10 =	vsel vm9, v19, v10;
	v19 =	vshrl.u32 v12, $0x10;
	v12 =	vand.u32 $0xFFFF, v12  }
0xb5: {  	v57 =	vld [tilespmem:s25+$0x18B30];
	v12 =	vsel vm3, v19, v12;
	v19 =	vshrl.u32 v16, $0x10;
	v16 =	vand.u32 $0xFFFF, v16  }
0xb6: {  	v22 =	vld [tilespmem:s25+$0x18B10];
	v16 =	vsel vm10, v19, v16;
	v19 =	vshrl.u32 v9, $0x10;
	v9 =	vand.u32 $0xFFFF, v9  }
0xb7: {  	v23 =	vld [tilespmem:s25+$0x18B20];
	v9 =	vsel vm11, v19, v9;
	v19 =	vshrl.u32 v14, $0x10;
	v14 =	vand.u32 $0xFFFF, v14  }
0xb8: {  	v60 =	vld [tilespmem:s25+$0x18B50];
	v19 =	vsel vm2, v19, v14;
	v14 =	vshrl.u32 v1, $0x10;
	v1 =	vand.u32 $0xFFFF, v1  }
0xb9: {  	v17 =	vand.u32 $0xFFFF, v17;
	v58 =	vsel vm1, v14, v1;
	v1 =	vld [tilespmem:s25+$0x18B40];
	v14 =	vadd.s32 $0xFFFF3CAF, v20  }
0xba: {  	v13 =	vld.idx.msk [tilespmem:v13+s22+$0x0], $0xffff;
	v14 =	vsel vm12, v14, v20;
	v20 =	vsel vm0, v59, v17;
	v17 =	vadd.s32 $0xFFFF3CAF, v21  }
0xbb: {  	vm14 =	vgt.s32 v22, $0xC350;
	v10 =	vld.idx.msk [tilespmem:v10+s22+$0x0], $0xffff;
	v17 =	vsel vm13, v17, v21;
	v21 =	vadd.s32 $0xFFFF3CAF, v22  }
0xbc: {  	vm15 =	vgt.s32 v23, $0xC350;
	v12 =	vld.idx.msk [tilespmem:v12+s22+$0x0], $0xffff;
	v21 =	vsel vm14, v21, v22;
	v22 =	vadd.s32 $0xFFFF3CAF, v23  }
0xbd: {  	vm3 =	vgt.s32 v57, $0xC350;
	v16 =	vld.idx.msk [tilespmem:v16+s22+$0x0], $0xffff;
	v22 =	vsel vm15, v22, v23;
	v23 =	vadd.s32 $0xFFFF3CAF, v57  }
0xbe: {  	v9 =	vld.idx.msk [tilespmem:v9+s22+$0x0], $0xffff;
	vm0 =	vgt.s32 v1, $0xC350;
	v23 =	vsel vm3, v23, v57;
	v62 =	vadd.s32 $0xFFFF3CAF, v1  }
0xbf: {  	vm1 =	vgt.s32 v60, $0xC350;
	v14 =	vld.idx.msk [tilespmem:v14+s5+$0x0], $0xffff;
	v24 =	vsel vm0, v62, v1;
	v1 =	vadd.s32 $0xFFFF3CAF, v60  }
0xc0: {  	v18 =	vmul.f32 v27, v27;
	vm2 =	vgt.s32 v61, $0xC350;
	v27 =	vsel vm1, v1, v60;
	v17 =	vld.idx.msk [tilespmem:v17+s5+$0x0], $0xffff  }
0xc1: {  	v26 =	vsel vm2, v63, v61;
	v13 =	vmul.f32 v13, v13;
	v1 =	vadd.f32 v3, v2;
	v21 =	vld.idx.msk [tilespmem:v21+s5+$0x0], $0xffff  }
0xc2: {  	v10 =	vmul.f32 v10, v10;
	v2 =	vadd.f32 v15, v11;
	v3 =	vadd.f32 v18, v7;
	v11 =	vld.idx.msk [tilespmem:v22+s5+$0x0], $0xffff  }
0xc3: {  	v7 =	vadd.f32 v13, v8;
	v8 =	vmul.f32 v12, v12;
	v13 =	vmul.f32 v16, v16;
	v12 =	vld.idx.msk [tilespmem:v23+s5+$0x0], $0xffff  }
0xc4: {  	v6 =	vadd.f32 v10, v6;
	v22 =	vld.idx.msk [tilespmem:v24+s5+$0x0], $0xffff;
	v10 =	vshrl.u32 v14, $0x10;
	v15 =	vand.u32 $0xFFFF, v14  }
0xc5: {  	v5 =	vadd.f32 v8, v5;
	v4 =	vadd.f32 v13, v4;
	v14 =	vld.idx.msk [tilespmem:v27+s5+$0x0], $0xffff;
	v23 =	vsel vm12, v10, v15  }
0xc6: {  	v8 =	vmul.f32 v9, v9;
	v9 =	vshrl.u32 v17, $0x10;
	v10 =	vand.u32 $0xFFFF, v17;
	v15 =	vld.idx.msk [tilespmem:v26+s5+$0x0], $0xffff  }
0xc7: {  	v16 =	vsel vm13, v9, v10;
	v10 =	vshrl.u32 v21, $0x10;
	v13 =	vand.u32 $0xFFFF, v21;
	v9 =	vld.idx.msk [tilespmem:v19+s22+$0x0], $0xffff  }
0xc8: {  	v17 =	vsel vm14, v10, v13;
	v13 =	vshrl.u32 v11, $0x10;
	v11 =	vand.u32 $0xFFFF, v11;
	v10 =	vld.idx.msk [tilespmem:v58+s22+$0x0], $0xffff  }
0xc9: {  	v18 =	vsel vm15, v13, v11;
	v13 =	vshrl.u32 v12, $0x10;
	v12 =	vand.u32 $0xFFFF, v12;
	v11 =	vld.idx.msk [tilespmem:v20+s22+$0x0], $0xffff  }
0xca: {  	s24 =	simm.s32 $0x600;
	s25 =	simm.s32 $0x100;
	v13 =	vsel vm3, v13, v12;
	v19 =	vshrl.u32 v22, $0x10;
	v20 =	vand.u32 $0xFFFF, v22;
	v12 =	vld.idx.msk [tilespmem:v23+s22+$0x0], $0xffff  }
.LBB2_10:
0xcb: {  	p2 =	sne.s32 s24, $0xE00;
	v21 =	vld [tilespmem:s25+$0x18B70];
	v19 =	vsel vm0, v19, v20;
	v20 =	vshrl.u32 v14, $0x10;
	v14 =	vand.u32 $0xFFFF, v14  }
0xcc: {  	v22 =	vld [tilespmem:s25+$0x18B00];
	v20 =	vsel vm1, v20, v14;
	v14 =	vshrl.u32 v15, $0x10;
	v15 =	vand.u32 $0xFFFF, v15  }
0xcd: {  	v0 =	vadd.f32 v8, v0;
	v8 =	vmul.f32 v9, v9;
	v23 =	vld [tilespmem:s25+$0x18B10];
	v24 =	vsel vm2, v14, v15  }
0xce: {  	v10 =	vmul.f32 v10, v10;
	v9 =	vld [tilespmem:s25+$0x18B20]  }
0xcf: {  	v1 =	vadd.f32 v8, v1;
	v8 =	vmul.f32 v11, v11;
	v14 =	vld [tilespmem:s25+$0x18B30]  }
0xd0: {  	v12 =	vmul.f32 v12, v12;
	v11 =	vld [tilespmem:s25+$0x18B40];
	vm7 =	vgt.s32 v21, $0xC350;
	v15 =	vadd.s32 $0xFFFF3CAF, v21  }
0xd1: {  	vm4 =	vgt.s32 v22, $0xC350;
	v25 =	vadd.s32 $0xFFFF3CAF, v22;
	v26 =	vld [tilespmem:s25+$0x18B50];
	v15 =	vsel vm7, v15, v21  }
0xd2: {  	v7 =	vadd.f32 v12, v7;
	vm5 =	vgt.s32 v23, $0xC350;
	v21 =	vadd.s32 $0xFFFF3CAF, v23;
	v27 =	vld [tilespmem:s25+$0x18B60]  }
0xd3: {  	v12 =	vsel vm4, v25, v22;
	vm6 =	vgt.s32 v9, $0xC350;
	v22 =	vadd.s32 $0xFFFF3CAF, v9;
	v16 =	vld.idx.msk [tilespmem:v16+s22+$0x0], $0xffff  }
0xd4: {  	v21 =	vsel vm5, v21, v23;
	vm3 =	vgt.s32 v14, $0xC350;
	v23 =	vadd.s32 $0xFFFF3CAF, v14;
	v17 =	vld.idx.msk [tilespmem:v17+s22+$0x0], $0xffff  }
0xd5: {  	v9 =	vsel vm6, v22, v9;
	vm0 =	vgt.s32 v11, $0xC350;
	v22 =	vadd.s32 $0xFFFF3CAF, v11;
	v18 =	vld.idx.msk [tilespmem:v18+s22+$0x0], $0xffff  }
0xd6: {  	v14 =	vsel vm3, v23, v14;
	vm1 =	vgt.s32 v26, $0xC350;
	v23 =	vadd.s32 $0xFFFF3CAF, v26;
	v15 =	vld.idx.msk [tilespmem:v15+s5+$0x0], $0xffff  }
0xd7: {  	v11 =	vsel vm0, v22, v11;
	vm2 =	vgt.s32 v27, $0xC350;
	v22 =	vadd.s32 $0xFFFF3CAF, v27;
	v13 =	vld.idx.msk [tilespmem:v13+s22+$0x0], $0xffff  }
0xd8: {  	v2 =	vadd.f32 v10, v2;
	v23 =	vsel vm1, v23, v26;
	v12 =	vld.idx.msk [tilespmem:v12+s5+$0x0], $0xffff;
	v22 =	vsel vm2, v22, v27  }
0xd9: {  	v3 =	vadd.f32 v8, v3;
	v16 =	vmul.f32 v16, v16;
	v10 =	vld.idx.msk [tilespmem:v21+s5+$0x0], $0xffff  }
0xda: {  	v8 =	vmul.f32 v17, v17;
	v21 =	vld.idx.msk [tilespmem:v9+s5+$0x0], $0xffff  }
0xdb: {  	v6 =	vadd.f32 v16, v6;
	v9 =	vmul.f32 v18, v18;
	v25 =	vld.idx.msk [tilespmem:v14+s5+$0x0], $0xffff  }
0xdc: {  	v5 =	vadd.f32 v8, v5;
	v26 =	vld.idx.msk [tilespmem:v11+s5+$0x0], $0xffff;
	v11 =	vshrl.u32 v15, $0x10;
	v15 =	vand.u32 $0xFFFF, v15  }
0xdd: {  	v4 =	vadd.f32 v9, v4;
	v8 =	vmul.f32 v13, v13;
	v14 =	vld.idx.msk [tilespmem:v23+s5+$0x0], $0xffff;
	v23 =	vsel vm7, v11, v15  }
.Ltmp4:
0xde: {  	v9 =	vshrl.u32 v12, $0x10;
	v11 =	vand.u32 $0xFFFF, v12;
	v15 =	vld.idx.msk [tilespmem:v22+s5+$0x0], $0xffff;
	(pc) =	sbr.rel @p2 .LBB2_10-.Ltmp4, $4  }
0xdf: {  	v16 =	vsel vm4, v9, v11;
	v11 =	vshrl.u32 v10, $0x10;
	v10 =	vand.u32 $0xFFFF, v10;
	v9 =	vld.idx.msk [tilespmem:v19+s22+$0x0], $0xffff  }
0xe0: {  	v17 =	vsel vm5, v11, v10;
	v11 =	vshrl.u32 v21, $0x10;
	v12 =	vand.u32 $0xFFFF, v21;
	v10 =	vld.idx.msk [tilespmem:v20+s22+$0x0], $0xffff  }
0xe1: {  	v18 =	vsel vm6, v11, v12;
	v12 =	vshrl.u32 v25, $0x10;
	v13 =	vand.u32 $0xFFFF, v25;
	v11 =	vld.idx.msk [tilespmem:v24+s22+$0x0], $0xffff  }
0xe2: {  	s25 =	sshra.s32 s24, $0x2;
	s24 =	sadd.s32 $0x200, s24;
	v13 =	vsel vm3, v12, v13;
	v19 =	vshrl.u32 v26, $0x10;
	v20 =	vand.u32 $0xFFFF, v26;
	v12 =	vld.idx.msk [tilespmem:v23+s22+$0x0], $0xffff  }
0xe3: {  	v21 =	vld [tilespmem:s25+$0x18B70]  }
0xe4: {  	v22 =	vld [tilespmem:s25+$0x18B00]  }
0xe5: {  	v23 =	vld [tilespmem:s25+$0x18B10]  }
0xe6: {  	v24 =	vld [tilespmem:s25+$0x18B20]  }
0xe7: {  	v25 =	vld [tilespmem:s25+$0x18B30]  }
0xe8: {  	v26 =	vld [tilespmem:s25+$0x18B40]  }
0xe9: {  	v28 =	vld [tilespmem:s25+$0x18B50];
	vm10 =	vgt.s32 v21, $0xC350;
	v27 =	vadd.s32 $0xFFFF3CAF, v21  }
0xea: {  	v29 =	vld [tilespmem:s25+$0x18B60];
	vm7 =	vgt.s32 v22, $0xC350;
	v38 =	vadd.s32 $0xFFFF3CAF, v22;
	v21 =	vsel vm10, v27, v21  }
0xeb: {  	v16 =	vld.idx.msk [tilespmem:v16+s22+$0x0], $0xffff;
	vm3 =	vgt.s32 v23, $0xC350;
	v39 =	vadd.s32 $0xFFFF3CAF, v23;
	v22 =	vsel vm7, v38, v22  }
0xec: {  	v17 =	vld.idx.msk [tilespmem:v17+s22+$0x0], $0xffff;
	vm4 =	vgt.s32 v24, $0xC350;
	v40 =	vadd.s32 $0xFFFF3CAF, v24;
	v23 =	vsel vm3, v39, v23  }
0xed: {  	v18 =	vld.idx.msk [tilespmem:v18+s22+$0x0], $0xffff;
	vm5 =	vgt.s32 v25, $0xC350;
	v41 =	vadd.s32 $0xFFFF3CAF, v25;
	v24 =	vsel vm4, v40, v24  }
0xee: {  	v13 =	vld.idx.msk [tilespmem:v13+s22+$0x0], $0xffff;
	vm6 =	vgt.s32 v26, $0xC350;
	v42 =	vadd.s32 $0xFFFF3CAF, v26;
	v25 =	vsel vm5, v41, v25  }
0xef: {  	vm8 =	vgt.s32 v28, $0xC350;
	v43 =	vadd.s32 $0xFFFF3CAF, v28;
	v26 =	vsel vm6, v42, v26;
	v21 =	vld.idx.msk [tilespmem:v21+s5+$0x0], $0xffff  }
0xf0: {  	vm9 =	vgt.s32 v29, $0xC350;
	v44 =	vadd.s32 $0xFFFF3CAF, v29;
	v27 =	vsel vm8, v43, v28;
	v22 =	vld.idx.msk [tilespmem:v22+s5+$0x0], $0xffff  }
0xf1: {  	v28 =	vsel vm9, v44, v29;
	v23 =	vld.idx.msk [tilespmem:v23+s5+$0x0], $0xffff  }
0xf2: {  	v19 =	vsel vm0, v19, v20;
	v20 =	vshrl.u32 v14, $0x10;
	v14 =	vand.u32 $0xFFFF, v14;
	v24 =	vld.idx.msk [tilespmem:v24+s5+$0x0], $0xffff  }
0xf3: {  	v14 =	vsel vm1, v20, v14;
	v20 =	vshrl.u32 v15, $0x10;
	v15 =	vand.u32 $0xFFFF, v15;
	v25 =	vld.idx.msk [tilespmem:v25+s5+$0x0], $0xffff  }
0xf4: {  	v15 =	vsel vm2, v20, v15;
	v20 =	vld.idx.msk [tilespmem:v26+s5+$0x0], $0xffff;
	v45 =	vshrl.u32 v21, $0x10;
	v21 =	vand.u32 $0xFFFF, v21  }
0xf5: {  	v46 =	vld.idx.msk [tilespmem:v27+s5+$0x0], $0xffff;
	v47 =	vshrl.u32 v22, $0x10;
	v22 =	vand.u32 $0xFFFF, v22;
	v21 =	vsel vm10, v45, v21  }
0xf6: {  	v28 =	vld.idx.msk [tilespmem:v28+s5+$0x0], $0xffff;
	v48 =	vshrl.u32 v23, $0x10;
	v23 =	vand.u32 $0xFFFF, v23;
	v22 =	vsel vm7, v47, v22  }
0xf7: {  	v19 =	vld.idx.msk [tilespmem:v19+s22+$0x0], $0xffff;
	v49 =	vshrl.u32 v24, $0x10;
	v24 =	vand.u32 $0xFFFF, v24;
	v23 =	vsel vm3, v48, v23  }
0xf8: {  	v14 =	vld.idx.msk [tilespmem:v14+s22+$0x0], $0xffff;
	v50 =	vshrl.u32 v25, $0x10;
	v25 =	vand.u32 $0xFFFF, v25;
	v24 =	vsel vm4, v49, v24  }
0xf9: {  	v15 =	vld.idx.msk [tilespmem:v15+s22+$0x0], $0xffff;
	v51 =	vshrl.u32 v20, $0x10;
	v20 =	vand.u32 $0xFFFF, v20;
	v25 =	vsel vm5, v50, v25  }
0xfa: {  	v52 =	vshrl.u32 v46, $0x10;
	v26 =	vand.u32 $0xFFFF, v46;
	v20 =	vsel vm6, v51, v20;
	v21 =	vld.idx.msk [tilespmem:v21+s22+$0x0], $0xffff  }
0xfb: {  	v53 =	vshrl.u32 v28, $0x10;
	v28 =	vand.u32 $0xFFFF, v28;
	v26 =	vsel vm8, v52, v26;
	v22 =	vld.idx.msk [tilespmem:v22+s22+$0x0], $0xffff  }
0xfc: {  	v27 =	vsel vm9, v53, v28;
	v23 =	vld.idx.msk [tilespmem:v23+s22+$0x0], $0xffff  }
0xfd: {  	v24 =	vld.idx.msk [tilespmem:v24+s22+$0x0], $0xffff  }
0xfe: {  	v25 =	vld.idx.msk [tilespmem:v25+s22+$0x0], $0xffff  }
0xff: {  	v20 =	vld.idx.msk [tilespmem:v20+s22+$0x0], $0xffff  }
0x100: {  	p2 =	seq.s32 s18, $0x5;
	v0 =	vadd.f32 v8, v0;
	v8 =	vmul.f32 v10, v10;
	v26 =	vld.idx.msk [tilespmem:v26+s22+$0x0], $0xffff  }
0x101: {  	s24 =	sadd.s32 @!p2 s13, s21;
	v27 =	vld.idx.msk [tilespmem:v27+s22+$0x0], $0xffff;
	_ =	swait.ge [sflag:s30], $0x400  }
0x102: {  	s25 =	simm.s32 @!p2 $0x0;
	v9 =	vmul.f32 v9, v9;
	s24 =	sshrl.u32 @!p2 s24, $0x3;
	v2 =	vadd.f32 v8, v2;
	v8 =	vmul.f32 v17, v17;
	[sflag:s30] =	ssyncset.done $0x0  }
0x103: {  	s0 =	simm.s32 @!p2 $0x18B00;
	s24 =	sadd.s32 @!p2 s2, s24;
	v10 =	vmul.f32 v11, v11;
	[sflag:s30] =	ssyncadd.s32 $0xFFFFFC00  }
0x104: {  	v1 =	vadd.f32 v9, v1;
	v5 =	vadd.f32 v8, v5;
	v8 =	vmul.f32 v19, v19;
	[tilespmem:s0], [sflag:$0x3] =	stream.linear.gather @!p2 [hbm4b:s24+s25], $0x400, $0x38;
	[tilespmem:$0x1B070] =	vst v63  }
0x105: {  	v9 =	vmul.f32 v16, v16;
	v3 =	vadd.f32 v10, v3;
	s24 =	simm.s32 $0x0  }
0x106: {  	v11 =	vmul.f32 v13, v13;
	v1 =	vadd.f32 v8, v1;
	v8 =	vmul.f32 v15, v15;
	v54 =	vld [tilespmem:s24+$0x18F70]  }
0x107: {  	v12 =	vmul.f32 v12, v12;
	v6 =	vadd.f32 v9, v6;
	v9 =	vmul.f32 v18, v18;
	v10 =	vld [tilespmem:s24+$0x18F00]  }
0x108: {  	v0 =	vadd.f32 v11, v0;
	v3 =	vadd.f32 v8, v3;
	v16 =	vld [tilespmem:s24+$0x18F20];
	v8 =	vmul.f32 v25, v25  }
0x109: {  	v7 =	vadd.f32 v12, v7;
	v11 =	vmul.f32 v14, v14;
	v14 =	vld [tilespmem:s24+$0x18F40]  }
0x10a: {  	v4 =	vadd.f32 v9, v4;
	v15 =	vmul.f32 v21, v21;
	v21 =	vld [tilespmem:s24+$0x18F60];
	v0 =	vadd.f32 v8, v0  }
0x10b: {  	v12 =	vld [tilespmem:s24+$0x18F10];
	v8 =	vmul.f32 v20, v20;
	vm15 =	vgt.s32 v54, $0xC350;
	v13 =	vadd.s32 $0xFFFF3CAF, v54  }
0x10c: {  	vm9 =	vgt.s32 v10, $0xC350;
	v17 =	vadd.s32 $0xFFFF3CAF, v10;
	v13 =	vsel vm15, v13, v54  }
0x10d: {  	vm10 =	vgt.s32 v16, $0xC350;
	v10 =	vsel vm9, v17, v10;
	v17 =	vadd.s32 $0xFFFF3CAF, v16  }
0x10e: {  	v9 =	vld [tilespmem:s24+$0x18F30];
	vm2 =	vgt.s32 v14, $0xC350;
	v16 =	vsel vm10, v17, v16;
	v17 =	vadd.s32 $0xFFFF3CAF, v14  }
0x10f: {  	s25 =	simm.s32 $0x80;
	v18 =	vld [tilespmem:s24+$0x18F50];
	vm0 =	vgt.s32 v21, $0xC350;
	v14 =	vsel vm2, v17, v14;
	v17 =	vadd.s32 $0xFFFF3CAF, v21  }
0x110: {  	v20 =	vld [tilespmem:s25+$0x18F70];
	vm3 =	vgt.s32 v12, $0xC350;
	v19 =	vadd.s32 $0xFFFF3CAF, v12;
	v17 =	vsel vm0, v17, v21  }
0x111: {  	v2 =	vadd.f32 v11, v2;
	v12 =	vsel vm3, v19, v12;
	v13 =	vld.idx.msk [tilespmem:v13+s5+$0x0], $0xffff  }
0x112: {  	v11 =	vmul.f32 v23, v23;
	v7 =	vadd.f32 v15, v7;
	v15 =	vmul.f32 v22, v22;
	v22 =	vld [tilespmem:s25+$0x18F10]  }
0x113: {  	vm11 =	vgt.s32 v9, $0xC350;
	v19 =	vadd.s32 $0xFFFF3CAF, v9;
	v21 =	vld [tilespmem:s25+$0x18F00]  }
0x114: {  	v5 =	vadd.f32 v11, v5;
	v9 =	vsel vm11, v19, v9;
	v10 =	vld.idx.msk [tilespmem:v10+s5+$0x0], $0xffff  }
0x115: {  	vm1 =	vgt.s32 v18, $0xC350;
	v6 =	vadd.f32 v15, v6;
	v19 =	vadd.s32 $0xFFFF3CAF, v18;
	v17 =	vld.idx.msk [tilespmem:v17+s5+$0x0], $0xffff  }
0x116: {  	v18 =	vsel vm1, v19, v18;
	v12 =	vld.idx.msk [tilespmem:v12+s5+$0x0], $0xffff;
	v19 =	vshrl.u32 v13, $0x10;
	v13 =	vand.u32 $0xFFFF, v13  }
0x117: {  	v15 =	vmul.f32 v26, v26;
	v13 =	vsel vm15, v19, v13;
	v19 =	vmul.f32 v24, v24  }
0x118: {  	vm12 =	vgt.s32 v20, $0xC350;
	v56 =	vadd.s32 $0xFFFF3CAF, v20;
	vm14 =	vgt.s32 v22, $0xC350;
	v16 =	vld.idx.msk [tilespmem:v16+s5+$0x0], $0xffff  }
0x119: {  	v20 =	vsel vm12, v56, v20;
	v9 =	vld.idx.msk [tilespmem:v9+s5+$0x0], $0xffff;
	vm13 =	vgt.s32 v21, $0xC350;
	v4 =	vadd.f32 v19, v4  }
0x11a: {  	v14 =	vld.idx.msk [tilespmem:v14+s5+$0x0], $0xffff;
	v19 =	vshrl.u32 v10, $0x10;
	v10 =	vand.u32 $0xFFFF, v10;
	v57 =	vshrl.u32 v17, $0x10  }
0x11b: {  	v11 =	vld.idx.msk [tilespmem:v18+s5+$0x0], $0xffff;
	v17 =	vand.u32 $0xFFFF, v17;
	v10 =	vsel vm9, v19, v10;
	v19 =	vshrl.u32 v12, $0x10  }
0x11c: {  	v58 =	vld [tilespmem:s25+$0x18F50];
	v12 =	vand.u32 $0xFFFF, v12;
	v59 =	vsel vm0, v57, v17;
	v17 =	vadd.s32 $0xFFFF3CAF, v21  }
0x11d: {  	v60 =	vld [tilespmem:s25+$0x18F60];
	v12 =	vsel vm3, v19, v12;
	v19 =	vshrl.u32 v16, $0x10;
	v16 =	vand.u32 $0xFFFF, v16  }
0x11e: {  	v23 =	vld [tilespmem:s25+$0x18F20];
	v16 =	vsel vm10, v19, v16;
	v19 =	vshrl.u32 v9, $0x10;
	v9 =	vand.u32 $0xFFFF, v9  }
0x11f: {  	v55 =	vld [tilespmem:s25+$0x18F30];
	v9 =	vsel vm11, v19, v9;
	v19 =	vshrl.u32 v14, $0x10;
	v14 =	vand.u32 $0xFFFF, v14  }
0x120: {  	v13 =	vld.idx.msk [tilespmem:v13+s22+$0x0], $0xffff;
	v19 =	vsel vm2, v19, v14;
	v14 =	vshrl.u32 v11, $0x10;
	v11 =	vand.u32 $0xFFFF, v11  }
0x121: {  	v17 =	vsel vm13, v17, v21;
	v21 =	vadd.s32 $0xFFFF3CAF, v22;
	v11 =	vsel vm1, v14, v11;
	v14 =	vld [tilespmem:s25+$0x18F40]  }
0x122: {  	v62 =	vadd.s32 $0xFFFF3CAF, v58;
	v63 =	vadd.s32 $0xFFFF3CAF, v60;
	v20 =	vld.idx.msk [tilespmem:v20+s5+$0x0], $0xffff;
	v21 =	vsel vm14, v21, v22  }
0x123: {  	v1 =	vadd.f32 v8, v1;
	vm15 =	vgt.s32 v23, $0xC350;
	v22 =	vadd.s32 $0xFFFF3CAF, v23;
	v10 =	vld.idx.msk [tilespmem:v10+s22+$0x0], $0xffff  }
0x124: {  	vm3 =	vgt.s32 v55, $0xC350;
	v22 =	vsel vm15, v22, v23;
	v23 =	vadd.s32 $0xFFFF3CAF, v55;
	v16 =	vld.idx.msk [tilespmem:v16+s22+$0x0], $0xffff  }
0x125: {  	v23 =	vsel vm3, v23, v55;
	vm2 =	vgt.s32 v60, $0xC350;
	v12 =	vld.idx.msk [tilespmem:v12+s22+$0x0], $0xffff;
	v8 =	vmul.f32 v13, v13  }
0x126: {  	v17 =	vld.idx.msk [tilespmem:v17+s5+$0x0], $0xffff;
	v13 =	vsel vm2, v63, v60;
	vm0 =	vgt.s32 v14, $0xC350;
	v61 =	vadd.s32 $0xFFFF3CAF, v14  }
0x127: {  	v18 =	vmul.f32 v27, v27;
	vm1 =	vgt.s32 v58, $0xC350;
	v21 =	vld.idx.msk [tilespmem:v21+s5+$0x0], $0xffff;
	v14 =	vsel vm0, v61, v14  }
0x128: {  	v24 =	vsel vm1, v62, v58;
	v9 =	vld.idx.msk [tilespmem:v9+s22+$0x0], $0xffff;
	v10 =	vmul.f32 v10, v10  }
0x129: {  	v2 =	vadd.f32 v15, v2;
	v3 =	vadd.f32 v18, v3;
	v18 =	vld.idx.msk [tilespmem:v22+s5+$0x0], $0xffff;
	v15 =	vmul.f32 v16, v16  }
0x12a: {  	v7 =	vadd.f32 v8, v7;
	v8 =	vmul.f32 v12, v12;
	v12 =	vld.idx.msk [tilespmem:v23+s5+$0x0], $0xffff;
	v6 =	vadd.f32 v10, v6  }
0x12b: {  	v10 =	vshrl.u32 v20, $0x10;
	v16 =	vand.u32 $0xFFFF, v20;
	v4 =	vadd.f32 v15, v4;
	v15 =	vld.idx.msk [tilespmem:v13+s5+$0x0], $0xffff  }
0x12c: {  	v5 =	vadd.f32 v8, v5;
	v23 =	vsel vm12, v10, v16;
	v22 =	vld.idx.msk [tilespmem:v14+s5+$0x0], $0xffff  }
0x12d: {  	v8 =	vmul.f32 v9, v9;
	v9 =	vshrl.u32 v17, $0x10;
	v10 =	vand.u32 $0xFFFF, v17;
	v14 =	vld.idx.msk [tilespmem:v24+s5+$0x0], $0xffff  }
0x12e: {  	v16 =	vsel vm13, v9, v10;
	v10 =	vshrl.u32 v21, $0x10;
	v13 =	vand.u32 $0xFFFF, v21;
	v9 =	vld.idx.msk [tilespmem:v19+s22+$0x0], $0xffff  }
0x12f: {  	v17 =	vsel vm14, v10, v13;
	v13 =	vshrl.u32 v18, $0x10;
	v18 =	vand.u32 $0xFFFF, v18;
	v10 =	vld.idx.msk [tilespmem:v11+s22+$0x0], $0xffff  }
0x130: {  	v11 =	vld.idx.msk [tilespmem:v59+s22+$0x0], $0xffff;
	v18 =	vsel vm15, v13, v18;
	v13 =	vshrl.u32 v12, $0x10;
	v12 =	vand.u32 $0xFFFF, v12  }
0x131: {  	s24 =	simm.s32 $0x600;
	s25 =	simm.s32 $0x100;
	v13 =	vsel vm3, v13, v12;
	v12 =	vld.idx.msk [tilespmem:v23+s22+$0x0], $0xffff;
	v19 =	vshrl.u32 v22, $0x10;
	v20 =	vand.u32 $0xFFFF, v22  }
.LBB2_12:
0x132: {  	p3 =	sne.s32 s24, $0xE00;
	v21 =	vld [tilespmem:s25+$0x18F70];
	v19 =	vsel vm0, v19, v20;
	v20 =	vshrl.u32 v14, $0x10;
	v14 =	vand.u32 $0xFFFF, v14  }
0x133: {  	v22 =	vld [tilespmem:s25+$0x18F00];
	v20 =	vsel vm1, v20, v14;
	v14 =	vshrl.u32 v15, $0x10;
	v15 =	vand.u32 $0xFFFF, v15  }
0x134: {  	v0 =	vadd.f32 v8, v0;
	v8 =	vmul.f32 v9, v9;
	v23 =	vld [tilespmem:s25+$0x18F10];
	v24 =	vsel vm2, v14, v15  }
0x135: {  	v10 =	vmul.f32 v10, v10;
	v9 =	vld [tilespmem:s25+$0x18F20]  }
0x136: {  	v1 =	vadd.f32 v8, v1;
	v8 =	vmul.f32 v11, v11;
	v14 =	vld [tilespmem:s25+$0x18F30]  }
0x137: {  	v12 =	vmul.f32 v12, v12;
	v11 =	vld [tilespmem:s25+$0x18F40];
	vm7 =	vgt.s32 v21, $0xC350;
	v15 =	vadd.s32 $0xFFFF3CAF, v21  }
0x138: {  	vm4 =	vgt.s32 v22, $0xC350;
	v25 =	vadd.s32 $0xFFFF3CAF, v22;
	v26 =	vld [tilespmem:s25+$0x18F50];
	v15 =	vsel vm7, v15, v21  }
0x139: {  	v7 =	vadd.f32 v12, v7;
	vm5 =	vgt.s32 v23, $0xC350;
	v21 =	vadd.s32 $0xFFFF3CAF, v23;
	v27 =	vld [tilespmem:s25+$0x18F60]  }
0x13a: {  	v12 =	vsel vm4, v25, v22;
	vm6 =	vgt.s32 v9, $0xC350;
	v22 =	vadd.s32 $0xFFFF3CAF, v9;
	v16 =	vld.idx.msk [tilespmem:v16+s22+$0x0], $0xffff  }
0x13b: {  	v21 =	vsel vm5, v21, v23;
	vm3 =	vgt.s32 v14, $0xC350;
	v23 =	vadd.s32 $0xFFFF3CAF, v14;
	v17 =	vld.idx.msk [tilespmem:v17+s22+$0x0], $0xffff  }
0x13c: {  	v9 =	vsel vm6, v22, v9;
	vm0 =	vgt.s32 v11, $0xC350;
	v22 =	vadd.s32 $0xFFFF3CAF, v11;
	v18 =	vld.idx.msk [tilespmem:v18+s22+$0x0], $0xffff  }
0x13d: {  	v14 =	vsel vm3, v23, v14;
	vm1 =	vgt.s32 v26, $0xC350;
	v23 =	vadd.s32 $0xFFFF3CAF, v26;
	v15 =	vld.idx.msk [tilespmem:v15+s5+$0x0], $0xffff  }
0x13e: {  	v11 =	vsel vm0, v22, v11;
	vm2 =	vgt.s32 v27, $0xC350;
	v22 =	vadd.s32 $0xFFFF3CAF, v27;
	v13 =	vld.idx.msk [tilespmem:v13+s22+$0x0], $0xffff  }
0x13f: {  	v2 =	vadd.f32 v10, v2;
	v23 =	vsel vm1, v23, v26;
	v12 =	vld.idx.msk [tilespmem:v12+s5+$0x0], $0xffff;
	v22 =	vsel vm2, v22, v27  }
0x140: {  	v3 =	vadd.f32 v8, v3;
	v16 =	vmul.f32 v16, v16;
	v10 =	vld.idx.msk [tilespmem:v21+s5+$0x0], $0xffff  }
0x141: {  	v8 =	vmul.f32 v17, v17;
	v21 =	vld.idx.msk [tilespmem:v9+s5+$0x0], $0xffff  }
0x142: {  	v6 =	vadd.f32 v16, v6;
	v9 =	vmul.f32 v18, v18;
	v25 =	vld.idx.msk [tilespmem:v14+s5+$0x0], $0xffff  }
0x143: {  	v5 =	vadd.f32 v8, v5;
	v26 =	vld.idx.msk [tilespmem:v11+s5+$0x0], $0xffff;
	v11 =	vshrl.u32 v15, $0x10;
	v15 =	vand.u32 $0xFFFF, v15  }
0x144: {  	v4 =	vadd.f32 v9, v4;
	v8 =	vmul.f32 v13, v13;
	v14 =	vld.idx.msk [tilespmem:v23+s5+$0x0], $0xffff;
	v23 =	vsel vm7, v11, v15  }
.Ltmp5:
0x145: {  	v9 =	vshrl.u32 v12, $0x10;
	v11 =	vand.u32 $0xFFFF, v12;
	v15 =	vld.idx.msk [tilespmem:v22+s5+$0x0], $0xffff;
	(pc) =	sbr.rel @p3 .LBB2_12-.Ltmp5, $4  }
0x146: {  	v16 =	vsel vm4, v9, v11;
	v11 =	vshrl.u32 v10, $0x10;
	v10 =	vand.u32 $0xFFFF, v10;
	v9 =	vld.idx.msk [tilespmem:v19+s22+$0x0], $0xffff  }
0x147: {  	v17 =	vsel vm5, v11, v10;
	v11 =	vshrl.u32 v21, $0x10;
	v12 =	vand.u32 $0xFFFF, v21;
	v10 =	vld.idx.msk [tilespmem:v20+s22+$0x0], $0xffff  }
0x148: {  	v18 =	vsel vm6, v11, v12;
	v12 =	vshrl.u32 v25, $0x10;
	v13 =	vand.u32 $0xFFFF, v25;
	v11 =	vld.idx.msk [tilespmem:v24+s22+$0x0], $0xffff  }
0x149: {  	s25 =	sshra.s32 s24, $0x2;
	s24 =	sadd.s32 $0x200, s24;
	v13 =	vsel vm3, v12, v13;
	v19 =	vshrl.u32 v26, $0x10;
	v20 =	vand.u32 $0xFFFF, v26;
	v12 =	vld.idx.msk [tilespmem:v23+s22+$0x0], $0xffff  }
0x14a: {  	v21 =	vld [tilespmem:s25+$0x18F70]  }
0x14b: {  	v22 =	vld [tilespmem:s25+$0x18F00]  }
0x14c: {  	v23 =	vld [tilespmem:s25+$0x18F10]  }
0x14d: {  	v24 =	vld [tilespmem:s25+$0x18F20]  }
0x14e: {  	v25 =	vld [tilespmem:s25+$0x18F30]  }
0x14f: {  	v26 =	vld [tilespmem:s25+$0x18F40]  }
0x150: {  	v28 =	vld [tilespmem:s25+$0x18F50];
	vm10 =	vgt.s32 v21, $0xC350;
	v27 =	vadd.s32 $0xFFFF3CAF, v21  }
0x151: {  	v29 =	vld [tilespmem:s25+$0x18F60];
	vm7 =	vgt.s32 v22, $0xC350;
	v41 =	vadd.s32 $0xFFFF3CAF, v22;
	v21 =	vsel vm10, v27, v21  }
0x152: {  	v16 =	vld.idx.msk [tilespmem:v16+s22+$0x0], $0xffff;
	vm3 =	vgt.s32 v23, $0xC350;
	v42 =	vadd.s32 $0xFFFF3CAF, v23;
	v22 =	vsel vm7, v41, v22  }
0x153: {  	v17 =	vld.idx.msk [tilespmem:v17+s22+$0x0], $0xffff;
	vm4 =	vgt.s32 v24, $0xC350;
	v43 =	vadd.s32 $0xFFFF3CAF, v24;
	v23 =	vsel vm3, v42, v23  }
0x154: {  	v18 =	vld.idx.msk [tilespmem:v18+s22+$0x0], $0xffff;
	vm5 =	vgt.s32 v25, $0xC350;
	v44 =	vadd.s32 $0xFFFF3CAF, v25;
	v24 =	vsel vm4, v43, v24  }
0x155: {  	v13 =	vld.idx.msk [tilespmem:v13+s22+$0x0], $0xffff;
	vm6 =	vgt.s32 v26, $0xC350;
	v45 =	vadd.s32 $0xFFFF3CAF, v26;
	v25 =	vsel vm5, v44, v25  }
0x156: {  	vm8 =	vgt.s32 v28, $0xC350;
	v46 =	vadd.s32 $0xFFFF3CAF, v28;
	v26 =	vsel vm6, v45, v26;
	v21 =	vld.idx.msk [tilespmem:v21+s5+$0x0], $0xffff  }
0x157: {  	vm9 =	vgt.s32 v29, $0xC350;
	v47 =	vadd.s32 $0xFFFF3CAF, v29;
	v27 =	vsel vm8, v46, v28;
	v22 =	vld.idx.msk [tilespmem:v22+s5+$0x0], $0xffff  }
0x158: {  	v28 =	vsel vm9, v47, v29;
	v23 =	vld.idx.msk [tilespmem:v23+s5+$0x0], $0xffff  }
0x159: {  	v19 =	vsel vm0, v19, v20;
	v20 =	vshrl.u32 v14, $0x10;
	v14 =	vand.u32 $0xFFFF, v14;
	v24 =	vld.idx.msk [tilespmem:v24+s5+$0x0], $0xffff  }
0x15a: {  	v14 =	vsel vm1, v20, v14;
	v20 =	vshrl.u32 v15, $0x10;
	v15 =	vand.u32 $0xFFFF, v15;
	v25 =	vld.idx.msk [tilespmem:v25+s5+$0x0], $0xffff  }
0x15b: {  	v15 =	vsel vm2, v20, v15;
	v20 =	vld.idx.msk [tilespmem:v26+s5+$0x0], $0xffff;
	v48 =	vshrl.u32 v21, $0x10;
	v21 =	vand.u32 $0xFFFF, v21  }
0x15c: {  	v49 =	vld.idx.msk [tilespmem:v27+s5+$0x0], $0xffff;
	v50 =	vshrl.u32 v22, $0x10;
	v22 =	vand.u32 $0xFFFF, v22;
	v21 =	vsel vm10, v48, v21  }
0x15d: {  	v28 =	vld.idx.msk [tilespmem:v28+s5+$0x0], $0xffff;
	v51 =	vshrl.u32 v23, $0x10;
	v23 =	vand.u32 $0xFFFF, v23;
	v22 =	vsel vm7, v50, v22  }
0x15e: {  	v19 =	vld.idx.msk [tilespmem:v19+s22+$0x0], $0xffff;
	v52 =	vshrl.u32 v24, $0x10;
	v24 =	vand.u32 $0xFFFF, v24;
	v23 =	vsel vm3, v51, v23  }
0x15f: {  	v14 =	vld.idx.msk [tilespmem:v14+s22+$0x0], $0xffff;
	v53 =	vshrl.u32 v25, $0x10;
	v25 =	vand.u32 $0xFFFF, v25;
	v24 =	vsel vm4, v52, v24  }
0x160: {  	v15 =	vld.idx.msk [tilespmem:v15+s22+$0x0], $0xffff;
	v54 =	vshrl.u32 v20, $0x10;
	v20 =	vand.u32 $0xFFFF, v20;
	v25 =	vsel vm5, v53, v25  }
0x161: {  	v55 =	vshrl.u32 v49, $0x10;
	v26 =	vand.u32 $0xFFFF, v49;
	v20 =	vsel vm6, v54, v20;
	v21 =	vld.idx.msk [tilespmem:v21+s22+$0x0], $0xffff  }
0x162: {  	v56 =	vshrl.u32 v28, $0x10;
	v28 =	vand.u32 $0xFFFF, v28;
	v26 =	vsel vm8, v55, v26;
	v22 =	vld.idx.msk [tilespmem:v22+s22+$0x0], $0xffff  }
0x163: {  	v27 =	vsel vm9, v56, v28;
	v23 =	vld.idx.msk [tilespmem:v23+s22+$0x0], $0xffff  }
0x164: {  	v24 =	vld.idx.msk [tilespmem:v24+s22+$0x0], $0xffff  }
0x165: {  	v25 =	vld.idx.msk [tilespmem:v25+s22+$0x0], $0xffff  }
0x166: {  	v20 =	vld.idx.msk [tilespmem:v20+s22+$0x0], $0xffff  }
0x167: {  	v26 =	vld.idx.msk [tilespmem:v26+s22+$0x0], $0xffff  }
0x168: {  	s0 =	sadd.s32 @!p2 s14, s21;
	v27 =	vld.idx.msk [tilespmem:v27+s22+$0x0], $0xffff;
	_ =	swait.ge [sflag:s31], $0x400  }
0x169: {  	s21 =	simm.s32 @!p2 $0x0;
	v0 =	vadd.f32 v8, v0;
	s0 =	sshrl.u32 @!p2 s0, $0x3;
	v8 =	vmul.f32 v10, v10;
	[sflag:s31] =	ssyncset.done $0x0  }
0x16a: {  	s24 =	simm.s32 @!p2 $0x18F00;
	v9 =	vmul.f32 v9, v9;
	s0 =	sadd.s32 @!p2 s2, s0;
	[sflag:s31] =	ssyncadd.s32 $0xFFFFFC00  }
0x16b: {  	v2 =	vadd.f32 v8, v2;
	v8 =	vmul.f32 v17, v17;
	[tilespmem:s24], [sflag:$0x4] =	stream.linear.gather @!p2 [hbm4b:s0+s21], $0x400, $0x38;
	[tilespmem:$0x1B070] =	vst v63  }
0x16c: {  	v10 =	vmul.f32 v11, v11;
	v1 =	vadd.f32 v9, v1;
	v9 =	vmul.f32 v16, v16;
	s24 =	simm.s32 $0x0  }
0x16d: {  	v12 =	vmul.f32 v12, v12;
	v5 =	vadd.f32 v8, v5;
	v8 =	vmul.f32 v19, v19;
	v57 =	vld [tilespmem:s24+$0x19370]  }
0x16e: {  	v3 =	vadd.f32 v10, v3;
	v11 =	vmul.f32 v13, v13;
	v6 =	vadd.f32 v9, v6;
	v10 =	vld [tilespmem:s24+$0x19300]  }
0x16f: {  	v9 =	vmul.f32 v18, v18;
	v1 =	vadd.f32 v8, v1;
	v8 =	vmul.f32 v15, v15;
	v16 =	vld [tilespmem:s24+$0x19320]  }
0x170: {  	v7 =	vadd.f32 v12, v7;
	v0 =	vadd.f32 v11, v0;
	v11 =	vmul.f32 v14, v14;
	v14 =	vld [tilespmem:s24+$0x19340]  }
0x171: {  	v4 =	vadd.f32 v9, v4;
	v8 =	vadd.f32 v8, v3;
	v15 =	vmul.f32 v21, v21;
	v21 =	vld [tilespmem:s24+$0x19360]  }
0x172: {  	v12 =	vld [tilespmem:s24+$0x19310];
	v3 =	vmul.f32 v25, v25;
	vm15 =	vgt.s32 v57, $0xC350;
	v13 =	vadd.s32 $0xFFFF3CAF, v57  }
0x173: {  	vm9 =	vgt.s32 v10, $0xC350;
	v17 =	vadd.s32 $0xFFFF3CAF, v10;
	v13 =	vsel vm15, v13, v57  }
0x174: {  	v9 =	vld [tilespmem:s24+$0x19330];
	vm10 =	vgt.s32 v16, $0xC350;
	v10 =	vsel vm9, v17, v10;
	v17 =	vadd.s32 $0xFFFF3CAF, v16  }
0x175: {  	vm2 =	vgt.s32 v14, $0xC350;
	v16 =	vsel vm10, v17, v16;
	v17 =	vadd.s32 $0xFFFF3CAF, v14  }
0x176: {  	v18 =	vld [tilespmem:s24+$0x19350];
	vm0 =	vgt.s32 v21, $0xC350;
	v14 =	vsel vm2, v17, v14;
	v17 =	vadd.s32 $0xFFFF3CAF, v21  }
0x177: {  	vm3 =	vgt.s32 v12, $0xC350;
	v19 =	vadd.s32 $0xFFFF3CAF, v12;
	v17 =	vsel vm0, v17, v21  }
0x178: {  	s25 =	simm.s32 $0x80;
	v0 =	vadd.f32 v3, v0;
	v12 =	vsel vm3, v19, v12;
	v13 =	vld.idx.msk [tilespmem:v13+s5+$0x0], $0xffff  }
0x179: {  	v3 =	vmul.f32 v20, v20;
	v20 =	vld [tilespmem:s25+$0x19370];
	vm11 =	vgt.s32 v9, $0xC350;
	v19 =	vadd.s32 $0xFFFF3CAF, v9  }
0x17a: {  	v9 =	vsel vm11, v19, v9;
	v21 =	vld [tilespmem:s25+$0x19300]  }
0x17b: {  	v2 =	vadd.f32 v11, v2;
	vm1 =	vgt.s32 v18, $0xC350;
	v19 =	vadd.s32 $0xFFFF3CAF, v18;
	v10 =	vld.idx.msk [tilespmem:v10+s5+$0x0], $0xffff  }
0x17c: {  	v11 =	vmul.f32 v23, v23;
	v7 =	vadd.f32 v15, v7;
	v18 =	vsel vm1, v19, v18;
	v17 =	vld.idx.msk [tilespmem:v17+s5+$0x0], $0xffff  }
0x17d: {  	v15 =	vmul.f32 v22, v22;
	v12 =	vld.idx.msk [tilespmem:v12+s5+$0x0], $0xffff;
	v19 =	vshrl.u32 v13, $0x10;
	v13 =	vand.u32 $0xFFFF, v13  }
0x17e: {  	v5 =	vadd.f32 v11, v5;
	v16 =	vld.idx.msk [tilespmem:v16+s5+$0x0], $0xffff;
	v13 =	vsel vm15, v19, v13;
	v19 =	vmul.f32 v24, v24  }
0x17f: {  	v6 =	vadd.f32 v15, v6;
	v15 =	vmul.f32 v26, v26;
	v3 =	vadd.f32 v3, v1;
	v9 =	vld.idx.msk [tilespmem:v9+s5+$0x0], $0xffff  }
0x180: {  	vm12 =	vgt.s32 v20, $0xC350;
	v14 =	vld.idx.msk [tilespmem:v14+s5+$0x0], $0xffff;
	vm13 =	vgt.s32 v21, $0xC350;
	v11 =	vadd.f32 v19, v4  }
0x181: {  	v4 =	vld.idx.msk [tilespmem:v18+s5+$0x0], $0xffff;
	v19 =	vshrl.u32 v10, $0x10;
	v10 =	vand.u32 $0xFFFF, v10;
	v60 =	vshrl.u32 v17, $0x10  }
0x182: {  	v58 =	vld [tilespmem:s25+$0x19330];
	v10 =	vsel vm9, v19, v10;
	v19 =	vshrl.u32 v12, $0x10;
	v12 =	vand.u32 $0xFFFF, v12  }
0x183: {  	v61 =	vld [tilespmem:s25+$0x19350];
	v12 =	vsel vm3, v19, v12;
	v19 =	vshrl.u32 v16, $0x10;
	v16 =	vand.u32 $0xFFFF, v16  }
0x184: {  	v22 =	vld [tilespmem:s25+$0x19310];
	v16 =	vsel vm10, v19, v16;
	v19 =	vshrl.u32 v9, $0x10;
	v9 =	vand.u32 $0xFFFF, v9  }
0x185: {  	v23 =	vld [tilespmem:s25+$0x19320];
	v9 =	vsel vm11, v19, v9;
	v19 =	vshrl.u32 v14, $0x10;
	v14 =	vand.u32 $0xFFFF, v14  }
0x186: {  	v62 =	vld [tilespmem:s25+$0x19360];
	v19 =	vsel vm2, v19, v14;
	v14 =	vshrl.u32 v4, $0x10;
	v4 =	vand.u32 $0xFFFF, v4  }
0x187: {  	v17 =	vand.u32 $0xFFFF, v17;
	v59 =	vsel vm1, v14, v4;
	v4 =	vld [tilespmem:s25+$0x19340];
	v14 =	vadd.s32 $0xFFFF3CAF, v20  }
0x188: {  	v13 =	vld.idx.msk [tilespmem:v13+s22+$0x0], $0xffff;
	v14 =	vsel vm12, v14, v20;
	v20 =	vsel vm0, v60, v17;
	v17 =	vadd.s32 $0xFFFF3CAF, v21  }
0x189: {  	vm14 =	vgt.s32 v22, $0xC350;
	v10 =	vld.idx.msk [tilespmem:v10+s22+$0x0], $0xffff;
	v17 =	vsel vm13, v17, v21;
	v21 =	vadd.s32 $0xFFFF3CAF, v22  }
0x18a: {  	vm15 =	vgt.s32 v23, $0xC350;
	v12 =	vld.idx.msk [tilespmem:v12+s22+$0x0], $0xffff;
	v21 =	vsel vm14, v21, v22;
	v22 =	vadd.s32 $0xFFFF3CAF, v23  }
0x18b: {  	vm3 =	vgt.s32 v58, $0xC350;
	v16 =	vld.idx.msk [tilespmem:v16+s22+$0x0], $0xffff;
	v22 =	vsel vm15, v22, v23;
	v23 =	vadd.s32 $0xFFFF3CAF, v58  }
0x18c: {  	v9 =	vld.idx.msk [tilespmem:v9+s22+$0x0], $0xffff;
	vm2 =	vgt.s32 v4, $0xC350;
	v23 =	vsel vm3, v23, v58;
	v63 =	vadd.s32 $0xFFFF3CAF, v4  }
0x18d: {  	vm0 =	vgt.s32 v61, $0xC350;
	v14 =	vld.idx.msk [tilespmem:v14+s5+$0x0], $0xffff;
	v24 =	vsel vm2, v63, v4;
	v4 =	vadd.s32 $0xFFFF3CAF, v61  }
0x18e: {  	v2 =	vadd.f32 v15, v2;
	v18 =	vmul.f32 v27, v27;
	v27 =	vsel vm0, v4, v61;
	v17 =	vld.idx.msk [tilespmem:v17+s5+$0x0], $0xffff  }
0x18f: {  	vm1 =	vgt.s32 v62, $0xC350;
	v13 =	vmul.f32 v13, v13;
	v4 =	vadd.s32 $0xFFFF3CAF, v62;
	v21 =	vld.idx.msk [tilespmem:v21+s5+$0x0], $0xffff  }
0x190: {  	v1 =	vadd.f32 v18, v8;
	v26 =	vsel vm1, v4, v62;
	v4 =	vmul.f32 v10, v10;
	v8 =	vld.idx.msk [tilespmem:v22+s5+$0x0], $0xffff  }
0x191: {  	v7 =	vadd.f32 v13, v7;
	v13 =	vmul.f32 v16, v16;
	v10 =	vmul.f32 v12, v12;
	v18 =	vld.idx.msk [tilespmem:v23+s5+$0x0], $0xffff  }
0x192: {  	v4 =	vadd.f32 v4, v6;
	v22 =	vld.idx.msk [tilespmem:v24+s5+$0x0], $0xffff;
	v6 =	vshrl.u32 v14, $0x10;
	v14 =	vand.u32 $0xFFFF, v14  }
0x193: {  	v5 =	vadd.f32 v10, v5;
	v10 =	vmul.f32 v9, v9;
	v12 =	vld.idx.msk [tilespmem:v27+s5+$0x0], $0xffff;
	v23 =	vsel vm12, v6, v14  }
0x194: {  	v6 =	vadd.f32 v13, v11;
	v9 =	vshrl.u32 v17, $0x10;
	v11 =	vand.u32 $0xFFFF, v17;
	v13 =	vld.idx.msk [tilespmem:v19+s22+$0x0], $0xffff  }
0x195: {  	v17 =	vld.idx.msk [tilespmem:v26+s5+$0x0], $0xffff;
	v14 =	vsel vm13, v9, v11;
	v9 =	vshrl.u32 v21, $0x10;
	v11 =	vand.u32 $0xFFFF, v21  }
0x196: {  	v15 =	vsel vm14, v9, v11;
	v9 =	vshrl.u32 v8, $0x10;
	v11 =	vand.u32 $0xFFFF, v8;
	v8 =	vld.idx.msk [tilespmem:v59+s22+$0x0], $0xffff  }
0x197: {  	v16 =	vsel vm15, v9, v11;
	v11 =	vshrl.u32 v18, $0x10;
	v18 =	vand.u32 $0xFFFF, v18;
	v9 =	vld.idx.msk [tilespmem:v20+s22+$0x0], $0xffff  }
0x198: {  	s21 =	simm.s32 $0x600;
	s24 =	simm.s32 $0x100;
	v11 =	vsel vm3, v11, v18;
	v19 =	vshrl.u32 v22, $0x10;
	v20 =	vand.u32 $0xFFFF, v22;
	v18 =	vld.idx.msk [tilespmem:v23+s22+$0x0], $0xffff  }
.LBB2_14:
0x199: {  	p2 =	sne.s32 s21, $0xE00;
	v21 =	vld [tilespmem:s24+$0x19370];
	v19 =	vsel vm2, v19, v20;
	v20 =	vshrl.u32 v12, $0x10;
	v12 =	vand.u32 $0xFFFF, v12  }
0x19a: {  	v22 =	vld [tilespmem:s24+$0x19300];
	v20 =	vsel vm0, v20, v12;
	v12 =	vshrl.u32 v17, $0x10;
	v17 =	vand.u32 $0xFFFF, v17  }
0x19b: {  	v0 =	vadd.f32 v10, v0;
	v10 =	vmul.f32 v13, v13;
	v23 =	vld [tilespmem:s24+$0x19310];
	v24 =	vsel vm1, v12, v17  }
0x19c: {  	v8 =	vmul.f32 v8, v8;
	v12 =	vld [tilespmem:s24+$0x19320]  }
0x19d: {  	v3 =	vadd.f32 v10, v3;
	v9 =	vmul.f32 v9, v9;
	v13 =	vld [tilespmem:s24+$0x19330]  }
0x19e: {  	v18 =	vmul.f32 v18, v18;
	v10 =	vld [tilespmem:s24+$0x19340];
	vm7 =	vgt.s32 v21, $0xC350;
	v17 =	vadd.s32 $0xFFFF3CAF, v21  }
0x19f: {  	vm4 =	vgt.s32 v22, $0xC350;
	v25 =	vadd.s32 $0xFFFF3CAF, v22;
	v26 =	vld [tilespmem:s24+$0x19350];
	v17 =	vsel vm7, v17, v21  }
0x1a0: {  	v7 =	vadd.f32 v18, v7;
	vm5 =	vgt.s32 v23, $0xC350;
	v21 =	vadd.s32 $0xFFFF3CAF, v23;
	v27 =	vld [tilespmem:s24+$0x19360]  }
0x1a1: {  	v18 =	vsel vm4, v25, v22;
	vm6 =	vgt.s32 v12, $0xC350;
	v22 =	vadd.s32 $0xFFFF3CAF, v12;
	v14 =	vld.idx.msk [tilespmem:v14+s22+$0x0], $0xffff  }
0x1a2: {  	v21 =	vsel vm5, v21, v23;
	vm3 =	vgt.s32 v13, $0xC350;
	v23 =	vadd.s32 $0xFFFF3CAF, v13;
	v15 =	vld.idx.msk [tilespmem:v15+s22+$0x0], $0xffff  }
0x1a3: {  	v12 =	vsel vm6, v22, v12;
	vm2 =	vgt.s32 v10, $0xC350;
	v22 =	vadd.s32 $0xFFFF3CAF, v10;
	v16 =	vld.idx.msk [tilespmem:v16+s22+$0x0], $0xffff  }
0x1a4: {  	v13 =	vsel vm3, v23, v13;
	vm0 =	vgt.s32 v26, $0xC350;
	v23 =	vadd.s32 $0xFFFF3CAF, v26;
	v17 =	vld.idx.msk [tilespmem:v17+s5+$0x0], $0xffff  }
0x1a5: {  	v10 =	vsel vm2, v22, v10;
	vm1 =	vgt.s32 v27, $0xC350;
	v22 =	vadd.s32 $0xFFFF3CAF, v27;
	v11 =	vld.idx.msk [tilespmem:v11+s22+$0x0], $0xffff  }
0x1a6: {  	v2 =	vadd.f32 v8, v2;
	v23 =	vsel vm0, v23, v26;
	v18 =	vld.idx.msk [tilespmem:v18+s5+$0x0], $0xffff;
	v22 =	vsel vm1, v22, v27  }
0x1a7: {  	v1 =	vadd.f32 v9, v1;
	v14 =	vmul.f32 v14, v14;
	v8 =	vld.idx.msk [tilespmem:v21+s5+$0x0], $0xffff  }
0x1a8: {  	v9 =	vld.idx.msk [tilespmem:v12+s5+$0x0], $0xffff;
	v12 =	vmul.f32 v15, v15  }
0x1a9: {  	v4 =	vadd.f32 v14, v4;
	v21 =	vld.idx.msk [tilespmem:v13+s5+$0x0], $0xffff;
	v13 =	vmul.f32 v16, v16  }
0x1aa: {  	v14 =	vand.u32 $0xFFFF, v17;
	v25 =	vld.idx.msk [tilespmem:v10+s5+$0x0], $0xffff;
	v10 =	vshrl.u32 v17, $0x10;
	v5 =	vadd.f32 v12, v5  }
0x1ab: {  	v12 =	vld.idx.msk [tilespmem:v23+s5+$0x0], $0xffff;
	v23 =	vsel vm7, v10, v14;
	v6 =	vadd.f32 v13, v6;
	v10 =	vmul.f32 v11, v11  }
.Ltmp6:
0x1ac: {  	v11 =	vshrl.u32 v18, $0x10;
	v13 =	vand.u32 $0xFFFF, v18;
	v17 =	vld.idx.msk [tilespmem:v22+s5+$0x0], $0xffff;
	(pc) =	sbr.rel @p2 .LBB2_14-.Ltmp6, $4  }
0x1ad: {  	v14 =	vsel vm4, v11, v13;
	v11 =	vshrl.u32 v8, $0x10;
	v8 =	vand.u32 $0xFFFF, v8;
	v13 =	vld.idx.msk [tilespmem:v19+s22+$0x0], $0xffff  }
0x1ae: {  	v15 =	vsel vm5, v11, v8;
	v11 =	vshrl.u32 v9, $0x10;
	v9 =	vand.u32 $0xFFFF, v9;
	v8 =	vld.idx.msk [tilespmem:v20+s22+$0x0], $0xffff  }
0x1af: {  	v16 =	vsel vm6, v11, v9;
	v11 =	vshrl.u32 v21, $0x10;
	v18 =	vand.u32 $0xFFFF, v21;
	v9 =	vld.idx.msk [tilespmem:v24+s22+$0x0], $0xffff  }
0x1b0: {  	s24 =	sshra.s32 s21, $0x2;
	s21 =	sadd.s32 $0x200, s21;
	v11 =	vsel vm3, v11, v18;
	v19 =	vshrl.u32 v25, $0x10;
	v20 =	vand.u32 $0xFFFF, v25;
	v18 =	vld.idx.msk [tilespmem:v23+s22+$0x0], $0xffff  }
0x1b1: {  	v21 =	vld [tilespmem:s24+$0x19370]  }
0x1b2: {  	v22 =	vld [tilespmem:s24+$0x19300]  }
0x1b3: {  	v23 =	vld [tilespmem:s24+$0x19310]  }
0x1b4: {  	v24 =	vld [tilespmem:s24+$0x19320]  }
0x1b5: {  	v25 =	vld [tilespmem:s24+$0x19330]  }
0x1b6: {  	v26 =	vld [tilespmem:s24+$0x19340]  }
0x1b7: {  	v28 =	vld [tilespmem:s24+$0x19350];
	v19 =	vsel vm2, v19, v20;
	vm9 =	vgt.s32 v21, $0xC350;
	v27 =	vadd.s32 $0xFFFF3CAF, v21  }
0x1b8: {  	v63 =	vld [tilespmem:s24+$0x19360];
	vm7 =	vgt.s32 v22, $0xC350;
	v62 =	vadd.s32 $0xFFFF3CAF, v22;
	v21 =	vsel vm9, v27, v21  }
0x1b9: {  	v14 =	vld.idx.msk [tilespmem:v14+s22+$0x0], $0xffff;
	vm3 =	vgt.s32 v23, $0xC350;
	v31 =	vadd.s32 $0xFFFF3CAF, v23;
	v20 =	vsel vm7, v62, v22  }
0x1ba: {  	v15 =	vld.idx.msk [tilespmem:v15+s22+$0x0], $0xffff;
	vm4 =	vgt.s32 v24, $0xC350;
	v32 =	vadd.s32 $0xFFFF3CAF, v24;
	v22 =	vsel vm3, v31, v23  }
0x1bb: {  	v16 =	vld.idx.msk [tilespmem:v16+s22+$0x0], $0xffff;
	vm5 =	vgt.s32 v25, $0xC350;
	v33 =	vadd.s32 $0xFFFF3CAF, v25;
	v23 =	vsel vm4, v32, v24  }
0x1bc: {  	v11 =	vld.idx.msk [tilespmem:v11+s22+$0x0], $0xffff;
	vm6 =	vgt.s32 v26, $0xC350;
	v34 =	vadd.s32 $0xFFFF3CAF, v26;
	v24 =	vsel vm5, v33, v25  }
0x1bd: {  	vm8 =	vgt.s32 v28, $0xC350;
	v35 =	vadd.s32 $0xFFFF3CAF, v28;
	v25 =	vsel vm6, v34, v26;
	v21 =	vld.idx.msk [tilespmem:v21+s5+$0x0], $0xffff  }
0x1be: {  	vm15 =	vgt.s32 v63, $0xC350;
	v36 =	vadd.s32 $0xFFFF3CAF, v63;
	v26 =	vsel vm8, v35, v28;
	v20 =	vld.idx.msk [tilespmem:v20+s5+$0x0], $0xffff  }
0x1bf: {  	v37 =	vshrl.u32 v12, $0x10;
	v38 =	vand.u32 $0xFFFF, v12;
	v27 =	vsel vm15, v36, v63;
	v22 =	vld.idx.msk [tilespmem:v22+s5+$0x0], $0xffff  }
0x1c0: {  	v39 =	vshrl.u32 v17, $0x10;
	v40 =	vand.u32 $0xFFFF, v17;
	v0 =	vadd.f32 v10, v0;
	v23 =	vld.idx.msk [tilespmem:v23+s5+$0x0], $0xffff  }
0x1c1: {  	v12 =	vsel vm0, v37, v38;
	v17 =	vsel vm1, v39, v40;
	v42 =	vmul.f32 v13, v13;
	v24 =	vld.idx.msk [tilespmem:v24+s5+$0x0], $0xffff  }
0x1c2: {  	v8 =	vmul.f32 v8, v8;
	v43 =	vld.idx.msk [tilespmem:v25+s5+$0x0], $0xffff;
	v41 =	vshrl.u32 v21, $0x10;
	v21 =	vand.u32 $0xFFFF, v21  }
0x1c3: {  	v44 =	vld.idx.msk [tilespmem:v26+s5+$0x0], $0xffff;
	v45 =	vshrl.u32 v20, $0x10;
	v20 =	vand.u32 $0xFFFF, v20;
	v21 =	vsel vm9, v41, v21  }
0x1c4: {  	v27 =	vld.idx.msk [tilespmem:v27+s5+$0x0], $0xffff;
	v46 =	vshrl.u32 v22, $0x10;
	v22 =	vand.u32 $0xFFFF, v22;
	v20 =	vsel vm7, v45, v20  }
0x1c5: {  	v19 =	vld.idx.msk [tilespmem:v19+s22+$0x0], $0xffff;
	v47 =	vshrl.u32 v23, $0x10;
	v23 =	vand.u32 $0xFFFF, v23;
	v22 =	vsel vm3, v46, v22  }
0x1c6: {  	v12 =	vld.idx.msk [tilespmem:v12+s22+$0x0], $0xffff;
	v48 =	vshrl.u32 v24, $0x10;
	v24 =	vand.u32 $0xFFFF, v24;
	v23 =	vsel vm4, v47, v23  }
0x1c7: {  	v17 =	vld.idx.msk [tilespmem:v17+s22+$0x0], $0xffff;
	v49 =	vshrl.u32 v43, $0x10;
	v13 =	vand.u32 $0xFFFF, v43;
	v24 =	vsel vm5, v48, v24  }
0x1c8: {  	v50 =	vshrl.u32 v44, $0x10;
	v25 =	vand.u32 $0xFFFF, v44;
	v13 =	vsel vm6, v49, v13;
	v21 =	vld.idx.msk [tilespmem:v21+s22+$0x0], $0xffff  }
0x1c9: {  	v51 =	vshrl.u32 v27, $0x10;
	v27 =	vand.u32 $0xFFFF, v27;
	v25 =	vsel vm8, v50, v25;
	v20 =	vld.idx.msk [tilespmem:v20+s22+$0x0], $0xffff  }
0x1ca: {  	v3 =	vadd.f32 v42, v3;
	v9 =	vmul.f32 v9, v9;
	v52 =	vsel vm15, v51, v27;
	v22 =	vld.idx.msk [tilespmem:v22+s22+$0x0], $0xffff  }
0x1cb: {  	v2 =	vadd.f32 v8, v2;
	v8 =	vmul.f32 v15, v15;
	v54 =	vmul.f32 v16, v16;
	v53 =	vld.idx.msk [tilespmem:v23+s22+$0x0], $0xffff  }
0x1cc: {  	v18 =	vmul.f32 v18, v18;
	v14 =	vmul.f32 v14, v14;
	v1 =	vadd.f32 v9, v1;
	v55 =	vld.idx.msk [tilespmem:v24+s22+$0x0], $0xffff  }
0x1cd: {  	v5 =	vadd.f32 v8, v5;
	v8 =	vadd.f32 v54, v6;
	v6 =	vmul.f32 v19, v19;
	v57 =	vld.idx.msk [tilespmem:v13+s22+$0x0], $0xffff  }
0x1ce: {  	v56 =	vmul.f32 v11, v11;
	v7 =	vadd.f32 v18, v7;
	v59 =	vmul.f32 v12, v12;
	v58 =	vld.idx.msk [tilespmem:v25+s22+$0x0], $0xffff  }
0x1cf: {  	v4 =	vadd.f32 v14, v4;
	v61 =	vadd.f32 v6, v3;
	v3 =	vmul.f32 v17, v17;
	v10 =	vld.idx.msk [tilespmem:v52+s22+$0x0], $0xffff  }
0x1d0: {  	s18 =	sadd.s32 $0x1, s18;
	v0 =	vadd.f32 v56, v0;
	v9 =	vadd.f32 v59, v2;
	v60 =	vmul.f32 v21, v21  }
0x1d1: {  	p2 =	sne.s32 s18, $0x6;
	v63 =	vadd.f32 v3, v1;
	v62 =	vmul.f32 v20, v20;
	v2 =	vmul.f32 v22, v22  }
.Ltmp7:
0x1d2: {  	v1 =	vmul.f32 v53, v53;
	v11 =	vmul.f32 v57, v57;
	v6 =	vadd.f32 v60, v7;
	(pc) =	sbr.rel @p2 .LBB2_7-.Ltmp7, $4  }
0x1d3: {  	v7 =	vadd.f32 v62, v4;
	v5 =	vadd.f32 v2, v5;
	v2 =	vmul.f32 v55, v55  }
0x1d4: {  	v4 =	vadd.f32 v1, v8;
	v1 =	vmul.f32 v58, v58;
	v8 =	vmul.f32 v10, v10  }
0x1d5: {  	v3 =	vadd.f32 v2, v0;
	v2 =	vadd.f32 v11, v61  }
0x1d6: {  	v1 =	vadd.f32 v1, v9;
	v0 =	vadd.f32 v8, v63  }
0x1d7: {  	_ =	swait.ge [sflag:s26], $0x400  }
0x1d8: {  	[sflag:s26] =	ssyncset.done $0x0  }
0x1d9: {  	s0 =	simm.s32 $0x0;
	[sflag:s26] =	ssyncadd.s32 $0xFFFFFC00  }
0x1da: {  	v8 =	vld [tilespmem:s0+$0x18770];
	_ =	sdelay $0x1  }
0x1db: {  	v9 =	vld [tilespmem:s0+$0x18700]  }
0x1dc: {  	v10 =	vld [tilespmem:s0+$0x18710]  }
0x1dd: {  	v12 =	vld [tilespmem:s0+$0x18720]  }
0x1de: {  	v13 =	vld [tilespmem:s0+$0x18740];
	vm7 =	vgt.s32 v8, $0xC350;
	v11 =	vadd.s32 $0xFFFF3CAF, v8  }
0x1df: {  	v8 =	vsel vm7, v11, v8;
	v11 =	vld [tilespmem:s0+$0x18730]  }
0x1e0: {  	v15 =	vld [tilespmem:s0+$0x18750]  }
0x1e1: {  	s25 =	simm.s32 $0x80;
	v17 =	vld [tilespmem:s0+$0x18760];
	vm6 =	vgt.s32 v9, $0xC350;
	v14 =	vadd.s32 $0xFFFF3CAF, v9  }
0x1e2: {  	v18 =	vld [tilespmem:s25+$0x18700];
	vm1 =	vgt.s32 v10, $0xC350;
	v16 =	vadd.s32 $0xFFFF3CAF, v10;
	v9 =	vsel vm6, v14, v9  }
0x1e3: {  	v19 =	vld [tilespmem:s25+$0x18710];
	vm2 =	vgt.s32 v12, $0xC350;
	v14 =	vadd.s32 $0xFFFF3CAF, v12;
	v10 =	vsel vm1, v16, v10  }
0x1e4: {  	v20 =	vld [tilespmem:s25+$0x18720];
	v12 =	vsel vm2, v14, v12;
	vm5 =	vgt.s32 v11, $0xC350;
	v16 =	vadd.s32 $0xFFFF3CAF, v11  }
0x1e5: {  	v21 =	vld [tilespmem:s25+$0x18730];
	vm0 =	vgt.s32 v13, $0xC350;
	v14 =	vadd.s32 $0xFFFF3CAF, v13;
	v11 =	vsel vm5, v16, v11  }
0x1e6: {  	v13 =	vsel vm0, v14, v13;
	v8 =	vld.idx.msk [tilespmem:v8+s5+$0x0], $0xffff  }
0x1e7: {  	v9 =	vld.idx.msk [tilespmem:v9+s5+$0x0], $0xffff  }
0x1e8: {  	vm3 =	vgt.s32 v15, $0xC350;
	vm4 =	vgt.s32 v17, $0xC350;
	v10 =	vld.idx.msk [tilespmem:v10+s5+$0x0], $0xffff  }
0x1e9: {  	vm13 =	vgt.s32 v18, $0xC350;
	v23 =	vadd.s32 $0xFFFF3CAF, v18;
	v14 =	vadd.s32 $0xFFFF3CAF, v17;
	v12 =	vld.idx.msk [tilespmem:v12+s5+$0x0], $0xffff  }
0x1ea: {  	v18 =	vsel vm13, v23, v18;
	v14 =	vsel vm4, v14, v17;
	v16 =	vadd.s32 $0xFFFF3CAF, v15;
	v11 =	vld.idx.msk [tilespmem:v11+s5+$0x0], $0xffff  }
0x1eb: {  	v15 =	vsel vm3, v16, v15;
	v13 =	vld.idx.msk [tilespmem:v13+s5+$0x0], $0xffff;
	v16 =	vshrl.u32 v8, $0x10;
	v8 =	vand.u32 $0xFFFF, v8  }
0x1ec: {  	v17 =	vld [tilespmem:s25+$0x18770];
	v8 =	vsel vm7, v16, v8;
	v16 =	vshrl.u32 v9, $0x10;
	v9 =	vand.u32 $0xFFFF, v9  }
0x1ed: {  	v24 =	vld [tilespmem:s25+$0x18750];
	v9 =	vsel vm6, v16, v9;
	v16 =	vshrl.u32 v10, $0x10;
	v10 =	vand.u32 $0xFFFF, v10  }
0x1ee: {  	v25 =	vld [tilespmem:s25+$0x18760];
	v10 =	vsel vm1, v16, v10;
	v16 =	vshrl.u32 v12, $0x10;
	v12 =	vand.u32 $0xFFFF, v12  }
0x1ef: {  	v18 =	vld.idx.msk [tilespmem:v18+s5+$0x0], $0xffff;
	v12 =	vsel vm2, v16, v12;
	v16 =	vshrl.u32 v11, $0x10;
	v11 =	vand.u32 $0xFFFF, v11  }
0x1f0: {  	v14 =	vld.idx.msk [tilespmem:v14+s5+$0x0], $0xffff;
	v11 =	vsel vm5, v16, v11;
	v16 =	vshrl.u32 v13, $0x10;
	v13 =	vand.u32 $0xFFFF, v13  }
0x1f1: {  	vm9 =	vgt.s32 v17, $0xC350;
	v22 =	vadd.s32 $0xFFFF3CAF, v17;
	v16 =	vsel vm0, v16, v13;
	v13 =	vld [tilespmem:s25+$0x18740]  }
0x1f2: {  	vm8 =	vgt.s32 v20, $0xC350;
	v23 =	vadd.s32 $0xFFFF3CAF, v20;
	v17 =	vsel vm9, v22, v17;
	v15 =	vld.idx.msk [tilespmem:v15+s5+$0x0], $0xffff  }
0x1f3: {  	vm14 =	vgt.s32 v19, $0xC350;
	v20 =	vsel vm8, v23, v20;
	v22 =	vadd.s32 $0xFFFF3CAF, v19;
	v8 =	vld.idx.msk [tilespmem:v8+s22+$0x0], $0xffff  }
0x1f4: {  	vm15 =	vgt.s32 v21, $0xC350;
	v19 =	vsel vm14, v22, v19;
	v22 =	vadd.s32 $0xFFFF3CAF, v21;
	v9 =	vld.idx.msk [tilespmem:v9+s22+$0x0], $0xffff  }
0x1f5: {  	v21 =	vsel vm15, v22, v21;
	v22 =	vadd.s32 $0xFFFF3CAF, v24;
	vm1 =	vgt.s32 v25, $0xC350;
	v10 =	vld.idx.msk [tilespmem:v10+s22+$0x0], $0xffff  }
0x1f6: {  	v63 =	vshrl.u32 v14, $0x10;
	v12 =	vld.idx.msk [tilespmem:v12+s22+$0x0], $0xffff;
	vm2 =	vgt.s32 v13, $0xC350;
	v23 =	vadd.s32 $0xFFFF3CAF, v13  }
0x1f7: {  	v14 =	vand.u32 $0xFFFF, v14;
	v17 =	vld.idx.msk [tilespmem:v17+s5+$0x0], $0xffff;
	vm0 =	vgt.s32 v24, $0xC350;
	v13 =	vsel vm2, v23, v13  }
0x1f8: {  	v20 =	vld.idx.msk [tilespmem:v20+s5+$0x0], $0xffff;
	v62 =	vshrl.u32 v15, $0x10;
	v22 =	vsel vm0, v22, v24;
	v8 =	vmul.f32 v8, v8  }
0x1f9: {  	v15 =	vand.u32 $0xFFFF, v15;
	v11 =	vld.idx.msk [tilespmem:v11+s22+$0x0], $0xffff;
	v9 =	vmul.f32 v9, v9;
	v23 =	vadd.s32 $0xFFFF3CAF, v25  }
0x1fa: {  	v19 =	vld.idx.msk [tilespmem:v19+s5+$0x0], $0xffff;
	v24 =	vsel vm3, v62, v15;
	v8 =	vadd.f32 v8, v6;
	v23 =	vsel vm1, v23, v25  }
0x1fb: {  	v21 =	vld.idx.msk [tilespmem:v21+s5+$0x0], $0xffff;
	v10 =	vmul.f32 v10, v10;
	v12 =	vmul.f32 v12, v12;
	v6 =	vadd.f32 v9, v7  }
0x1fc: {  	v7 =	vshrl.u32 v17, $0x10;
	v9 =	vand.u32 $0xFFFF, v17;
	v25 =	vsel vm4, v63, v14;
	v26 =	vld.idx.msk [tilespmem:v13+s5+$0x0], $0xffff  }
0x1fd: {  	v5 =	vadd.f32 v10, v5;
	v10 =	vand.u32 $0xFFFF, v18;
	v13 =	vld.idx.msk [tilespmem:v22+s5+$0x0], $0xffff;
	v22 =	vsel vm9, v7, v9  }
0x1fe: {  	v15 =	vld.idx.msk [tilespmem:v16+s22+$0x0], $0xffff;
	v4 =	vadd.f32 v12, v4;
	v9 =	vmul.f32 v11, v11;
	v7 =	vshrl.u32 v18, $0x10  }
0x1ff: {  	v11 =	vand.u32 $0xFFFF, v19;
	v14 =	vld.idx.msk [tilespmem:v23+s5+$0x0], $0xffff;
	v10 =	vsel vm13, v7, v10;
	v7 =	vshrl.u32 v19, $0x10  }
0x200: {  	v16 =	vld.idx.msk [tilespmem:v24+s22+$0x0], $0xffff;
	v12 =	vand.u32 $0xFFFF, v20;
	v11 =	vsel vm14, v7, v11;
	v7 =	vshrl.u32 v20, $0x10  }
0x201: {  	v18 =	vand.u32 $0xFFFF, v21;
	v17 =	vld.idx.msk [tilespmem:v25+s22+$0x0], $0xffff;
	v12 =	vsel vm8, v7, v12;
	v7 =	vshrl.u32 v21, $0x10  }
0x202: {  	s18 =	simm.s32 $0x100;
	s6 =	simm.s32 $0x600;
	v7 =	vsel vm15, v7, v18;
	v19 =	vshrl.u32 v26, $0x10;
	v20 =	vand.u32 $0xFFFF, v26;
	v18 =	vld.idx.msk [tilespmem:v22+s22+$0x0], $0xffff  }
.LBB2_17:
0x203: {  	p2 =	sne.s32 s6, $0xE00;
	v21 =	vld [tilespmem:s18+$0x18770];
	v19 =	vsel vm2, v19, v20;
	v20 =	vshrl.u32 v13, $0x10;
	v13 =	vand.u32 $0xFFFF, v13  }
0x204: {  	v22 =	vld [tilespmem:s18+$0x18700];
	v20 =	vsel vm0, v20, v13;
	v13 =	vshrl.u32 v14, $0x10;
	v14 =	vand.u32 $0xFFFF, v14  }
0x205: {  	v3 =	vadd.f32 v9, v3;
	v9 =	vmul.f32 v15, v15;
	v23 =	vld [tilespmem:s18+$0x18710];
	v24 =	vsel vm1, v13, v14  }
0x206: {  	v14 =	vmul.f32 v16, v16;
	v13 =	vld [tilespmem:s18+$0x18720]  }
0x207: {  	v2 =	vadd.f32 v9, v2;
	v9 =	vmul.f32 v17, v17;
	v15 =	vld [tilespmem:s18+$0x18730]  }
0x208: {  	v18 =	vmul.f32 v18, v18;
	v16 =	vld [tilespmem:s18+$0x18740];
	vm7 =	vgt.s32 v21, $0xC350;
	v17 =	vadd.s32 $0xFFFF3CAF, v21  }
0x209: {  	vm4 =	vgt.s32 v22, $0xC350;
	v25 =	vadd.s32 $0xFFFF3CAF, v22;
	v26 =	vld [tilespmem:s18+$0x18750];
	v17 =	vsel vm7, v17, v21  }
0x20a: {  	v8 =	vadd.f32 v18, v8;
	vm5 =	vgt.s32 v23, $0xC350;
	v21 =	vadd.s32 $0xFFFF3CAF, v23;
	v27 =	vld [tilespmem:s18+$0x18760]  }
0x20b: {  	v18 =	vsel vm4, v25, v22;
	vm6 =	vgt.s32 v13, $0xC350;
	v22 =	vadd.s32 $0xFFFF3CAF, v13;
	v10 =	vld.idx.msk [tilespmem:v10+s22+$0x0], $0xffff  }
0x20c: {  	v21 =	vsel vm5, v21, v23;
	vm3 =	vgt.s32 v15, $0xC350;
	v23 =	vadd.s32 $0xFFFF3CAF, v15;
	v11 =	vld.idx.msk [tilespmem:v11+s22+$0x0], $0xffff  }
0x20d: {  	v13 =	vsel vm6, v22, v13;
	vm2 =	vgt.s32 v16, $0xC350;
	v22 =	vadd.s32 $0xFFFF3CAF, v16;
	v12 =	vld.idx.msk [tilespmem:v12+s22+$0x0], $0xffff  }
0x20e: {  	v15 =	vsel vm3, v23, v15;
	vm0 =	vgt.s32 v26, $0xC350;
	v23 =	vadd.s32 $0xFFFF3CAF, v26;
	v17 =	vld.idx.msk [tilespmem:v17+s5+$0x0], $0xffff  }
0x20f: {  	v16 =	vsel vm2, v22, v16;
	vm1 =	vgt.s32 v27, $0xC350;
	v22 =	vadd.s32 $0xFFFF3CAF, v27;
	v7 =	vld.idx.msk [tilespmem:v7+s22+$0x0], $0xffff  }
0x210: {  	v1 =	vadd.f32 v14, v1;
	v23 =	vsel vm0, v23, v26;
	v18 =	vld.idx.msk [tilespmem:v18+s5+$0x0], $0xffff;
	v22 =	vsel vm1, v22, v27  }
0x211: {  	v0 =	vadd.f32 v9, v0;
	v10 =	vmul.f32 v10, v10;
	v21 =	vld.idx.msk [tilespmem:v21+s5+$0x0], $0xffff  }
0x212: {  	v9 =	vmul.f32 v11, v11;
	v25 =	vld.idx.msk [tilespmem:v13+s5+$0x0], $0xffff  }
0x213: {  	v6 =	vadd.f32 v10, v6;
	v10 =	vmul.f32 v12, v12;
	v26 =	vld.idx.msk [tilespmem:v15+s5+$0x0], $0xffff  }
0x214: {  	v11 =	vshrl.u32 v17, $0x10;
	v12 =	vand.u32 $0xFFFF, v17;
	v5 =	vadd.f32 v9, v5;
	v27 =	vld.idx.msk [tilespmem:v16+s5+$0x0], $0xffff  }
0x215: {  	v4 =	vadd.f32 v10, v4;
	v9 =	vmul.f32 v7, v7;
	v13 =	vld.idx.msk [tilespmem:v23+s5+$0x0], $0xffff;
	v23 =	vsel vm7, v11, v12  }
.Ltmp8:
0x216: {  	v7 =	vshrl.u32 v18, $0x10;
	v10 =	vand.u32 $0xFFFF, v18;
	v14 =	vld.idx.msk [tilespmem:v22+s5+$0x0], $0xffff;
	(pc) =	sbr.rel @p2 .LBB2_17-.Ltmp8, $4  }
0x217: {  	v10 =	vsel vm4, v7, v10;
	v7 =	vshrl.u32 v21, $0x10;
	v11 =	vand.u32 $0xFFFF, v21;
	v15 =	vld.idx.msk [tilespmem:v19+s22+$0x0], $0xffff  }
0x218: {  	v11 =	vsel vm5, v7, v11;
	v7 =	vshrl.u32 v25, $0x10;
	v12 =	vand.u32 $0xFFFF, v25;
	v16 =	vld.idx.msk [tilespmem:v20+s22+$0x0], $0xffff  }
0x219: {  	v12 =	vsel vm6, v7, v12;
	v7 =	vshrl.u32 v26, $0x10;
	v18 =	vand.u32 $0xFFFF, v26;
	v17 =	vld.idx.msk [tilespmem:v24+s22+$0x0], $0xffff  }
0x21a: {  	s18 =	sshra.s32 s6, $0x2;
	s6 =	sadd.s32 $0x200, s6;
	v7 =	vsel vm3, v7, v18;
	v19 =	vshrl.u32 v27, $0x10;
	v20 =	vand.u32 $0xFFFF, v27;
	v18 =	vld.idx.msk [tilespmem:v23+s22+$0x0], $0xffff  }
0x21b: {  	v21 =	vld [tilespmem:s18+$0x18770]  }
0x21c: {  	v22 =	vld [tilespmem:s18+$0x18700]  }
0x21d: {  	v23 =	vld [tilespmem:s18+$0x18710]  }
0x21e: {  	v24 =	vld [tilespmem:s18+$0x18720]  }
0x21f: {  	v25 =	vld [tilespmem:s18+$0x18730]  }
0x220: {  	v19 =	vsel vm2, v19, v20;
	v54 =	vld [tilespmem:s18+$0x18740];
	v61 =	vshrl.u32 v13, $0x10;
	v62 =	vand.u32 $0xFFFF, v13  }
0x221: {  	v28 =	vld [tilespmem:s18+$0x18750];
	v63 =	vshrl.u32 v14, $0x10;
	vm15 =	vgt.s32 v21, $0xC350;
	v26 =	vadd.s32 $0xFFFF3CAF, v21  }
0x222: {  	v29 =	vld [tilespmem:s18+$0x18760];
	vm6 =	vgt.s32 v22, $0xC350;
	v27 =	vadd.s32 $0xFFFF3CAF, v22;
	vm7 =	vgt.s32 v23, $0xC350  }
0x223: {  	v10 =	vld.idx.msk [tilespmem:v10+s22+$0x0], $0xffff;
	v55 =	vadd.s32 $0xFFFF3CAF, v23;
	vm8 =	vgt.s32 v24, $0xC350;
	v22 =	vsel vm6, v27, v22  }
0x224: {  	v11 =	vld.idx.msk [tilespmem:v11+s22+$0x0], $0xffff;
	v56 =	vadd.s32 $0xFFFF3CAF, v24;
	vm9 =	vgt.s32 v25, $0xC350;
	v23 =	vsel vm7, v55, v23  }
0x225: {  	v12 =	vld.idx.msk [tilespmem:v12+s22+$0x0], $0xffff;
	v57 =	vadd.s32 $0xFFFF3CAF, v25;
	vm5 =	vgt.s32 v54, $0xC350;
	v24 =	vsel vm8, v56, v24  }
0x226: {  	v7 =	vld.idx.msk [tilespmem:v7+s22+$0x0], $0xffff;
	v58 =	vadd.s32 $0xFFFF3CAF, v54;
	vm4 =	vgt.s32 v28, $0xC350;
	v25 =	vsel vm9, v57, v25  }
0x227: {  	v49 =	vld [tilespmem:$0x19780];
	v59 =	vadd.s32 $0xFFFF3CAF, v28;
	vm3 =	vgt.s32 v29, $0xC350;
	v20 =	vsel vm5, v58, v54  }
0x228: {  	v60 =	vadd.s32 $0xFFFF3CAF, v29;
	v21 =	vsel vm15, v26, v21;
	v26 =	vsel vm4, v59, v28;
	v22 =	vld.idx.msk [tilespmem:v22+s5+$0x0], $0xffff  }
0x229: {  	v30 =	vand.u32 $0xFFFF, v14;
	v15 =	vmul.f32 v15, v15;
	v27 =	vsel vm3, v60, v29;
	v23 =	vld.idx.msk [tilespmem:v23+s5+$0x0], $0xffff  }
0x22a: {  	v3 =	vadd.f32 v9, v3;
	v13 =	vsel vm0, v61, v62;
	v16 =	vmul.f32 v16, v16;
	v24 =	vld.idx.msk [tilespmem:v24+s5+$0x0], $0xffff  }
0x22b: {  	v14 =	vsel vm1, v63, v30;
	v2 =	vadd.f32 v15, v2;
	v18 =	vmul.f32 v18, v18;
	v31 =	vld.idx.msk [tilespmem:v25+s5+$0x0], $0xffff  }
0x22c: {  	v32 =	vmul.f32 v17, v17;
	v1 =	vadd.f32 v16, v1;
	v10 =	vmul.f32 v10, v10;
	v33 =	vld.idx.msk [tilespmem:v20+s5+$0x0], $0xffff  }
0x22d: {  	v8 =	vadd.f32 v18, v8;
	v35 =	vld.idx.msk [tilespmem:v26+s5+$0x0], $0xffff;
	v34 =	vshrl.u32 v22, $0x10;
	v22 =	vand.u32 $0xFFFF, v22  }
0x22e: {  	v37 =	vld.idx.msk [tilespmem:v27+s5+$0x0], $0xffff;
	v36 =	vshrl.u32 v23, $0x10;
	v23 =	vand.u32 $0xFFFF, v23;
	v20 =	vsel vm6, v34, v22  }
0x22f: {  	v21 =	vld.idx.msk [tilespmem:v21+s5+$0x0], $0xffff;
	v38 =	vshrl.u32 v24, $0x10;
	v24 =	vand.u32 $0xFFFF, v24;
	v22 =	vsel vm7, v36, v23  }
0x230: {  	v19 =	vld.idx.msk [tilespmem:v19+s22+$0x0], $0xffff;
	v39 =	vshrl.u32 v31, $0x10;
	v9 =	vand.u32 $0xFFFF, v31;
	v23 =	vsel vm8, v38, v24  }
0x231: {  	v13 =	vld.idx.msk [tilespmem:v13+s22+$0x0], $0xffff;
	v40 =	vshrl.u32 v33, $0x10;
	v17 =	vand.u32 $0xFFFF, v33;
	v9 =	vsel vm9, v39, v9  }
0x232: {  	v14 =	vld.idx.msk [tilespmem:v14+s22+$0x0], $0xffff;
	v42 =	vshrl.u32 v35, $0x10;
	v43 =	vand.u32 $0xFFFF, v35;
	v41 =	vsel vm5, v40, v17  }
0x233: {  	v44 =	vshrl.u32 v37, $0x10;
	v45 =	vand.u32 $0xFFFF, v37;
	v17 =	vsel vm4, v42, v43;
	v20 =	vld.idx.msk [tilespmem:v20+s22+$0x0], $0xffff  }
0x234: {  	v46 =	vshrl.u32 v21, $0x10;
	v21 =	vand.u32 $0xFFFF, v21;
	v18 =	vsel vm3, v44, v45;
	v22 =	vld.idx.msk [tilespmem:v22+s22+$0x0], $0xffff  }
0x235: {  	v11 =	vmul.f32 v11, v11;
	v12 =	vmul.f32 v12, v12;
	v21 =	vsel vm15, v46, v21;
	v23 =	vld.idx.msk [tilespmem:v23+s22+$0x0], $0xffff  }
0x236: {  	v0 =	vadd.f32 v32, v0;
	v7 =	vmul.f32 v7, v7;
	v6 =	vadd.f32 v10, v6;
	v9 =	vld.idx.msk [tilespmem:v9+s22+$0x0], $0xffff  }
0x237: {  	v5 =	vadd.f32 v11, v5;
	v4 =	vadd.f32 v12, v4;
	v48 =	vmul.f32 v19, v19;
	v47 =	vld.idx.msk [tilespmem:v41+s22+$0x0], $0xffff  }
0x238: {  	v3 =	vadd.f32 v7, v3;
	v50 =	vmul.f32 v13, v13;
	v52 =	vld.idx.msk [tilespmem:v17+s22+$0x0], $0xffff;
	v51 =	vmul.f32 v20, v20  }
0x239: {  	v53 =	vmul.f32 v14, v14;
	v2 =	vadd.f32 v48, v2;
	v55 =	vld.idx.msk [tilespmem:v18+s22+$0x0], $0xffff;
	v54 =	vmul.f32 v22, v22  }
0x23a: {  	v1 =	vadd.f32 v50, v1;
	v56 =	vld.idx.msk [tilespmem:v21+s22+$0x0], $0xffff;
	v57 =	vmul.f32 v23, v23;
	v6 =	vadd.f32 v51, v6  }
0x23b: {  	v0 =	vadd.f32 v53, v0;
	v9 =	vmul.f32 v9, v9;
	v5 =	vadd.f32 v54, v5  }
0x23c: {  	v58 =	vmul.f32 v47, v47;
	v4 =	vadd.f32 v57, v4;
	v6 =	vadd.f32 v49, v6  }
0x23d: {  	v59 =	vmul.f32 v52, v52;
	v3 =	vadd.f32 v9, v3;
	v5 =	vadd.f32 v49, v5  }
0x23e: {  	v60 =	vmul.f32 v55, v55;
	v2 =	vadd.f32 v58, v2;
	v4 =	vadd.f32 v49, v4;
	[tilespmem:$0x19700] =	vst v6  }
0x23f: {  	v61 =	vmul.f32 v56, v56;
	v1 =	vadd.f32 v59, v1;
	v3 =	vadd.f32 v49, v3;
	[tilespmem:$0x19710] =	vst v5  }
0x240: {  	v0 =	vadd.f32 v60, v0;
	v2 =	vadd.f32 v49, v2;
	[tilespmem:$0x19720] =	vst v4  }
0x241: {  	v62 =	vadd.f32 v61, v8;
	v1 =	vadd.f32 v49, v1;
	[tilespmem:$0x19730] =	vst v3  }
0x242: {  	v0 =	vadd.f32 v49, v0;
	[tilespmem:$0x19740] =	vst v2  }
0x243: {  	s1 =	sadd.s32 $0x1, s1;
	v63 =	vadd.f32 v49, v62;
	[tilespmem:$0x19750] =	vst v1  }
0x244: {  	p2 =	sne.s32 s1, s17;
	[tilespmem:$0x19760] =	vst v0  }
.Ltmp9:
0x245: {  	s0 =	simm.s32 $0x19700;
	[tilespmem:$0x19770] =	vst v63;
	(pc) =	sbr.rel @p2 .LBB2_1-.Ltmp9, $4  }
0x246: {  	[hbm4b:s16+s5] =	stream.linear.scatter [tilespmem:s0], [sflag:$0x6], $0x80, $0x38;
	[tilespmem:$0x1B070] =	vst v63  }
0x247: {  	_ =	swait.ge [sflag:s19], $0x80  }
0x248: {  	[sflag:s19] =	ssyncset.done $0x0  }
0x249: {  	[sflag:s19] =	ssyncadd.s32 $0xFFFFFF80  }
0x24a: {  	_ =	sfence.sel $0x180000  }
0x24b: {  	[bflag:$0x0] =	sbarrier.arrive $0xFFFF  }
0x24c: {  	_ =	strace $0x90000047  }
0x24d: {  	[bflag:$0x2] =	sbarrier.arrive $0xFFFF  }
0x24e: {  	s0 =	rddreg [dreg:$0x5]  }
0x24f: {  	s0 =	sadd.s32 @!p1 $0x100000, s0  }
0x250: {  	[sflag:s0] =	ssyncadd.tile.s32 @!p1 $0x1;
	_ =	shalt  }
.Lfunc_end2:
_tile_overlayer_lowered:
.L_overlay_start_2:
0x251: {  	(tag) =	ssettag $0x2  }
0x252: {  	s0 =	rddreg [dreg:$0x0];
	s2 =	stileid.u32  }
0x253: {  	s1 =	rddreg [dreg:$0x1];
	p0 =	sne.s32 s2, $0x0  }
0x254: {  	s3 =	rddreg [dreg:$0x2];
	[bflag:$0x3] =	sbarrier.arrive $0xFFFF;
	s2 =	simm.s32 @!p0 $0x1C06  }
0x255: {  	[timem:s3], [sflag:s2] =	dma.local @!p0 [hbm:s0], s1  }
0x256: {  	s0 =	simm.s32 @!p0 $0x6  }
0x257: {  	_ =	swait.ge @!p0 [sflag:s0], s1  }
0x258: {  	s1 =	ssub.s32 @!p0 $0x0, s1;
	[sflag:s0] =	ssyncset.done @!p0 $0x0  }
0x259: {  	[sflag:s0] =	ssyncadd.s32 @!p0 s1  }
0x25a: {  	[bflag:$0x3] =	sbarrier.arrive $0xFFFF  }
0x25b: {  	_ =	shalt  }

</sc_bundles>
